<compile_context>
chip_gen: v7x
topology: tpu7x:2x2x1
jax: 0.10.2.dev20260603
libtpu: 0.0.44.dev20260713+nightly
codegen_flags: <defaults>
</compile_context>

<pallas_src>
import functools

import jax
import jax.numpy as jnp
from jax import lax
from jax.experimental import pallas as pl
from jax.experimental.pallas import tpu as pltpu
from jax.experimental.pallas import tpu_sc as plsc

N = 10000
E = 320000
C = 128
NP = 10240
NC = 2
NS = 16
NW = NC * NS
CH = 128
EP = 327680
EPW = EP // NW
NCHUNK = EPW // CH
RPS = NP // NS

_mesh = plsc.VectorSubcoreMesh(core_axis_name="c", subcore_axis_name="s")

ROWBLK = 1280
GRID = NP // ROWBLK




NPAIR = NCHUNK // 2


@functools.partial(
    pl.kernel,
    out_type=jax.ShapeDtypeStruct((NC, NP, C), jnp.float32),
    mesh=_mesh,
    scratch_types=[
        pltpu.VMEM((CH,), jnp.int32),
        pltpu.VMEM((CH,), jnp.int32),
        pltpu.VMEM((CH, C), jnp.float32),
        pltpu.VMEM_SHARED((NP, C), jnp.float32),
        pltpu.SemaphoreType.DMA,
        pltpu.SemaphoreType.DMA,
    ],
)
def _deg_kernel(dst_hbm, out_hbm, didx0, didx1, ones_v, acc, isem0, isem1):
    cid = lax.axis_index("c")
    sid = lax.axis_index("s")
    wid = sid * NC + cid
    zeros = jnp.zeros((16,), jnp.float32)

    def _zero(i, carry):
        r = i // (C // 16)
        c = (i % (C // 16)) * 16
        ones_v[r, pl.ds(c, 16)] = zeros
        return carry

    lax.fori_loop(0, CH * C // 16, _zero, 0)

    def _blast(k, carry):
        pltpu.sync_copy(ones_v, acc.at[pl.ds(sid * RPS + k * CH, CH)])
        return carry

    lax.fori_loop(0, RPS // CH, _blast, 0)

    ones = jnp.ones((16,), jnp.float32)

    def _fill(i, carry):
        r = i // (C // 16)
        c = (i % (C // 16)) * 16
        ones_v[r, pl.ds(c, 16)] = ones
        return carry

    lax.fori_loop(0, CH * C // 16, _fill, 0)
    plsc.subcore_barrier()

    base = wid * EPW

    def _iload(j, buf, sem):
        pltpu.async_copy(dst_hbm.at[pl.ds(base + j * CH, CH)], buf, sem)

    def _iwait(buf, sem):
        pltpu.make_async_copy(dst_hbm.at[pl.ds(base, CH)], buf, sem).wait()

    _iload(0, didx0, isem0)
    _iload(1, didx1, isem1)

    def _pair(t, carry):
        j = 2 * t
        _iwait(didx0, isem0)
        pltpu.sync_copy(ones_v, acc.at[didx0], add=True)

        @pl.when(j + 2 < NCHUNK)
        def _():
            _iload(j + 2, didx0, isem0)

        _iwait(didx1, isem1)
        pltpu.sync_copy(ones_v, acc.at[didx1], add=True)

        @pl.when(j + 3 < NCHUNK)
        def _():
            _iload(j + 3, didx1, isem1)

        return carry

    lax.fori_loop(0, NPAIR, _pair, 0)
    plsc.subcore_barrier()

    def _out(k, carry):
        r = sid * RPS + k * CH
        pltpu.sync_copy(acc.at[pl.ds(r, CH)], ones_v)
        pltpu.sync_copy(ones_v, out_hbm.at[cid, pl.ds(r, CH)])
        return carry

    lax.fori_loop(0, RPS // CH, _out, 0)




NQUAD = NCHUNK // 4


@functools.partial(
    pl.kernel,
    out_type=jax.ShapeDtypeStruct((NC, NP, C), jnp.float32),
    mesh=_mesh,
    scratch_types=[
        pltpu.VMEM((CH,), jnp.int32),
        pltpu.VMEM((CH,), jnp.int32),
        pltpu.VMEM((CH,), jnp.int32),
        pltpu.VMEM((CH,), jnp.int32),
        pltpu.VMEM((CH,), jnp.int32),
        pltpu.VMEM((CH,), jnp.int32),
        pltpu.VMEM((CH,), jnp.int32),
        pltpu.VMEM((CH,), jnp.int32),
        pltpu.VMEM((CH, C), jnp.float32),
        pltpu.VMEM((CH, C), jnp.float32),
        pltpu.VMEM_SHARED((NP, C), jnp.float32),
        pltpu.SemaphoreType.DMA,
        pltpu.SemaphoreType.DMA,
        pltpu.SemaphoreType.DMA,
        pltpu.SemaphoreType.DMA,
        pltpu.SemaphoreType.DMA,
        pltpu.SemaphoreType.DMA,
    ],
)
def _agg_kernel(h_hbm, src_hbm, dst_hbm, out_hbm,
                sidx0, didx0, sidx1, didx1, sidx2, didx2, sidx3, didx3,
                rows0, rows1, acc,
                isem0, isem1, isem2, isem3, gsem0, gsem1):
    cid = lax.axis_index("c")
    sid = lax.axis_index("s")
    wid = sid * NC + cid
    zeros = jnp.zeros((16,), jnp.float32)

    def _zero(i, carry):
        r = i // (C // 16)
        c = (i % (C // 16)) * 16
        rows0[r, pl.ds(c, 16)] = zeros
        return carry

    lax.fori_loop(0, CH * C // 16, _zero, 0)

    def _blast(k, carry):
        pltpu.sync_copy(rows0, acc.at[pl.ds(sid * RPS + k * CH, CH)])
        return carry

    lax.fori_loop(0, RPS // CH, _blast, 0)
    plsc.subcore_barrier()

    base = wid * EPW

    def _iload(j, sbuf, dbuf, sem):
        pltpu.async_copy(src_hbm.at[pl.ds(base + j * CH, CH)], sbuf, sem)
        pltpu.async_copy(dst_hbm.at[pl.ds(base + j * CH, CH)], dbuf, sem)

    def _iwait(sbuf, dbuf, sem):
        pltpu.make_async_copy(src_hbm.at[pl.ds(base, CH)], sbuf, sem).wait()
        pltpu.make_async_copy(dst_hbm.at[pl.ds(base, CH)], dbuf, sem).wait()

    def _gwait(rows, sem):
        pltpu.make_async_copy(h_hbm.at[pl.ds(0, CH)], rows, sem).wait()

    pltpu.sync_copy(src_hbm.at[pl.ds(base, CH)], sidx0)
    pltpu.sync_copy(dst_hbm.at[pl.ds(base, CH)], didx0)
    pltpu.async_copy(h_hbm.at[sidx0], rows0, gsem0)
    _iload(1, sidx1, didx1, isem1)
    _iload(2, sidx2, didx2, isem2)
    _iload(3, sidx3, didx3, isem3)

    idx_sets = ((sidx0, didx0, isem0), (sidx1, didx1, isem1),
                (sidx2, didx2, isem2), (sidx3, didx3, isem3))
    row_sets = ((rows0, gsem0), (rows1, gsem1))

    def _quad(t, carry):
        c0 = 4 * t
        for k in range(4):
            c = c0 + k
            sA, dA, iA = idx_sets[k]
            sB, dB, iB = idx_sets[(k + 1) % 4]
            rP, gP = row_sets[k % 2]
            rQ, gQ = row_sets[(k + 1) % 2]

            @pl.when(c + 1 < NCHUNK)
            def _():
                _iwait(sB, dB, iB)
                pltpu.async_copy(h_hbm.at[sB], rQ, gQ)

            _gwait(rP, gP)
            pltpu.sync_copy(rP, acc.at[dA], add=True)

            @pl.when(c + 4 < NCHUNK)
            def _():
                _iload(c + 4, sA, dA, iA)

        return carry

    lax.fori_loop(0, NQUAD, _quad, 0)
    plsc.subcore_barrier()

    def _out(k, carry):
        r = sid * RPS + k * CH
        pltpu.sync_copy(acc.at[pl.ds(r, CH)], rows0)
        pltpu.sync_copy(rows0, out_hbm.at[cid, pl.ds(r, CH)])
        return carry

    lax.fori_loop(0, RPS // CH, _out, 0)




def _norm_from(degp):
    deg = degp[0] + degp[1]
    return lax.rsqrt(jnp.clip(deg, 1.0, None))


def _tcA_body(degp_ref, x_ref, wres_ref, bres_ref, h0_ref, res_ref):
    normc = _norm_from(degp_ref[...])
    x = x_ref[...]
    h0_ref[...] = x * normc
    res_ref[...] = (
        lax.dot_general(
            x, wres_ref[...], (((1,), (1,)), ((), ())),
            preferred_element_type=jnp.float32,
        )
        + bres_ref[...]
    )


def _tcB_body(degp_ref, p_ref, w0_ref, b0_ref, res_ref, h_ref, h1s_ref):
    normc = _norm_from(degp_ref[...])
    agg = (p_ref[0] + p_ref[1]) * normc
    conv = (
        lax.dot_general(
            agg, w0_ref[...], (((1,), (1,)), ((), ())),
            preferred_element_type=jnp.float32,
        )
        + b0_ref[...]
    )
    h = jnp.maximum(conv, 0.0) + res_ref[...]
    h_ref[...] = h
    h1s_ref[...] = h * normc


def _tcC_body(degp_ref, p_ref, w1_ref, b1_ref, h_ref, out_ref):
    normc = _norm_from(degp_ref[...])
    agg = (p_ref[0] + p_ref[1]) * normc
    conv = (
        lax.dot_general(
            agg, w1_ref[...], (((1,), (1,)), ((), ())),
            preferred_element_type=jnp.float32,
        )
        + b1_ref[...]
    )
    out_ref[...] = jnp.maximum(conv, 0.0) + h_ref[...]


_row_spec = pl.BlockSpec((ROWBLK, C), lambda i: (i, 0))
_p_spec = pl.BlockSpec((NC, ROWBLK, C), lambda i: (0, i, 0))
_w_spec = pl.BlockSpec((C, C), lambda i: (0, 0))
_b_spec = pl.BlockSpec((C,), lambda i: (0,))

_tcA = pl.pallas_call(
    _tcA_body,
    grid=(GRID,),
    in_specs=[_p_spec, _row_spec, _w_spec, _b_spec],
    out_specs=[_row_spec, _row_spec],
    out_shape=[
        jax.ShapeDtypeStruct((NP, C), jnp.float32),
        jax.ShapeDtypeStruct((NP, C), jnp.float32),
    ],
)

_tcB = pl.pallas_call(
    _tcB_body,
    grid=(GRID,),
    in_specs=[_p_spec, _p_spec, _w_spec, _b_spec, _row_spec],
    out_specs=[_row_spec, _row_spec],
    out_shape=[
        jax.ShapeDtypeStruct((NP, C), jnp.float32),
        jax.ShapeDtypeStruct((NP, C), jnp.float32),
    ],
)

_tcC = pl.pallas_call(
    _tcC_body,
    grid=(GRID,),
    in_specs=[_p_spec, _p_spec, _w_spec, _b_spec, _row_spec],
    out_specs=_row_spec,
    out_shape=jax.ShapeDtypeStruct((NP, C), jnp.float32),
)


def kernel(features, src_id, dst_id, W0, b0, W1, b1, Wres, bres):
    src = jnp.concatenate(
        [src_id.astype(jnp.int32), jnp.zeros((EP - E,), jnp.int32)])
    dst = jnp.concatenate(
        [dst_id.astype(jnp.int32), jnp.full((EP - E,), NP - 1, jnp.int32)])
    x = jnp.pad(features, ((0, NP - N), (0, 0)))

    degp = _deg_kernel(dst)
    h0, res = _tcA(degp, x, Wres, bres)
    p0 = _agg_kernel(h0, src, dst)
    h, h1s = _tcB(degp, p0, W0, b0, res)
    p1 = _agg_kernel(h1s, src, dst)
    out = _tcC(degp, p1, W1, b1, h)
    return out[:N]

# --- scband reference (transcript-rebuilt; emitter-appended) ---
"""Pipeline reference for scband-sgmodel-37666863186543 (READ-ONLY COPY).

The authoritative reference and input builder live on the scoring server;
editing this copy changes nothing except your own understanding.
"""

import jax, jax.numpy as jnp
import numpy as np

N = 10000
E = 320000
IN_C = 128
HID_C = 128


def setup_inputs(seed: int = 0) -> dict:
    key = jax.random.key(seed)
    ks = jax.random.split(key, 10)
    features = jax.random.normal(ks[0], (N, IN_C), dtype=jnp.float32)
    src_id = jax.random.randint(ks[1], (E,), 0, N)
    dst_id = jax.random.randint(ks[2], (E,), 0, N)
    # SGConv layer 0: Linear(IN_C -> HID_C)
    W0 = jax.random.normal(ks[3], (HID_C, IN_C), dtype=jnp.float32) * (1.0 / np.sqrt(IN_C))
    b0 = jnp.zeros((HID_C,), dtype=jnp.float32)
    # SGConv layer 1: Linear(HID_C -> HID_C)
    W1 = jax.random.normal(ks[4], (HID_C, HID_C), dtype=jnp.float32) * (1.0 / np.sqrt(HID_C))
    b1 = jnp.zeros((HID_C,), dtype=jnp.float32)
    # residual[0]: Linear(IN_C -> HID_C); residual[1] is Identity
    Wres = jax.random.normal(ks[5], (HID_C, IN_C), dtype=jnp.float32) * (1.0 / np.sqrt(IN_C))
    bres = jnp.zeros((HID_C,), dtype=jnp.float32)
    return {
        "features": features,
        "src_id": src_id,
        "dst_id": dst_id,
        "W0": W0, "b0": b0,
        "W1": W1, "b1": b1,
        "Wres": Wres, "bres": bres,
    }


def reference(features, src_id, dst_id, W0, b0, W1, b1, Wres, bres):
    n = features.shape[0]
    # DGL SGConv (k=1, norm='both'): symmetric normalization using in-degrees
    deg = jnp.zeros((n,), dtype=features.dtype).at[dst_id].add(1.0)
    norm = jax.lax.rsqrt(jnp.clip(deg, 1.0, None))

    def sgconv(x, W, b):
        h = x * norm[:, None]
        agg = jnp.zeros_like(h).at[dst_id].add(h[src_id])
        h = agg * norm[:, None]
        return h @ W.T + b

    # layer 0: relu(conv(x)) + Linear residual
    h = jax.nn.relu(sgconv(features, W0, b0)) + (features @ Wres.T + bres)
    # layer 1: relu(conv(h)) + Identity residual
    h = jax.nn.relu(sgconv(h, W1, b1)) + h
    return h

if __name__ == "__main__":
    import jax
    _d = setup_inputs()
    print(jax.jit(kernel)(*tuple(_d.values())))

</pallas_src>

<mosaic_0001>
#map = affine_map<(d0, d1) -> (0)>
#map1 = affine_map<(d0, d1) -> (0, 0, 0)>
module attributes {stable_mosaic.version = 14 : i64} {
  func.func @_deg_kernel(%arg0: i32, %arg1: i32, %arg2: memref<327680xi32, #tpu.memory_space<hbm>>, %arg3: memref<2x10240x128xf32, #tpu.memory_space<hbm>>, %arg4: memref<128xi32, #tpu.memory_space<vmem>>, %arg5: memref<128xi32, #tpu.memory_space<vmem>>, %arg6: memref<128x128xf32, #tpu.memory_space<vmem>>, %arg7: memref<10240x128xf32, #tpu.memory_space<vmem_shared>>, %arg8: memref<!tpu.dma_semaphore, #tpu.memory_space<semaphore_mem>>, %arg9: memref<!tpu.dma_semaphore, #tpu.memory_space<semaphore_mem>>) attributes {dimension_semantics = [#tpu.dimension_semantics<core_parallel>, #tpu.dimension_semantics<subcore_parallel>], iteration_bounds = array<i64: 2, 16>, scalar_prefetch = 0 : i64, scratch_operands = 6 : i64, tpu.core_type = #tpu.core_type<sc_vector_subcore>, window_params = [{transform_indices = #map}, {transform_indices = #map1}]} {
    %mul3A = arith.constant 2 : i32
    %mul3A_0 = arith.muli %arg1, %mul3A : i32
    %add3A = arith.addi %mul3A_0, %arg0 : i32
    %broadcast_in_dim3A = arith.constant 0.000000e+00 : f32
    %broadcast_in_dim3A_1 = vector.broadcast %broadcast_in_dim3A : f32 to vector<16xf32>
    %scan3A = arith.constant 0 : i32
    %scan3A_2 = arith.constant 0 : i32
    %scan3A_3 = arith.constant 1024 : i32
    %scan3A_4 = arith.addi %scan3A_2, %scan3A_3 : i32
    %scan3A_5 = arith.constant 1 : i32
    scf.for %scan3A_43 = %scan3A_2 to %scan3A_4 step %scan3A_5  : i32 {
      %jit3A = arith.constant 8 : i32
      %div3A = arith.divsi %scan3A_43, %jit3A : i32
      %sign3A = arith.constant 0 : i32
      %sign3A_44 = arith.cmpi sgt, %scan3A_43, %sign3A : i32
      %sign3A_45 = arith.extui %sign3A_44 : i1 to i32
      %sign3A_46 = arith.constant 0 : i32
      %sign3A_47 = arith.cmpi slt, %scan3A_43, %sign3A_46 : i32
      %sign3A_48 = arith.extui %sign3A_47 : i1 to i32
      %sign3A_49 = arith.subi %sign3A_45, %sign3A_48 : i32
      %sign3A_50 = arith.constant 0 : i32
      %sign3A_51 = arith.cmpi sgt, %jit3A, %sign3A_50 : i32
      %sign3A_52 = arith.extui %sign3A_51 : i1 to i32
      %sign3A_53 = arith.constant 0 : i32
      %sign3A_54 = arith.cmpi slt, %jit3A, %sign3A_53 : i32
      %sign3A_55 = arith.extui %sign3A_54 : i1 to i32
      %sign3A_56 = arith.subi %sign3A_52, %sign3A_55 : i32
      %ne3A = arith.cmpi ne, %sign3A_49, %sign3A_56 : i32
      %rem3A = arith.remsi %scan3A_43, %jit3A : i32
      %ne3A_57 = arith.constant 0 : i32
      %ne3A_58 = arith.cmpi ne, %rem3A, %ne3A_57 : i32
      %and3A = arith.andi %ne3A, %ne3A_58 : i1
      %sub3A = arith.constant 1 : i32
      %sub3A_59 = arith.subi %div3A, %sub3A : i32
      %select_n3A = arith.select %and3A, %sub3A_59, %div3A : i32
      %jit3A_60 = arith.constant 8 : i32
      %eq3A = arith.constant 0 : i32
      %eq3A_61 = arith.cmpi eq, %jit3A_60, %eq3A : i32
      %jit3A_62 = arith.constant 1 : i32
      %select_n3A_63 = arith.select %eq3A_61, %jit3A_62, %jit3A_60 : i32
      %rem3A_64 = arith.remsi %scan3A_43, %select_n3A_63 : i32
      %ne3A_65 = arith.constant 0 : i32
      %ne3A_66 = arith.cmpi ne, %rem3A_64, %ne3A_65 : i32
      %lt3A = arith.constant 0 : i32
      %lt3A_67 = arith.cmpi slt, %rem3A_64, %lt3A : i32
      %lt3A_68 = arith.constant 0 : i32
      %lt3A_69 = arith.cmpi slt, %select_n3A_63, %lt3A_68 : i32
      %ne3A_70 = arith.xori %lt3A_67, %lt3A_69 : i1
      %and3A_71 = arith.andi %ne3A_70, %ne3A_66 : i1
      %add3A_72 = arith.addi %rem3A_64, %select_n3A_63 : i32
      %select_n3A_73 = arith.select %and3A_71, %add3A_72, %rem3A_64 : i32
      %mul3A_74 = arith.constant 16 : i32
      %mul3A_75 = arith.muli %select_n3A_73, %mul3A_74 : i32
      %swap3A = arith.index_cast %select_n3A : i32 to index
      %swap3A_76 = arith.index_cast %mul3A_75 : i32 to index
      %swap3A_77 = tpu.vector_load %arg6[%swap3A, %swap3A_76] {strides = array<i32>} : memref<128x128xf32, #tpu.memory_space<vmem>>, vector<1x16xf32>,
      %swap3A_78 = vector.shape_cast %swap3A_77 : vector<1x16xf32> to vector<16xf32>
      %swap3A_79 = vector.shape_cast %broadcast_in_dim3A_1 : vector<16xf32> to vector<1x16xf32>
      tpu.vector_store %arg6[%swap3A, %swap3A_76], %swap3A_79 {strides = array<i32>} : memref<128x128xf32, #tpu.memory_space<vmem>>, vector<1x16xf32>,
    }
    %scan3A_6 = arith.constant 1024 : i32
    %scan3A_7 = arith.constant 0 : i32
    %scan3A_8 = arith.constant 0 : i32
    %scan3A_9 = arith.constant 5 : i32
    %scan3A_10 = arith.addi %scan3A_8, %scan3A_9 : i32
    %scan3A_11 = arith.constant 1 : i32
    scf.for %scan3A_43 = %scan3A_8 to %scan3A_10 step %scan3A_11  : i32 {
      %mul3A_44 = arith.constant 640 : i32
      %mul3A_45 = arith.muli %arg1, %mul3A_44 : i32
      %mul3A_46 = arith.constant 128 : i32
      %mul3A_47 = arith.muli %scan3A_43, %mul3A_46 : i32
      %add3A_48 = arith.addi %mul3A_45, %mul3A_47 : i32
      "tpu.region"() ({
        %run_scoped3A = tpu.sem_alloc : memref<!tpu.dma_semaphore, #tpu.memory_space<semaphore_mem>>
        %dma_start3A_49 = arith.constant 0 : i32
        %dma_start3A_50 = tpu.memref_slice %arg7[%add3A_48, %dma_start3A_49] : memref<10240x128xf32, #tpu.memory_space<vmem_shared>> -> memref<128x128xf32, #tpu.memory_space<vmem_shared>>
        %dma_start3A_51 = arith.constant 0 : i32
        %dma_start3A_52 = tpu.memref_slice %arg7[%add3A_48, %dma_start3A_51] : memref<10240x128xf32, #tpu.memory_space<vmem_shared>> -> memref<128x128xf32, #tpu.memory_space<vmem_shared>>
        tpu.enqueue_dma source(%arg6 : memref<128x128xf32, #tpu.memory_space<vmem>>) target(%dma_start3A_52 : memref<128x128xf32, #tpu.memory_space<vmem_shared>>) target_semaphore(%run_scoped3A : memref<!tpu.dma_semaphore, #tpu.memory_space<semaphore_mem>>)
        %dma_wait3A = arith.constant 0 : i32
        %dma_wait3A_53 = tpu.memref_slice %arg7[%add3A_48, %dma_wait3A] : memref<10240x128xf32, #tpu.memory_space<vmem_shared>> -> memref<128x128xf32, #tpu.memory_space<vmem_shared>>
        %dma_wait3A_54 = arith.constant 0 : i32
        %dma_wait3A_55 = tpu.memref_slice %arg7[%add3A_48, %dma_wait3A_54] : memref<10240x128xf32, #tpu.memory_space<vmem_shared>> -> memref<128x128xf32, #tpu.memory_space<vmem_shared>>
        tpu.wait_dma2 semaphore(%run_scoped3A : memref<!tpu.dma_semaphore, #tpu.memory_space<semaphore_mem>>) src(%arg6 : memref<128x128xf32, #tpu.memory_space<vmem>>) dst(%dma_wait3A_55 : memref<128x128xf32, #tpu.memory_space<vmem_shared>>)
        tpu.yield
      }) : () -> ()
    }
    %scan3A_12 = arith.constant 5 : i32
    %broadcast_in_dim3A_13 = arith.constant 1.000000e+00 : f32
    %broadcast_in_dim3A_14 = vector.broadcast %broadcast_in_dim3A_13 : f32 to vector<16xf32>
    %scan3A_15 = arith.constant 0 : i32
    %scan3A_16 = arith.constant 0 : i32
    %scan3A_17 = arith.constant 1024 : i32
    %scan3A_18 = arith.addi %scan3A_16, %scan3A_17 : i32
    %scan3A_19 = arith.constant 1 : i32
    scf.for %scan3A_43 = %scan3A_16 to %scan3A_18 step %scan3A_19  : i32 {
      %jit3A = arith.constant 8 : i32
      %div3A = arith.divsi %scan3A_43, %jit3A : i32
      %sign3A = arith.constant 0 : i32
      %sign3A_44 = arith.cmpi sgt, %scan3A_43, %sign3A : i32
      %sign3A_45 = arith.extui %sign3A_44 : i1 to i32
      %sign3A_46 = arith.constant 0 : i32
      %sign3A_47 = arith.cmpi slt, %scan3A_43, %sign3A_46 : i32
      %sign3A_48 = arith.extui %sign3A_47 : i1 to i32
      %sign3A_49 = arith.subi %sign3A_45, %sign3A_48 : i32
      %sign3A_50 = arith.constant 0 : i32
      %sign3A_51 = arith.cmpi sgt, %jit3A, %sign3A_50 : i32
      %sign3A_52 = arith.extui %sign3A_51 : i1 to i32
      %sign3A_53 = arith.constant 0 : i32
      %sign3A_54 = arith.cmpi slt, %jit3A, %sign3A_53 : i32
      %sign3A_55 = arith.extui %sign3A_54 : i1 to i32
      %sign3A_56 = arith.subi %sign3A_52, %sign3A_55 : i32
      %ne3A = arith.cmpi ne, %sign3A_49, %sign3A_56 : i32
      %rem3A = arith.remsi %scan3A_43, %jit3A : i32
      %ne3A_57 = arith.constant 0 : i32
      %ne3A_58 = arith.cmpi ne, %rem3A, %ne3A_57 : i32
      %and3A = arith.andi %ne3A, %ne3A_58 : i1
      %sub3A = arith.constant 1 : i32
      %sub3A_59 = arith.subi %div3A, %sub3A : i32
      %select_n3A = arith.select %and3A, %sub3A_59, %div3A : i32
      %jit3A_60 = arith.constant 8 : i32
      %eq3A = arith.constant 0 : i32
      %eq3A_61 = arith.cmpi eq, %jit3A_60, %eq3A : i32
      %jit3A_62 = arith.constant 1 : i32
      %select_n3A_63 = arith.select %eq3A_61, %jit3A_62, %jit3A_60 : i32
      %rem3A_64 = arith.remsi %scan3A_43, %select_n3A_63 : i32
      %ne3A_65 = arith.constant 0 : i32
      %ne3A_66 = arith.cmpi ne, %rem3A_64, %ne3A_65 : i32
      %lt3A = arith.constant 0 : i32
      %lt3A_67 = arith.cmpi slt, %rem3A_64, %lt3A : i32
      %lt3A_68 = arith.constant 0 : i32
      %lt3A_69 = arith.cmpi slt, %select_n3A_63, %lt3A_68 : i32
      %ne3A_70 = arith.xori %lt3A_67, %lt3A_69 : i1
      %and3A_71 = arith.andi %ne3A_70, %ne3A_66 : i1
      %add3A_72 = arith.addi %rem3A_64, %select_n3A_63 : i32
      %select_n3A_73 = arith.select %and3A_71, %add3A_72, %rem3A_64 : i32
      %mul3A_74 = arith.constant 16 : i32
      %mul3A_75 = arith.muli %select_n3A_73, %mul3A_74 : i32
      %swap3A = arith.index_cast %select_n3A : i32 to index
      %swap3A_76 = arith.index_cast %mul3A_75 : i32 to index
      %swap3A_77 = tpu.vector_load %arg6[%swap3A, %swap3A_76] {strides = array<i32>} : memref<128x128xf32, #tpu.memory_space<vmem>>, vector<1x16xf32>,
      %swap3A_78 = vector.shape_cast %swap3A_77 : vector<1x16xf32> to vector<16xf32>
      %swap3A_79 = vector.shape_cast %broadcast_in_dim3A_14 : vector<16xf32> to vector<1x16xf32>
      tpu.vector_store %arg6[%swap3A, %swap3A_76], %swap3A_79 {strides = array<i32>} : memref<128x128xf32, #tpu.memory_space<vmem>>, vector<1x16xf32>,
    }
    %scan3A_20 = arith.constant 1024 : i32
    %barrier3A = arith.constant 0 : index
    tpu.barrier barrier_id(%barrier3A)
    %mul3A_21 = arith.constant 10240 : i32
    %mul3A_22 = arith.muli %add3A, %mul3A_21 : i32
    %add3A_23 = arith.constant 0 : i32
    %add3A_24 = arith.addi %mul3A_22, %add3A_23 : i32
    %dma_start3A = tpu.memref_slice %arg2[%add3A_24] : memref<327680xi32, #tpu.memory_space<hbm>> -> memref<128xi32, #tpu.memory_space<hbm>>
    %dma_start3A_25 = tpu.memref_slice %arg2[%add3A_24] : memref<327680xi32, #tpu.memory_space<hbm>> -> memref<128xi32, #tpu.memory_space<hbm>>
    tpu.enqueue_dma source(%dma_start3A_25 : memref<128xi32, #tpu.memory_space<hbm>>) target(%arg4 : memref<128xi32, #tpu.memory_space<vmem>>) target_semaphore(%arg8 : memref<!tpu.dma_semaphore, #tpu.memory_space<semaphore_mem>>)
    %add3A_26 = arith.constant 128 : i32
    %add3A_27 = arith.addi %mul3A_22, %add3A_26 : i32
    %dma_start3A_28 = tpu.memref_slice %arg2[%add3A_27] : memref<327680xi32, #tpu.memory_space<hbm>> -> memref<128xi32, #tpu.memory_space<hbm>>
    %dma_start3A_29 = tpu.memref_slice %arg2[%add3A_27] : memref<327680xi32, #tpu.memory_space<hbm>> -> memref<128xi32, #tpu.memory_space<hbm>>
    tpu.enqueue_dma source(%dma_start3A_29 : memref<128xi32, #tpu.memory_space<hbm>>) target(%arg5 : memref<128xi32, #tpu.memory_space<vmem>>) target_semaphore(%arg9 : memref<!tpu.dma_semaphore, #tpu.memory_space<semaphore_mem>>)
    %scan3A_30 = arith.constant 0 : i32
    %scan3A_31 = arith.constant 0 : i32
    %scan3A_32 = arith.constant 40 : i32
    %scan3A_33 = arith.addi %scan3A_31, %scan3A_32 : i32
    %scan3A_34 = arith.constant 1 : i32
    scf.for %scan3A_43 = %scan3A_31 to %scan3A_33 step %scan3A_34  : i32 {
      %mul3A_44 = arith.constant 2 : i32
      %mul3A_45 = arith.muli %mul3A_44, %scan3A_43 : i32
      %dma_wait3A = tpu.memref_slice %arg2[%mul3A_22] : memref<327680xi32, #tpu.memory_space<hbm>> -> memref<128xi32, #tpu.memory_space<hbm>>
      %dma_wait3A_46 = tpu.memref_slice %arg2[%mul3A_22] : memref<327680xi32, #tpu.memory_space<hbm>> -> memref<128xi32, #tpu.memory_space<hbm>>
      tpu.wait_dma2 semaphore(%arg8 : memref<!tpu.dma_semaphore, #tpu.memory_space<semaphore_mem>>) src(%dma_wait3A_46 : memref<128xi32, #tpu.memory_space<hbm>>) dst(%arg4 : memref<128xi32, #tpu.memory_space<vmem>>)
      "tpu.region"() ({
        %run_scoped3A = tpu.sem_alloc : memref<!tpu.dma_semaphore, #tpu.memory_space<semaphore_mem>>
        %dma_start3A_60 = arith.constant 0 : i32
        %dma_start3A_61 = arith.constant 0 : i32
        %dma_start3A_62 = tpu.memref_slice %arg7[%dma_start3A_60, %dma_start3A_61] : memref<10240x128xf32, #tpu.memory_space<vmem_shared>> -> memref<10240x128xf32, #tpu.memory_space<vmem_shared>>
        tpu.enqueue_indirect_dma source(%arg6 : memref<128x128xf32, #tpu.memory_space<vmem>>) target(%dma_start3A_62 : memref<10240x128xf32, #tpu.memory_space<vmem_shared>>) offsets(%arg4 : memref<128xi32, #tpu.memory_space<vmem>>) semaphore(%run_scoped3A : memref<!tpu.dma_semaphore, #tpu.memory_space<semaphore_mem>>) {add = true}
        %dma_wait3A_63 = arith.constant 0 : i32
        %dma_wait3A_64 = arith.constant 0 : i32
        %dma_wait3A_65 = tpu.memref_slice %arg7[%dma_wait3A_63, %dma_wait3A_64] : memref<10240x128xf32, #tpu.memory_space<vmem_shared>> -> memref<10240x128xf32, #tpu.memory_space<vmem_shared>>
        tpu.wait_indirect_dma semaphore(%run_scoped3A : memref<!tpu.dma_semaphore, #tpu.memory_space<semaphore_mem>>) src(%arg6 : memref<128x128xf32, #tpu.memory_space<vmem>>) dst(%dma_wait3A_65 : memref<10240x128xf32, #tpu.memory_space<vmem_shared>>)
        tpu.yield
      }) : () -> ()
      %add3A_47 = arith.constant 2 : i32
      %add3A_48 = arith.addi %mul3A_45, %add3A_47 : i32
      %lt3A = arith.constant 80 : i32
      %lt3A_49 = arith.cmpi slt, %add3A_48, %lt3A : i32
      %convert_element_type3A = arith.extui %lt3A_49 : i1 to i32
      %cond3A = arith.constant 0 : i32
      %cond3A_50 = arith.cmpi ne, %convert_element_type3A, %cond3A : i32
      scf.if %cond3A_50 {
        %add3A_60 = arith.constant 2 : i32
        %add3A_61 = arith.addi %mul3A_45, %add3A_60 : i32
        %mul3A_62 = arith.constant 128 : i32
        %mul3A_63 = arith.muli %add3A_61, %mul3A_62 : i32
        %add3A_64 = arith.addi %mul3A_22, %mul3A_63 : i32
        %dma_start3A_65 = tpu.memref_slice %arg2[%add3A_64] : memref<327680xi32, #tpu.memory_space<hbm>> -> memref<128xi32, #tpu.memory_space<hbm>>
        %dma_start3A_66 = tpu.memref_slice %arg2[%add3A_64] : memref<327680xi32, #tpu.memory_space<hbm>> -> memref<128xi32, #tpu.memory_space<hbm>>
        tpu.enqueue_dma source(%dma_start3A_66 : memref<128xi32, #tpu.memory_space<hbm>>) target(%arg4 : memref<128xi32, #tpu.memory_space<vmem>>) target_semaphore(%arg8 : memref<!tpu.dma_semaphore, #tpu.memory_space<semaphore_mem>>)
      } else {
      }
      %dma_wait3A_51 = tpu.memref_slice %arg2[%mul3A_22] : memref<327680xi32, #tpu.memory_space<hbm>> -> memref<128xi32, #tpu.memory_space<hbm>>
      %dma_wait3A_52 = tpu.memref_slice %arg2[%mul3A_22] : memref<327680xi32, #tpu.memory_space<hbm>> -> memref<128xi32, #tpu.memory_space<hbm>>
      tpu.wait_dma2 semaphore(%arg9 : memref<!tpu.dma_semaphore, #tpu.memory_space<semaphore_mem>>) src(%dma_wait3A_52 : memref<128xi32, #tpu.memory_space<hbm>>) dst(%arg5 : memref<128xi32, #tpu.memory_space<vmem>>)
      "tpu.region"() ({
        %run_scoped3A = tpu.sem_alloc : memref<!tpu.dma_semaphore, #tpu.memory_space<semaphore_mem>>
        %dma_start3A_60 = arith.constant 0 : i32
        %dma_start3A_61 = arith.constant 0 : i32
        %dma_start3A_62 = tpu.memref_slice %arg7[%dma_start3A_60, %dma_start3A_61] : memref<10240x128xf32, #tpu.memory_space<vmem_shared>> -> memref<10240x128xf32, #tpu.memory_space<vmem_shared>>
        tpu.enqueue_indirect_dma source(%arg6 : memref<128x128xf32, #tpu.memory_space<vmem>>) target(%dma_start3A_62 : memref<10240x128xf32, #tpu.memory_space<vmem_shared>>) offsets(%arg5 : memref<128xi32, #tpu.memory_space<vmem>>) semaphore(%run_scoped3A : memref<!tpu.dma_semaphore, #tpu.memory_space<semaphore_mem>>) {add = true}
        %dma_wait3A_63 = arith.constant 0 : i32
        %dma_wait3A_64 = arith.constant 0 : i32
        %dma_wait3A_65 = tpu.memref_slice %arg7[%dma_wait3A_63, %dma_wait3A_64] : memref<10240x128xf32, #tpu.memory_space<vmem_shared>> -> memref<10240x128xf32, #tpu.memory_space<vmem_shared>>
        tpu.wait_indirect_dma semaphore(%run_scoped3A : memref<!tpu.dma_semaphore, #tpu.memory_space<semaphore_mem>>) src(%arg6 : memref<128x128xf32, #tpu.memory_space<vmem>>) dst(%dma_wait3A_65 : memref<10240x128xf32, #tpu.memory_space<vmem_shared>>)
        tpu.yield
      }) : () -> ()
      %add3A_53 = arith.constant 3 : i32
      %add3A_54 = arith.addi %mul3A_45, %add3A_53 : i32
      %lt3A_55 = arith.constant 80 : i32
      %lt3A_56 = arith.cmpi slt, %add3A_54, %lt3A_55 : i32
      %convert_element_type3A_57 = arith.extui %lt3A_56 : i1 to i32
      %cond3A_58 = arith.constant 0 : i32
      %cond3A_59 = arith.cmpi ne, %convert_element_type3A_57, %cond3A_58 : i32
      scf.if %cond3A_59 {
        %add3A_60 = arith.constant 3 : i32
        %add3A_61 = arith.addi %mul3A_45, %add3A_60 : i32
        %mul3A_62 = arith.constant 128 : i32
        %mul3A_63 = arith.muli %add3A_61, %mul3A_62 : i32
        %add3A_64 = arith.addi %mul3A_22, %mul3A_63 : i32
        %dma_start3A_65 = tpu.memref_slice %arg2[%add3A_64] : memref<327680xi32, #tpu.memory_space<hbm>> -> memref<128xi32, #tpu.memory_space<hbm>>
        %dma_start3A_66 = tpu.memref_slice %arg2[%add3A_64] : memref<327680xi32, #tpu.memory_space<hbm>> -> memref<128xi32, #tpu.memory_space<hbm>>
        tpu.enqueue_dma source(%dma_start3A_66 : memref<128xi32, #tpu.memory_space<hbm>>) target(%arg5 : memref<128xi32, #tpu.memory_space<vmem>>) target_semaphore(%arg9 : memref<!tpu.dma_semaphore, #tpu.memory_space<semaphore_mem>>)
      } else {
      }
    }
    %scan3A_35 = arith.constant 40 : i32
    %barrier3A_36 = arith.constant 0 : index
    tpu.barrier barrier_id(%barrier3A_36)
    %scan3A_37 = arith.constant 0 : i32
    %scan3A_38 = arith.constant 0 : i32
    %scan3A_39 = arith.constant 5 : i32
    %scan3A_40 = arith.addi %scan3A_38, %scan3A_39 : i32
    %scan3A_41 = arith.constant 1 : i32
    scf.for %scan3A_43 = %scan3A_38 to %scan3A_40 step %scan3A_41  : i32 {
      %mul3A_44 = arith.constant 640 : i32
      %mul3A_45 = arith.muli %arg1, %mul3A_44 : i32
      %mul3A_46 = arith.constant 128 : i32
      %mul3A_47 = arith.muli %scan3A_43, %mul3A_46 : i32
      %add3A_48 = arith.addi %mul3A_45, %mul3A_47 : i32
      "tpu.region"() ({
        %run_scoped3A = tpu.sem_alloc : memref<!tpu.dma_semaphore, #tpu.memory_space<semaphore_mem>>
        %dma_start3A_49 = arith.constant 0 : i32
        %dma_start3A_50 = tpu.memref_slice %arg7[%add3A_48, %dma_start3A_49] : memref<10240x128xf32, #tpu.memory_space<vmem_shared>> -> memref<128x128xf32, #tpu.memory_space<vmem_shared>>
        %dma_start3A_51 = arith.constant 0 : i32
        %dma_start3A_52 = tpu.memref_slice %arg7[%add3A_48, %dma_start3A_51] : memref<10240x128xf32, #tpu.memory_space<vmem_shared>> -> memref<128x128xf32, #tpu.memory_space<vmem_shared>>
        tpu.enqueue_dma source(%dma_start3A_52 : memref<128x128xf32, #tpu.memory_space<vmem_shared>>) target(%arg6 : memref<128x128xf32, #tpu.memory_space<vmem>>) target_semaphore(%run_scoped3A : memref<!tpu.dma_semaphore, #tpu.memory_space<semaphore_mem>>)
        %dma_wait3A = arith.constant 0 : i32
        %dma_wait3A_53 = tpu.memref_slice %arg7[%add3A_48, %dma_wait3A] : memref<10240x128xf32, #tpu.memory_space<vmem_shared>> -> memref<128x128xf32, #tpu.memory_space<vmem_shared>>
        %dma_wait3A_54 = arith.constant 0 : i32
        %dma_wait3A_55 = tpu.memref_slice %arg7[%add3A_48, %dma_wait3A_54] : memref<10240x128xf32, #tpu.memory_space<vmem_shared>> -> memref<128x128xf32, #tpu.memory_space<vmem_shared>>
        tpu.wait_dma2 semaphore(%run_scoped3A : memref<!tpu.dma_semaphore, #tpu.memory_space<semaphore_mem>>) src(%dma_wait3A_55 : memref<128x128xf32, #tpu.memory_space<vmem_shared>>) dst(%arg6 : memref<128x128xf32, #tpu.memory_space<vmem>>)
        tpu.yield
      }) : () -> ()
      "tpu.region"() ({
        %run_scoped3A = tpu.sem_alloc : memref<!tpu.dma_semaphore, #tpu.memory_space<semaphore_mem>>
        %dma_start3A_49 = arith.constant 0 : i32
        %dma_start3A_50 = tpu.memref_slice %arg3[%arg0, %add3A_48, %dma_start3A_49] : memref<2x10240x128xf32, #tpu.memory_space<hbm>> -> memref<1x128x128xf32, #tpu.memory_space<hbm>>
        %dma_start3A_51 = tpu.memref_squeeze %dma_start3A_50 : memref<1x128x128xf32, #tpu.memory_space<hbm>> -> memref<128x128xf32, #tpu.memory_space<hbm>>
        %dma_start3A_52 = arith.constant 0 : i32
        %dma_start3A_53 = tpu.memref_slice %arg3[%arg0, %add3A_48, %dma_start3A_52] : memref<2x10240x128xf32, #tpu.memory_space<hbm>> -> memref<1x128x128xf32, #tpu.memory_space<hbm>>
        %dma_start3A_54 = tpu.memref_squeeze %dma_start3A_53 : memref<1x128x128xf32, #tpu.memory_space<hbm>> -> memref<128x128xf32, #tpu.memory_space<hbm>>
        tpu.enqueue_dma source(%arg6 : memref<128x128xf32, #tpu.memory_space<vmem>>) target(%dma_start3A_54 : memref<128x128xf32, #tpu.memory_space<hbm>>) target_semaphore(%run_scoped3A : memref<!tpu.dma_semaphore, #tpu.memory_space<semaphore_mem>>)
        %dma_wait3A = arith.constant 0 : i32
        %dma_wait3A_55 = tpu.memref_slice %arg3[%arg0, %add3A_48, %dma_wait3A] : memref<2x10240x128xf32, #tpu.memory_space<hbm>> -> memref<1x128x128xf32, #tpu.memory_space<hbm>>
        %dma_wait3A_56 = tpu.memref_squeeze %dma_wait3A_55 : memref<1x128x128xf32, #tpu.memory_space<hbm>> -> memref<128x128xf32, #tpu.memory_space<hbm>>
        %dma_wait3A_57 = arith.constant 0 : i32
        %dma_wait3A_58 = tpu.memref_slice %arg3[%arg0, %add3A_48, %dma_wait3A_57] : memref<2x10240x128xf32, #tpu.memory_space<hbm>> -> memref<1x128x128xf32, #tpu.memory_space<hbm>>
        %dma_wait3A_59 = tpu.memref_squeeze %dma_wait3A_58 : memref<1x128x128xf32, #tpu.memory_space<hbm>> -> memref<128x128xf32, #tpu.memory_space<hbm>>
        tpu.wait_dma2 semaphore(%run_scoped3A : memref<!tpu.dma_semaphore, #tpu.memory_space<semaphore_mem>>) src(%arg6 : memref<128x128xf32, #tpu.memory_space<vmem>>) dst(%dma_wait3A_59 : memref<128x128xf32, #tpu.memory_space<hbm>>)
        tpu.yield
      }) : () -> ()
    }
    %scan3A_42 = arith.constant 5 : i32
    return
  }
}

#map = affine_map<(d0, d1) -> (0, 0)>
#map1 = affine_map<(d0, d1) -> (0)>
#map2 = affine_map<(d0, d1) -> (0, 0, 0)>
module attributes {stable_mosaic.version = 14 : i64} {
  func.func @_agg_kernel(%arg0: i32, %arg1: i32, %arg2: memref<10240x128xf32, #tpu.memory_space<hbm>>, %arg3: memref<327680xi32, #tpu.memory_space<hbm>>, %arg4: memref<327680xi32, #tpu.memory_space<hbm>>, %arg5: memref<2x10240x128xf32, #tpu.memory_space<hbm>>, %arg6: memref<128xi32, #tpu.memory_space<vmem>>, %arg7: memref<128xi32, #tpu.memory_space<vmem>>, %arg8: memref<128xi32, #tpu.memory_space<vmem>>, %arg9: memref<128xi32, #tpu.memory_space<vmem>>, %arg10: memref<128xi32, #tpu.memory_space<vmem>>, %arg11: memref<128xi32, #tpu.memory_space<vmem>>, %arg12: memref<128xi32, #tpu.memory_space<vmem>>, %arg13: memref<128xi32, #tpu.memory_space<vmem>>, %arg14: memref<128x128xf32, #tpu.memory_space<vmem>>, %arg15: memref<128x128xf32, #tpu.memory_space<vmem>>, %arg16: memref<10240x128xf32, #tpu.memory_space<vmem_shared>>, %arg17: memref<!tpu.dma_semaphore, #tpu.memory_space<semaphore_mem>>, %arg18: memref<!tpu.dma_semaphore, #tpu.memory_space<semaphore_mem>>, %arg19: memref<!tpu.dma_semaphore, #tpu.memory_space<semaphore_mem>>, %arg20: memref<!tpu.dma_semaphore, #tpu.memory_space<semaphore_mem>>, %arg21: memref<!tpu.dma_semaphore, #tpu.memory_space<semaphore_mem>>, %arg22: memref<!tpu.dma_semaphore, #tpu.memory_space<semaphore_mem>>) attributes {dimension_semantics = [#tpu.dimension_semantics<core_parallel>, #tpu.dimension_semantics<subcore_parallel>], iteration_bounds = array<i64: 2, 16>, scalar_prefetch = 0 : i64, scratch_operands = 17 : i64, tpu.core_type = #tpu.core_type<sc_vector_subcore>, window_params = [{transform_indices = #map}, {transform_indices = #map1}, {transform_indices = #map1}, {transform_indices = #map2}]} {
    %mul3A = arith.constant 2 : i32
    %mul3A_0 = arith.muli %arg1, %mul3A : i32
    %add3A = arith.addi %mul3A_0, %arg0 : i32
    %broadcast_in_dim3A = arith.constant 0.000000e+00 : f32
    %broadcast_in_dim3A_1 = vector.broadcast %broadcast_in_dim3A : f32 to vector<16xf32>
    %scan3A = arith.constant 0 : i32
    %scan3A_2 = arith.constant 0 : i32
    %scan3A_3 = arith.constant 1024 : i32
    %scan3A_4 = arith.addi %scan3A_2, %scan3A_3 : i32
    %scan3A_5 = arith.constant 1 : i32
    scf.for %scan3A_54 = %scan3A_2 to %scan3A_4 step %scan3A_5  : i32 {
      %jit3A = arith.constant 8 : i32
      %div3A = arith.divsi %scan3A_54, %jit3A : i32
      %sign3A = arith.constant 0 : i32
      %sign3A_55 = arith.cmpi sgt, %scan3A_54, %sign3A : i32
      %sign3A_56 = arith.extui %sign3A_55 : i1 to i32
      %sign3A_57 = arith.constant 0 : i32
      %sign3A_58 = arith.cmpi slt, %scan3A_54, %sign3A_57 : i32
      %sign3A_59 = arith.extui %sign3A_58 : i1 to i32
      %sign3A_60 = arith.subi %sign3A_56, %sign3A_59 : i32
      %sign3A_61 = arith.constant 0 : i32
      %sign3A_62 = arith.cmpi sgt, %jit3A, %sign3A_61 : i32
      %sign3A_63 = arith.extui %sign3A_62 : i1 to i32
      %sign3A_64 = arith.constant 0 : i32
      %sign3A_65 = arith.cmpi slt, %jit3A, %sign3A_64 : i32
      %sign3A_66 = arith.extui %sign3A_65 : i1 to i32
      %sign3A_67 = arith.subi %sign3A_63, %sign3A_66 : i32
      %ne3A = arith.cmpi ne, %sign3A_60, %sign3A_67 : i32
      %rem3A = arith.remsi %scan3A_54, %jit3A : i32
      %ne3A_68 = arith.constant 0 : i32
      %ne3A_69 = arith.cmpi ne, %rem3A, %ne3A_68 : i32
      %and3A = arith.andi %ne3A, %ne3A_69 : i1
      %sub3A = arith.constant 1 : i32
      %sub3A_70 = arith.subi %div3A, %sub3A : i32
      %select_n3A = arith.select %and3A, %sub3A_70, %div3A : i32
      %jit3A_71 = arith.constant 8 : i32
      %eq3A = arith.constant 0 : i32
      %eq3A_72 = arith.cmpi eq, %jit3A_71, %eq3A : i32
      %jit3A_73 = arith.constant 1 : i32
      %select_n3A_74 = arith.select %eq3A_72, %jit3A_73, %jit3A_71 : i32
      %rem3A_75 = arith.remsi %scan3A_54, %select_n3A_74 : i32
      %ne3A_76 = arith.constant 0 : i32
      %ne3A_77 = arith.cmpi ne, %rem3A_75, %ne3A_76 : i32
      %lt3A = arith.constant 0 : i32
      %lt3A_78 = arith.cmpi slt, %rem3A_75, %lt3A : i32
      %lt3A_79 = arith.constant 0 : i32
      %lt3A_80 = arith.cmpi slt, %select_n3A_74, %lt3A_79 : i32
      %ne3A_81 = arith.xori %lt3A_78, %lt3A_80 : i1
      %and3A_82 = arith.andi %ne3A_81, %ne3A_77 : i1
      %add3A_83 = arith.addi %rem3A_75, %select_n3A_74 : i32
      %select_n3A_84 = arith.select %and3A_82, %add3A_83, %rem3A_75 : i32
      %mul3A_85 = arith.constant 16 : i32
      %mul3A_86 = arith.muli %select_n3A_84, %mul3A_85 : i32
      %swap3A = arith.index_cast %select_n3A : i32 to index
      %swap3A_87 = arith.index_cast %mul3A_86 : i32 to index
      %swap3A_88 = tpu.vector_load %arg14[%swap3A, %swap3A_87] {strides = array<i32>} : memref<128x128xf32, #tpu.memory_space<vmem>>, vector<1x16xf32>,
      %swap3A_89 = vector.shape_cast %swap3A_88 : vector<1x16xf32> to vector<16xf32>
      %swap3A_90 = vector.shape_cast %broadcast_in_dim3A_1 : vector<16xf32> to vector<1x16xf32>
      tpu.vector_store %arg14[%swap3A, %swap3A_87], %swap3A_90 {strides = array<i32>} : memref<128x128xf32, #tpu.memory_space<vmem>>, vector<1x16xf32>,
    }
    %scan3A_6 = arith.constant 1024 : i32
    %scan3A_7 = arith.constant 0 : i32
    %scan3A_8 = arith.constant 0 : i32
    %scan3A_9 = arith.constant 5 : i32
    %scan3A_10 = arith.addi %scan3A_8, %scan3A_9 : i32
    %scan3A_11 = arith.constant 1 : i32
    scf.for %scan3A_54 = %scan3A_8 to %scan3A_10 step %scan3A_11  : i32 {
      %mul3A_55 = arith.constant 640 : i32
      %mul3A_56 = arith.muli %arg1, %mul3A_55 : i32
      %mul3A_57 = arith.constant 128 : i32
      %mul3A_58 = arith.muli %scan3A_54, %mul3A_57 : i32
      %add3A_59 = arith.addi %mul3A_56, %mul3A_58 : i32
      "tpu.region"() ({
        %run_scoped3A = tpu.sem_alloc : memref<!tpu.dma_semaphore, #tpu.memory_space<semaphore_mem>>
        %dma_start3A_60 = arith.constant 0 : i32
        %dma_start3A_61 = tpu.memref_slice %arg16[%add3A_59, %dma_start3A_60] : memref<10240x128xf32, #tpu.memory_space<vmem_shared>> -> memref<128x128xf32, #tpu.memory_space<vmem_shared>>
        %dma_start3A_62 = arith.constant 0 : i32
        %dma_start3A_63 = tpu.memref_slice %arg16[%add3A_59, %dma_start3A_62] : memref<10240x128xf32, #tpu.memory_space<vmem_shared>> -> memref<128x128xf32, #tpu.memory_space<vmem_shared>>
        tpu.enqueue_dma source(%arg14 : memref<128x128xf32, #tpu.memory_space<vmem>>) target(%dma_start3A_63 : memref<128x128xf32, #tpu.memory_space<vmem_shared>>) target_semaphore(%run_scoped3A : memref<!tpu.dma_semaphore, #tpu.memory_space<semaphore_mem>>)
        %dma_wait3A = arith.constant 0 : i32
        %dma_wait3A_64 = tpu.memref_slice %arg16[%add3A_59, %dma_wait3A] : memref<10240x128xf32, #tpu.memory_space<vmem_shared>> -> memref<128x128xf32, #tpu.memory_space<vmem_shared>>
        %dma_wait3A_65 = arith.constant 0 : i32
        %dma_wait3A_66 = tpu.memref_slice %arg16[%add3A_59, %dma_wait3A_65] : memref<10240x128xf32, #tpu.memory_space<vmem_shared>> -> memref<128x128xf32, #tpu.memory_space<vmem_shared>>
        tpu.wait_dma2 semaphore(%run_scoped3A : memref<!tpu.dma_semaphore, #tpu.memory_space<semaphore_mem>>) src(%arg14 : memref<128x128xf32, #tpu.memory_space<vmem>>) dst(%dma_wait3A_66 : memref<128x128xf32, #tpu.memory_space<vmem_shared>>)
        tpu.yield
      }) : () -> ()
    }
    %scan3A_12 = arith.constant 5 : i32
    %barrier3A = arith.constant 0 : index
    tpu.barrier barrier_id(%barrier3A)
    %mul3A_13 = arith.constant 10240 : i32
    %mul3A_14 = arith.muli %add3A, %mul3A_13 : i32
    "tpu.region"() ({
      %run_scoped3A = tpu.sem_alloc : memref<!tpu.dma_semaphore, #tpu.memory_space<semaphore_mem>>
      %dma_start3A_54 = tpu.memref_slice %arg3[%mul3A_14] : memref<327680xi32, #tpu.memory_space<hbm>> -> memref<128xi32, #tpu.memory_space<hbm>>
      %dma_start3A_55 = tpu.memref_slice %arg3[%mul3A_14] : memref<327680xi32, #tpu.memory_space<hbm>> -> memref<128xi32, #tpu.memory_space<hbm>>
      tpu.enqueue_dma source(%dma_start3A_55 : memref<128xi32, #tpu.memory_space<hbm>>) target(%arg6 : memref<128xi32, #tpu.memory_space<vmem>>) target_semaphore(%run_scoped3A : memref<!tpu.dma_semaphore, #tpu.memory_space<semaphore_mem>>)
      %dma_wait3A = tpu.memref_slice %arg3[%mul3A_14] : memref<327680xi32, #tpu.memory_space<hbm>> -> memref<128xi32, #tpu.memory_space<hbm>>
      %dma_wait3A_56 = tpu.memref_slice %arg3[%mul3A_14] : memref<327680xi32, #tpu.memory_space<hbm>> -> memref<128xi32, #tpu.memory_space<hbm>>
      tpu.wait_dma2 semaphore(%run_scoped3A : memref<!tpu.dma_semaphore, #tpu.memory_space<semaphore_mem>>) src(%dma_wait3A_56 : memref<128xi32, #tpu.memory_space<hbm>>) dst(%arg6 : memref<128xi32, #tpu.memory_space<vmem>>)
      tpu.yield
    }) : () -> ()
    "tpu.region"() ({
      %run_scoped3A = tpu.sem_alloc : memref<!tpu.dma_semaphore, #tpu.memory_space<semaphore_mem>>
      %dma_start3A_54 = tpu.memref_slice %arg4[%mul3A_14] : memref<327680xi32, #tpu.memory_space<hbm>> -> memref<128xi32, #tpu.memory_space<hbm>>
      %dma_start3A_55 = tpu.memref_slice %arg4[%mul3A_14] : memref<327680xi32, #tpu.memory_space<hbm>> -> memref<128xi32, #tpu.memory_space<hbm>>
      tpu.enqueue_dma source(%dma_start3A_55 : memref<128xi32, #tpu.memory_space<hbm>>) target(%arg7 : memref<128xi32, #tpu.memory_space<vmem>>) target_semaphore(%run_scoped3A : memref<!tpu.dma_semaphore, #tpu.memory_space<semaphore_mem>>)
      %dma_wait3A = tpu.memref_slice %arg4[%mul3A_14] : memref<327680xi32, #tpu.memory_space<hbm>> -> memref<128xi32, #tpu.memory_space<hbm>>
      %dma_wait3A_56 = tpu.memref_slice %arg4[%mul3A_14] : memref<327680xi32, #tpu.memory_space<hbm>> -> memref<128xi32, #tpu.memory_space<hbm>>
      tpu.wait_dma2 semaphore(%run_scoped3A : memref<!tpu.dma_semaphore, #tpu.memory_space<semaphore_mem>>) src(%dma_wait3A_56 : memref<128xi32, #tpu.memory_space<hbm>>) dst(%arg7 : memref<128xi32, #tpu.memory_space<vmem>>)
      tpu.yield
    }) : () -> ()
    %dma_start3A = arith.constant 0 : i32
    %dma_start3A_15 = arith.constant 0 : i32
    %dma_start3A_16 = tpu.memref_slice %arg2[%dma_start3A, %dma_start3A_15] : memref<10240x128xf32, #tpu.memory_space<hbm>> -> memref<10240x128xf32, #tpu.memory_space<hbm>>
    tpu.enqueue_indirect_dma source(%dma_start3A_16 : memref<10240x128xf32, #tpu.memory_space<hbm>>) target(%arg14 : memref<128x128xf32, #tpu.memory_space<vmem>>) offsets(%arg6 : memref<128xi32, #tpu.memory_space<vmem>>) semaphore(%arg21 : memref<!tpu.dma_semaphore, #tpu.memory_space<semaphore_mem>>)
    %add3A_17 = arith.constant 128 : i32
    %add3A_18 = arith.addi %mul3A_14, %add3A_17 : i32
    %dma_start3A_19 = tpu.memref_slice %arg3[%add3A_18] : memref<327680xi32, #tpu.memory_space<hbm>> -> memref<128xi32, #tpu.memory_space<hbm>>
    %dma_start3A_20 = tpu.memref_slice %arg3[%add3A_18] : memref<327680xi32, #tpu.memory_space<hbm>> -> memref<128xi32, #tpu.memory_space<hbm>>
    tpu.enqueue_dma source(%dma_start3A_20 : memref<128xi32, #tpu.memory_space<hbm>>) target(%arg8 : memref<128xi32, #tpu.memory_space<vmem>>) target_semaphore(%arg18 : memref<!tpu.dma_semaphore, #tpu.memory_space<semaphore_mem>>)
    %add3A_21 = arith.constant 128 : i32
    %add3A_22 = arith.addi %mul3A_14, %add3A_21 : i32
    %dma_start3A_23 = tpu.memref_slice %arg4[%add3A_22] : memref<327680xi32, #tpu.memory_space<hbm>> -> memref<128xi32, #tpu.memory_space<hbm>>
    %dma_start3A_24 = tpu.memref_slice %arg4[%add3A_22] : memref<327680xi32, #tpu.memory_space<hbm>> -> memref<128xi32, #tpu.memory_space<hbm>>
    tpu.enqueue_dma source(%dma_start3A_24 : memref<128xi32, #tpu.memory_space<hbm>>) target(%arg9 : memref<128xi32, #tpu.memory_space<vmem>>) target_semaphore(%arg18 : memref<!tpu.dma_semaphore, #tpu.memory_space<semaphore_mem>>)
    %add3A_25 = arith.constant 256 : i32
    %add3A_26 = arith.addi %mul3A_14, %add3A_25 : i32
    %dma_start3A_27 = tpu.memref_slice %arg3[%add3A_26] : memref<327680xi32, #tpu.memory_space<hbm>> -> memref<128xi32, #tpu.memory_space<hbm>>
    %dma_start3A_28 = tpu.memref_slice %arg3[%add3A_26] : memref<327680xi32, #tpu.memory_space<hbm>> -> memref<128xi32, #tpu.memory_space<hbm>>
    tpu.enqueue_dma source(%dma_start3A_28 : memref<128xi32, #tpu.memory_space<hbm>>) target(%arg10 : memref<128xi32, #tpu.memory_space<vmem>>) target_semaphore(%arg19 : memref<!tpu.dma_semaphore, #tpu.memory_space<semaphore_mem>>)
    %add3A_29 = arith.constant 256 : i32
    %add3A_30 = arith.addi %mul3A_14, %add3A_29 : i32
    %dma_start3A_31 = tpu.memref_slice %arg4[%add3A_30] : memref<327680xi32, #tpu.memory_space<hbm>> -> memref<128xi32, #tpu.memory_space<hbm>>
    %dma_start3A_32 = tpu.memref_slice %arg4[%add3A_30] : memref<327680xi32, #tpu.memory_space<hbm>> -> memref<128xi32, #tpu.memory_space<hbm>>
    tpu.enqueue_dma source(%dma_start3A_32 : memref<128xi32, #tpu.memory_space<hbm>>) target(%arg11 : memref<128xi32, #tpu.memory_space<vmem>>) target_semaphore(%arg19 : memref<!tpu.dma_semaphore, #tpu.memory_space<semaphore_mem>>)
    %add3A_33 = arith.constant 384 : i32
    %add3A_34 = arith.addi %mul3A_14, %add3A_33 : i32
    %dma_start3A_35 = tpu.memref_slice %arg3[%add3A_34] : memref<327680xi32, #tpu.memory_space<hbm>> -> memref<128xi32, #tpu.memory_space<hbm>>
    %dma_start3A_36 = tpu.memref_slice %arg3[%add3A_34] : memref<327680xi32, #tpu.memory_space<hbm>> -> memref<128xi32, #tpu.memory_space<hbm>>
    tpu.enqueue_dma source(%dma_start3A_36 : memref<128xi32, #tpu.memory_space<hbm>>) target(%arg12 : memref<128xi32, #tpu.memory_space<vmem>>) target_semaphore(%arg20 : memref<!tpu.dma_semaphore, #tpu.memory_space<semaphore_mem>>)
    %add3A_37 = arith.constant 384 : i32
    %add3A_38 = arith.addi %mul3A_14, %add3A_37 : i32
    %dma_start3A_39 = tpu.memref_slice %arg4[%add3A_38] : memref<327680xi32, #tpu.memory_space<hbm>> -> memref<128xi32, #tpu.memory_space<hbm>>
    %dma_start3A_40 = tpu.memref_slice %arg4[%add3A_38] : memref<327680xi32, #tpu.memory_space<hbm>> -> memref<128xi32, #tpu.memory_space<hbm>>
    tpu.enqueue_dma source(%dma_start3A_40 : memref<128xi32, #tpu.memory_space<hbm>>) target(%arg13 : memref<128xi32, #tpu.memory_space<vmem>>) target_semaphore(%arg20 : memref<!tpu.dma_semaphore, #tpu.memory_space<semaphore_mem>>)
    %scan3A_41 = arith.constant 0 : i32
    %scan3A_42 = arith.constant 0 : i32
    %scan3A_43 = arith.constant 20 : i32
    %scan3A_44 = arith.addi %scan3A_42, %scan3A_43 : i32
    %scan3A_45 = arith.constant 1 : i32
    scf.for %scan3A_54 = %scan3A_42 to %scan3A_44 step %scan3A_45  : i32 {
      %mul3A_55 = arith.constant 4 : i32
      %mul3A_56 = arith.muli %mul3A_55, %scan3A_54 : i32
      %add3A_57 = arith.constant 0 : i32
      %add3A_58 = arith.addi %mul3A_56, %add3A_57 : i32
      %add3A_59 = arith.constant 1 : i32
      %add3A_60 = arith.addi %add3A_58, %add3A_59 : i32
      %lt3A = arith.constant 80 : i32
      %lt3A_61 = arith.cmpi slt, %add3A_60, %lt3A : i32
      %convert_element_type3A = arith.extui %lt3A_61 : i1 to i32
      %cond3A = arith.constant 0 : i32
      %cond3A_62 = arith.cmpi ne, %convert_element_type3A, %cond3A : i32
      scf.if %cond3A_62 {
        %dma_wait3A_141 = tpu.memref_slice %arg3[%mul3A_14] : memref<327680xi32, #tpu.memory_space<hbm>> -> memref<128xi32, #tpu.memory_space<hbm>>
        %dma_wait3A_142 = tpu.memref_slice %arg3[%mul3A_14] : memref<327680xi32, #tpu.memory_space<hbm>> -> memref<128xi32, #tpu.memory_space<hbm>>
        tpu.wait_dma2 semaphore(%arg18 : memref<!tpu.dma_semaphore, #tpu.memory_space<semaphore_mem>>) src(%dma_wait3A_142 : memref<128xi32, #tpu.memory_space<hbm>>) dst(%arg8 : memref<128xi32, #tpu.memory_space<vmem>>)
        %dma_wait3A_143 = tpu.memref_slice %arg4[%mul3A_14] : memref<327680xi32, #tpu.memory_space<hbm>> -> memref<128xi32, #tpu.memory_space<hbm>>
        %dma_wait3A_144 = tpu.memref_slice %arg4[%mul3A_14] : memref<327680xi32, #tpu.memory_space<hbm>> -> memref<128xi32, #tpu.memory_space<hbm>>
        tpu.wait_dma2 semaphore(%arg18 : memref<!tpu.dma_semaphore, #tpu.memory_space<semaphore_mem>>) src(%dma_wait3A_144 : memref<128xi32, #tpu.memory_space<hbm>>) dst(%arg9 : memref<128xi32, #tpu.memory_space<vmem>>)
        %dma_start3A_145 = arith.constant 0 : i32
        %dma_start3A_146 = arith.constant 0 : i32
        %dma_start3A_147 = tpu.memref_slice %arg2[%dma_start3A_145, %dma_start3A_146] : memref<10240x128xf32, #tpu.memory_space<hbm>> -> memref<10240x128xf32, #tpu.memory_space<hbm>>
        tpu.enqueue_indirect_dma source(%dma_start3A_147 : memref<10240x128xf32, #tpu.memory_space<hbm>>) target(%arg15 : memref<128x128xf32, #tpu.memory_space<vmem>>) offsets(%arg8 : memref<128xi32, #tpu.memory_space<vmem>>) semaphore(%arg22 : memref<!tpu.dma_semaphore, #tpu.memory_space<semaphore_mem>>)
      } else {
      }
      %dma_wait3A = arith.constant 0 : i32
      %dma_wait3A_63 = arith.constant 0 : i32
      %dma_wait3A_64 = tpu.memref_slice %arg2[%dma_wait3A, %dma_wait3A_63] : memref<10240x128xf32, #tpu.memory_space<hbm>> -> memref<128x128xf32, #tpu.memory_space<hbm>>
      %dma_wait3A_65 = arith.constant 0 : i32
      %dma_wait3A_66 = arith.constant 0 : i32
      %dma_wait3A_67 = tpu.memref_slice %arg2[%dma_wait3A_65, %dma_wait3A_66] : memref<10240x128xf32, #tpu.memory_space<hbm>> -> memref<128x128xf32, #tpu.memory_space<hbm>>
      tpu.wait_dma2 semaphore(%arg21 : memref<!tpu.dma_semaphore, #tpu.memory_space<semaphore_mem>>) src(%dma_wait3A_67 : memref<128x128xf32, #tpu.memory_space<hbm>>) dst(%arg14 : memref<128x128xf32, #tpu.memory_space<vmem>>)
      "tpu.region"() ({
        %run_scoped3A = tpu.sem_alloc : memref<!tpu.dma_semaphore, #tpu.memory_space<semaphore_mem>>
        %dma_start3A_141 = arith.constant 0 : i32
        %dma_start3A_142 = arith.constant 0 : i32
        %dma_start3A_143 = tpu.memref_slice %arg16[%dma_start3A_141, %dma_start3A_142] : memref<10240x128xf32, #tpu.memory_space<vmem_shared>> -> memref<10240x128xf32, #tpu.memory_space<vmem_shared>>
        tpu.enqueue_indirect_dma source(%arg14 : memref<128x128xf32, #tpu.memory_space<vmem>>) target(%dma_start3A_143 : memref<10240x128xf32, #tpu.memory_space<vmem_shared>>) offsets(%arg7 : memref<128xi32, #tpu.memory_space<vmem>>) semaphore(%run_scoped3A : memref<!tpu.dma_semaphore, #tpu.memory_space<semaphore_mem>>) {add = true}
        %dma_wait3A_144 = arith.constant 0 : i32
        %dma_wait3A_145 = arith.constant 0 : i32
        %dma_wait3A_146 = tpu.memref_slice %arg16[%dma_wait3A_144, %dma_wait3A_145] : memref<10240x128xf32, #tpu.memory_space<vmem_shared>> -> memref<10240x128xf32, #tpu.memory_space<vmem_shared>>
        tpu.wait_indirect_dma semaphore(%run_scoped3A : memref<!tpu.dma_semaphore, #tpu.memory_space<semaphore_mem>>) src(%arg14 : memref<128x128xf32, #tpu.memory_space<vmem>>) dst(%dma_wait3A_146 : memref<10240x128xf32, #tpu.memory_space<vmem_shared>>)
        tpu.yield
      }) : () -> ()
      %add3A_68 = arith.constant 4 : i32
      %add3A_69 = arith.addi %add3A_58, %add3A_68 : i32
      %lt3A_70 = arith.constant 80 : i32
      %lt3A_71 = arith.cmpi slt, %add3A_69, %lt3A_70 : i32
      %convert_element_type3A_72 = arith.extui %lt3A_71 : i1 to i32
      %cond3A_73 = arith.constant 0 : i32
      %cond3A_74 = arith.cmpi ne, %convert_element_type3A_72, %cond3A_73 : i32
      scf.if %cond3A_74 {
        %add3A_141 = arith.constant 4 : i32
        %add3A_142 = arith.addi %add3A_58, %add3A_141 : i32
        %mul3A_143 = arith.constant 128 : i32
        %mul3A_144 = arith.muli %add3A_142, %mul3A_143 : i32
        %add3A_145 = arith.addi %mul3A_14, %mul3A_144 : i32
        %dma_start3A_146 = tpu.memref_slice %arg3[%add3A_145] : memref<327680xi32, #tpu.memory_space<hbm>> -> memref<128xi32, #tpu.memory_space<hbm>>
        %dma_start3A_147 = tpu.memref_slice %arg3[%add3A_145] : memref<327680xi32, #tpu.memory_space<hbm>> -> memref<128xi32, #tpu.memory_space<hbm>>
        tpu.enqueue_dma source(%dma_start3A_147 : memref<128xi32, #tpu.memory_space<hbm>>) target(%arg6 : memref<128xi32, #tpu.memory_space<vmem>>) target_semaphore(%arg17 : memref<!tpu.dma_semaphore, #tpu.memory_space<semaphore_mem>>)
        %mul3A_148 = arith.constant 128 : i32
        %mul3A_149 = arith.muli %add3A_142, %mul3A_148 : i32
        %add3A_150 = arith.addi %mul3A_14, %mul3A_149 : i32
        %dma_start3A_151 = tpu.memref_slice %arg4[%add3A_150] : memref<327680xi32, #tpu.memory_space<hbm>> -> memref<128xi32, #tpu.memory_space<hbm>>
        %dma_start3A_152 = tpu.memref_slice %arg4[%add3A_150] : memref<327680xi32, #tpu.memory_space<hbm>> -> memref<128xi32, #tpu.memory_space<hbm>>
        tpu.enqueue_dma source(%dma_start3A_152 : memref<128xi32, #tpu.memory_space<hbm>>) target(%arg7 : memref<128xi32, #tpu.memory_space<vmem>>) target_semaphore(%arg17 : memref<!tpu.dma_semaphore, #tpu.memory_space<semaphore_mem>>)
      } else {
      }
      %add3A_75 = arith.constant 1 : i32
      %add3A_76 = arith.addi %mul3A_56, %add3A_75 : i32
      %add3A_77 = arith.constant 1 : i32
      %add3A_78 = arith.addi %add3A_76, %add3A_77 : i32
      %lt3A_79 = arith.constant 80 : i32
      %lt3A_80 = arith.cmpi slt, %add3A_78, %lt3A_79 : i32
      %convert_element_type3A_81 = arith.extui %lt3A_80 : i1 to i32
      %cond3A_82 = arith.constant 0 : i32
      %cond3A_83 = arith.cmpi ne, %convert_element_type3A_81, %cond3A_82 : i32
      scf.if %cond3A_83 {
        %dma_wait3A_141 = tpu.memref_slice %arg3[%mul3A_14] : memref<327680xi32, #tpu.memory_space<hbm>> -> memref<128xi32, #tpu.memory_space<hbm>>
        %dma_wait3A_142 = tpu.memref_slice %arg3[%mul3A_14] : memref<327680xi32, #tpu.memory_space<hbm>> -> memref<128xi32, #tpu.memory_space<hbm>>
        tpu.wait_dma2 semaphore(%arg19 : memref<!tpu.dma_semaphore, #tpu.memory_space<semaphore_mem>>) src(%dma_wait3A_142 : memref<128xi32, #tpu.memory_space<hbm>>) dst(%arg10 : memref<128xi32, #tpu.memory_space<vmem>>)
        %dma_wait3A_143 = tpu.memref_slice %arg4[%mul3A_14] : memref<327680xi32, #tpu.memory_space<hbm>> -> memref<128xi32, #tpu.memory_space<hbm>>
        %dma_wait3A_144 = tpu.memref_slice %arg4[%mul3A_14] : memref<327680xi32, #tpu.memory_space<hbm>> -> memref<128xi32, #tpu.memory_space<hbm>>
        tpu.wait_dma2 semaphore(%arg19 : memref<!tpu.dma_semaphore, #tpu.memory_space<semaphore_mem>>) src(%dma_wait3A_144 : memref<128xi32, #tpu.memory_space<hbm>>) dst(%arg11 : memref<128xi32, #tpu.memory_space<vmem>>)
        %dma_start3A_145 = arith.constant 0 : i32
        %dma_start3A_146 = arith.constant 0 : i32
        %dma_start3A_147 = tpu.memref_slice %arg2[%dma_start3A_145, %dma_start3A_146] : memref<10240x128xf32, #tpu.memory_space<hbm>> -> memref<10240x128xf32, #tpu.memory_space<hbm>>
        tpu.enqueue_indirect_dma source(%dma_start3A_147 : memref<10240x128xf32, #tpu.memory_space<hbm>>) target(%arg14 : memref<128x128xf32, #tpu.memory_space<vmem>>) offsets(%arg10 : memref<128xi32, #tpu.memory_space<vmem>>) semaphore(%arg21 : memref<!tpu.dma_semaphore, #tpu.memory_space<semaphore_mem>>)
      } else {
      }
      %dma_wait3A_84 = arith.constant 0 : i32
      %dma_wait3A_85 = arith.constant 0 : i32
      %dma_wait3A_86 = tpu.memref_slice %arg2[%dma_wait3A_84, %dma_wait3A_85] : memref<10240x128xf32, #tpu.memory_space<hbm>> -> memref<128x128xf32, #tpu.memory_space<hbm>>
      %dma_wait3A_87 = arith.constant 0 : i32
      %dma_wait3A_88 = arith.constant 0 : i32
      %dma_wait3A_89 = tpu.memref_slice %arg2[%dma_wait3A_87, %dma_wait3A_88] : memref<10240x128xf32, #tpu.memory_space<hbm>> -> memref<128x128xf32, #tpu.memory_space<hbm>>
      tpu.wait_dma2 semaphore(%arg22 : memref<!tpu.dma_semaphore, #tpu.memory_space<semaphore_mem>>) src(%dma_wait3A_89 : memref<128x128xf32, #tpu.memory_space<hbm>>) dst(%arg15 : memref<128x128xf32, #tpu.memory_space<vmem>>)
      "tpu.region"() ({
        %run_scoped3A = tpu.sem_alloc : memref<!tpu.dma_semaphore, #tpu.memory_space<semaphore_mem>>
        %dma_start3A_141 = arith.constant 0 : i32
        %dma_start3A_142 = arith.constant 0 : i32
        %dma_start3A_143 = tpu.memref_slice %arg16[%dma_start3A_141, %dma_start3A_142] : memref<10240x128xf32, #tpu.memory_space<vmem_shared>> -> memref<10240x128xf32, #tpu.memory_space<vmem_shared>>
        tpu.enqueue_indirect_dma source(%arg15 : memref<128x128xf32, #tpu.memory_space<vmem>>) target(%dma_start3A_143 : memref<10240x128xf32, #tpu.memory_space<vmem_shared>>) offsets(%arg9 : memref<128xi32, #tpu.memory_space<vmem>>) semaphore(%run_scoped3A : memref<!tpu.dma_semaphore, #tpu.memory_space<semaphore_mem>>) {add = true}
        %dma_wait3A_144 = arith.constant 0 : i32
        %dma_wait3A_145 = arith.constant 0 : i32
        %dma_wait3A_146 = tpu.memref_slice %arg16[%dma_wait3A_144, %dma_wait3A_145] : memref<10240x128xf32, #tpu.memory_space<vmem_shared>> -> memref<10240x128xf32, #tpu.memory_space<vmem_shared>>
        tpu.wait_indirect_dma semaphore(%run_scoped3A : memref<!tpu.dma_semaphore, #tpu.memory_space<semaphore_mem>>) src(%arg15 : memref<128x128xf32, #tpu.memory_space<vmem>>) dst(%dma_wait3A_146 : memref<10240x128xf32, #tpu.memory_space<vmem_shared>>)
        tpu.yield
      }) : () -> ()
      %add3A_90 = arith.constant 4 : i32
      %add3A_91 = arith.addi %add3A_76, %add3A_90 : i32
      %lt3A_92 = arith.constant 80 : i32
      %lt3A_93 = arith.cmpi slt, %add3A_91, %lt3A_92 : i32
      %convert_element_type3A_94 = arith.extui %lt3A_93 : i1 to i32
      %cond3A_95 = arith.constant 0 : i32
      %cond3A_96 = arith.cmpi ne, %convert_element_type3A_94, %cond3A_95 : i32
      scf.if %cond3A_96 {
        %add3A_141 = arith.constant 4 : i32
        %add3A_142 = arith.addi %add3A_76, %add3A_141 : i32
        %mul3A_143 = arith.constant 128 : i32
        %mul3A_144 = arith.muli %add3A_142, %mul3A_143 : i32
        %add3A_145 = arith.addi %mul3A_14, %mul3A_144 : i32
        %dma_start3A_146 = tpu.memref_slice %arg3[%add3A_145] : memref<327680xi32, #tpu.memory_space<hbm>> -> memref<128xi32, #tpu.memory_space<hbm>>
        %dma_start3A_147 = tpu.memref_slice %arg3[%add3A_145] : memref<327680xi32, #tpu.memory_space<hbm>> -> memref<128xi32, #tpu.memory_space<hbm>>
        tpu.enqueue_dma source(%dma_start3A_147 : memref<128xi32, #tpu.memory_space<hbm>>) target(%arg8 : memref<128xi32, #tpu.memory_space<vmem>>) target_semaphore(%arg18 : memref<!tpu.dma_semaphore, #tpu.memory_space<semaphore_mem>>)
        %mul3A_148 = arith.constant 128 : i32
        %mul3A_149 = arith.muli %add3A_142, %mul3A_148 : i32
        %add3A_150 = arith.addi %mul3A_14, %mul3A_149 : i32
        %dma_start3A_151 = tpu.memref_slice %arg4[%add3A_150] : memref<327680xi32, #tpu.memory_space<hbm>> -> memref<128xi32, #tpu.memory_space<hbm>>
        %dma_start3A_152 = tpu.memref_slice %arg4[%add3A_150] : memref<327680xi32, #tpu.memory_space<hbm>> -> memref<128xi32, #tpu.memory_space<hbm>>
        tpu.enqueue_dma source(%dma_start3A_152 : memref<128xi32, #tpu.memory_space<hbm>>) target(%arg9 : memref<128xi32, #tpu.memory_space<vmem>>) target_semaphore(%arg18 : memref<!tpu.dma_semaphore, #tpu.memory_space<semaphore_mem>>)
      } else {
      }
      %add3A_97 = arith.constant 2 : i32
      %add3A_98 = arith.addi %mul3A_56, %add3A_97 : i32
      %add3A_99 = arith.constant 1 : i32
      %add3A_100 = arith.addi %add3A_98, %add3A_99 : i32
      %lt3A_101 = arith.constant 80 : i32
      %lt3A_102 = arith.cmpi slt, %add3A_100, %lt3A_101 : i32
      %convert_element_type3A_103 = arith.extui %lt3A_102 : i1 to i32
      %cond3A_104 = arith.constant 0 : i32
      %cond3A_105 = arith.cmpi ne, %convert_element_type3A_103, %cond3A_104 : i32
      scf.if %cond3A_105 {
        %dma_wait3A_141 = tpu.memref_slice %arg3[%mul3A_14] : memref<327680xi32, #tpu.memory_space<hbm>> -> memref<128xi32, #tpu.memory_space<hbm>>
        %dma_wait3A_142 = tpu.memref_slice %arg3[%mul3A_14] : memref<327680xi32, #tpu.memory_space<hbm>> -> memref<128xi32, #tpu.memory_space<hbm>>
        tpu.wait_dma2 semaphore(%arg20 : memref<!tpu.dma_semaphore, #tpu.memory_space<semaphore_mem>>) src(%dma_wait3A_142 : memref<128xi32, #tpu.memory_space<hbm>>) dst(%arg12 : memref<128xi32, #tpu.memory_space<vmem>>)
        %dma_wait3A_143 = tpu.memref_slice %arg4[%mul3A_14] : memref<327680xi32, #tpu.memory_space<hbm>> -> memref<128xi32, #tpu.memory_space<hbm>>
        %dma_wait3A_144 = tpu.memref_slice %arg4[%mul3A_14] : memref<327680xi32, #tpu.memory_space<hbm>> -> memref<128xi32, #tpu.memory_space<hbm>>
        tpu.wait_dma2 semaphore(%arg20 : memref<!tpu.dma_semaphore, #tpu.memory_space<semaphore_mem>>) src(%dma_wait3A_144 : memref<128xi32, #tpu.memory_space<hbm>>) dst(%arg13 : memref<128xi32, #tpu.memory_space<vmem>>)
        %dma_start3A_145 = arith.constant 0 : i32
        %dma_start3A_146 = arith.constant 0 : i32
        %dma_start3A_147 = tpu.memref_slice %arg2[%dma_start3A_145, %dma_start3A_146] : memref<10240x128xf32, #tpu.memory_space<hbm>> -> memref<10240x128xf32, #tpu.memory_space<hbm>>
        tpu.enqueue_indirect_dma source(%dma_start3A_147 : memref<10240x128xf32, #tpu.memory_space<hbm>>) target(%arg15 : memref<128x128xf32, #tpu.memory_space<vmem>>) offsets(%arg12 : memref<128xi32, #tpu.memory_space<vmem>>) semaphore(%arg22 : memref<!tpu.dma_semaphore, #tpu.memory_space<semaphore_mem>>)
      } else {
      }
      %dma_wait3A_106 = arith.constant 0 : i32
      %dma_wait3A_107 = arith.constant 0 : i32
      %dma_wait3A_108 = tpu.memref_slice %arg2[%dma_wait3A_106, %dma_wait3A_107] : memref<10240x128xf32, #tpu.memory_space<hbm>> -> memref<128x128xf32, #tpu.memory_space<hbm>>
      %dma_wait3A_109 = arith.constant 0 : i32
      %dma_wait3A_110 = arith.constant 0 : i32
      %dma_wait3A_111 = tpu.memref_slice %arg2[%dma_wait3A_109, %dma_wait3A_110] : memref<10240x128xf32, #tpu.memory_space<hbm>> -> memref<128x128xf32, #tpu.memory_space<hbm>>
      tpu.wait_dma2 semaphore(%arg21 : memref<!tpu.dma_semaphore, #tpu.memory_space<semaphore_mem>>) src(%dma_wait3A_111 : memref<128x128xf32, #tpu.memory_space<hbm>>) dst(%arg14 : memref<128x128xf32, #tpu.memory_space<vmem>>)
      "tpu.region"() ({
        %run_scoped3A = tpu.sem_alloc : memref<!tpu.dma_semaphore, #tpu.memory_space<semaphore_mem>>
        %dma_start3A_141 = arith.constant 0 : i32
        %dma_start3A_142 = arith.constant 0 : i32
        %dma_start3A_143 = tpu.memref_slice %arg16[%dma_start3A_141, %dma_start3A_142] : memref<10240x128xf32, #tpu.memory_space<vmem_shared>> -> memref<10240x128xf32, #tpu.memory_space<vmem_shared>>
        tpu.enqueue_indirect_dma source(%arg14 : memref<128x128xf32, #tpu.memory_space<vmem>>) target(%dma_start3A_143 : memref<10240x128xf32, #tpu.memory_space<vmem_shared>>) offsets(%arg11 : memref<128xi32, #tpu.memory_space<vmem>>) semaphore(%run_scoped3A : memref<!tpu.dma_semaphore, #tpu.memory_space<semaphore_mem>>) {add = true}
        %dma_wait3A_144 = arith.constant 0 : i32
        %dma_wait3A_145 = arith.constant 0 : i32
        %dma_wait3A_146 = tpu.memref_slice %arg16[%dma_wait3A_144, %dma_wait3A_145] : memref<10240x128xf32, #tpu.memory_space<vmem_shared>> -> memref<10240x128xf32, #tpu.memory_space<vmem_shared>>
        tpu.wait_indirect_dma semaphore(%run_scoped3A : memref<!tpu.dma_semaphore, #tpu.memory_space<semaphore_mem>>) src(%arg14 : memref<128x128xf32, #tpu.memory_space<vmem>>) dst(%dma_wait3A_146 : memref<10240x128xf32, #tpu.memory_space<vmem_shared>>)
        tpu.yield
      }) : () -> ()
      %add3A_112 = arith.constant 4 : i32
      %add3A_113 = arith.addi %add3A_98, %add3A_112 : i32
      %lt3A_114 = arith.constant 80 : i32
      %lt3A_115 = arith.cmpi slt, %add3A_113, %lt3A_114 : i32
      %convert_element_type3A_116 = arith.extui %lt3A_115 : i1 to i32
      %cond3A_117 = arith.constant 0 : i32
      %cond3A_118 = arith.cmpi ne, %convert_element_type3A_116, %cond3A_117 : i32
      scf.if %cond3A_118 {
        %add3A_141 = arith.constant 4 : i32
        %add3A_142 = arith.addi %add3A_98, %add3A_141 : i32
        %mul3A_143 = arith.constant 128 : i32
        %mul3A_144 = arith.muli %add3A_142, %mul3A_143 : i32
        %add3A_145 = arith.addi %mul3A_14, %mul3A_144 : i32
        %dma_start3A_146 = tpu.memref_slice %arg3[%add3A_145] : memref<327680xi32, #tpu.memory_space<hbm>> -> memref<128xi32, #tpu.memory_space<hbm>>
        %dma_start3A_147 = tpu.memref_slice %arg3[%add3A_145] : memref<327680xi32, #tpu.memory_space<hbm>> -> memref<128xi32, #tpu.memory_space<hbm>>
        tpu.enqueue_dma source(%dma_start3A_147 : memref<128xi32, #tpu.memory_space<hbm>>) target(%arg10 : memref<128xi32, #tpu.memory_space<vmem>>) target_semaphore(%arg19 : memref<!tpu.dma_semaphore, #tpu.memory_space<semaphore_mem>>)
        %mul3A_148 = arith.constant 128 : i32
        %mul3A_149 = arith.muli %add3A_142, %mul3A_148 : i32
        %add3A_150 = arith.addi %mul3A_14, %mul3A_149 : i32
        %dma_start3A_151 = tpu.memref_slice %arg4[%add3A_150] : memref<327680xi32, #tpu.memory_space<hbm>> -> memref<128xi32, #tpu.memory_space<hbm>>
        %dma_start3A_152 = tpu.memref_slice %arg4[%add3A_150] : memref<327680xi32, #tpu.memory_space<hbm>> -> memref<128xi32, #tpu.memory_space<hbm>>
        tpu.enqueue_dma source(%dma_start3A_152 : memref<128xi32, #tpu.memory_space<hbm>>) target(%arg11 : memref<128xi32, #tpu.memory_space<vmem>>) target_semaphore(%arg19 : memref<!tpu.dma_semaphore, #tpu.memory_space<semaphore_mem>>)
      } else {
      }
      %add3A_119 = arith.constant 3 : i32
      %add3A_120 = arith.addi %mul3A_56, %add3A_119 : i32
      %add3A_121 = arith.constant 1 : i32
      %add3A_122 = arith.addi %add3A_120, %add3A_121 : i32
      %lt3A_123 = arith.constant 80 : i32
      %lt3A_124 = arith.cmpi slt, %add3A_122, %lt3A_123 : i32
      %convert_element_type3A_125 = arith.extui %lt3A_124 : i1 to i32
      %cond3A_126 = arith.constant 0 : i32
      %cond3A_127 = arith.cmpi ne, %convert_element_type3A_125, %cond3A_126 : i32
      scf.if %cond3A_127 {
        %dma_wait3A_141 = tpu.memref_slice %arg3[%mul3A_14] : memref<327680xi32, #tpu.memory_space<hbm>> -> memref<128xi32, #tpu.memory_space<hbm>>
        %dma_wait3A_142 = tpu.memref_slice %arg3[%mul3A_14] : memref<327680xi32, #tpu.memory_space<hbm>> -> memref<128xi32, #tpu.memory_space<hbm>>
        tpu.wait_dma2 semaphore(%arg17 : memref<!tpu.dma_semaphore, #tpu.memory_space<semaphore_mem>>) src(%dma_wait3A_142 : memref<128xi32, #tpu.memory_space<hbm>>) dst(%arg6 : memref<128xi32, #tpu.memory_space<vmem>>)
        %dma_wait3A_143 = tpu.memref_slice %arg4[%mul3A_14] : memref<327680xi32, #tpu.memory_space<hbm>> -> memref<128xi32, #tpu.memory_space<hbm>>
        %dma_wait3A_144 = tpu.memref_slice %arg4[%mul3A_14] : memref<327680xi32, #tpu.memory_space<hbm>> -> memref<128xi32, #tpu.memory_space<hbm>>
        tpu.wait_dma2 semaphore(%arg17 : memref<!tpu.dma_semaphore, #tpu.memory_space<semaphore_mem>>) src(%dma_wait3A_144 : memref<128xi32, #tpu.memory_space<hbm>>) dst(%arg7 : memref<128xi32, #tpu.memory_space<vmem>>)
        %dma_start3A_145 = arith.constant 0 : i32
        %dma_start3A_146 = arith.constant 0 : i32
        %dma_start3A_147 = tpu.memref_slice %arg2[%dma_start3A_145, %dma_start3A_146] : memref<10240x128xf32, #tpu.memory_space<hbm>> -> memref<10240x128xf32, #tpu.memory_space<hbm>>
        tpu.enqueue_indirect_dma source(%dma_start3A_147 : memref<10240x128xf32, #tpu.memory_space<hbm>>) target(%arg14 : memref<128x128xf32, #tpu.memory_space<vmem>>) offsets(%arg6 : memref<128xi32, #tpu.memory_space<vmem>>) semaphore(%arg21 : memref<!tpu.dma_semaphore, #tpu.memory_space<semaphore_mem>>)
      } else {
      }
      %dma_wait3A_128 = arith.constant 0 : i32
      %dma_wait3A_129 = arith.constant 0 : i32
      %dma_wait3A_130 = tpu.memref_slice %arg2[%dma_wait3A_128, %dma_wait3A_129] : memref<10240x128xf32, #tpu.memory_space<hbm>> -> memref<128x128xf32, #tpu.memory_space<hbm>>
      %dma_wait3A_131 = arith.constant 0 : i32
      %dma_wait3A_132 = arith.constant 0 : i32
      %dma_wait3A_133 = tpu.memref_slice %arg2[%dma_wait3A_131, %dma_wait3A_132] : memref<10240x128xf32, #tpu.memory_space<hbm>> -> memref<128x128xf32, #tpu.memory_space<hbm>>
      tpu.wait_dma2 semaphore(%arg22 : memref<!tpu.dma_semaphore, #tpu.memory_space<semaphore_mem>>) src(%dma_wait3A_133 : memref<128x128xf32, #tpu.memory_space<hbm>>) dst(%arg15 : memref<128x128xf32, #tpu.memory_space<vmem>>)
      "tpu.region"() ({
        %run_scoped3A = tpu.sem_alloc : memref<!tpu.dma_semaphore, #tpu.memory_space<semaphore_mem>>
        %dma_start3A_141 = arith.constant 0 : i32
        %dma_start3A_142 = arith.constant 0 : i32
        %dma_start3A_143 = tpu.memref_slice %arg16[%dma_start3A_141, %dma_start3A_142] : memref<10240x128xf32, #tpu.memory_space<vmem_shared>> -> memref<10240x128xf32, #tpu.memory_space<vmem_shared>>
        tpu.enqueue_indirect_dma source(%arg15 : memref<128x128xf32, #tpu.memory_space<vmem>>) target(%dma_start3A_143 : memref<10240x128xf32, #tpu.memory_space<vmem_shared>>) offsets(%arg13 : memref<128xi32, #tpu.memory_space<vmem>>) semaphore(%run_scoped3A : memref<!tpu.dma_semaphore, #tpu.memory_space<semaphore_mem>>) {add = true}
        %dma_wait3A_144 = arith.constant 0 : i32
        %dma_wait3A_145 = arith.constant 0 : i32
        %dma_wait3A_146 = tpu.memref_slice %arg16[%dma_wait3A_144, %dma_wait3A_145] : memref<10240x128xf32, #tpu.memory_space<vmem_shared>> -> memref<10240x128xf32, #tpu.memory_space<vmem_shared>>
        tpu.wait_indirect_dma semaphore(%run_scoped3A : memref<!tpu.dma_semaphore, #tpu.memory_space<semaphore_mem>>) src(%arg15 : memref<128x128xf32, #tpu.memory_space<vmem>>) dst(%dma_wait3A_146 : memref<10240x128xf32, #tpu.memory_space<vmem_shared>>)
        tpu.yield
      }) : () -> ()
      %add3A_134 = arith.constant 4 : i32
      %add3A_135 = arith.addi %add3A_120, %add3A_134 : i32
      %lt3A_136 = arith.constant 80 : i32
      %lt3A_137 = arith.cmpi slt, %add3A_135, %lt3A_136 : i32
      %convert_element_type3A_138 = arith.extui %lt3A_137 : i1 to i32
      %cond3A_139 = arith.constant 0 : i32
      %cond3A_140 = arith.cmpi ne, %convert_element_type3A_138, %cond3A_139 : i32
      scf.if %cond3A_140 {
        %add3A_141 = arith.constant 4 : i32
        %add3A_142 = arith.addi %add3A_120, %add3A_141 : i32
        %mul3A_143 = arith.constant 128 : i32
        %mul3A_144 = arith.muli %add3A_142, %mul3A_143 : i32
        %add3A_145 = arith.addi %mul3A_14, %mul3A_144 : i32
        %dma_start3A_146 = tpu.memref_slice %arg3[%add3A_145] : memref<327680xi32, #tpu.memory_space<hbm>> -> memref<128xi32, #tpu.memory_space<hbm>>
        %dma_start3A_147 = tpu.memref_slice %arg3[%add3A_145] : memref<327680xi32, #tpu.memory_space<hbm>> -> memref<128xi32, #tpu.memory_space<hbm>>
        tpu.enqueue_dma source(%dma_start3A_147 : memref<128xi32, #tpu.memory_space<hbm>>) target(%arg12 : memref<128xi32, #tpu.memory_space<vmem>>) target_semaphore(%arg20 : memref<!tpu.dma_semaphore, #tpu.memory_space<semaphore_mem>>)
        %mul3A_148 = arith.constant 128 : i32
        %mul3A_149 = arith.muli %add3A_142, %mul3A_148 : i32
        %add3A_150 = arith.addi %mul3A_14, %mul3A_149 : i32
        %dma_start3A_151 = tpu.memref_slice %arg4[%add3A_150] : memref<327680xi32, #tpu.memory_space<hbm>> -> memref<128xi32, #tpu.memory_space<hbm>>
        %dma_start3A_152 = tpu.memref_slice %arg4[%add3A_150] : memref<327680xi32, #tpu.memory_space<hbm>> -> memref<128xi32, #tpu.memory_space<hbm>>
        tpu.enqueue_dma source(%dma_start3A_152 : memref<128xi32, #tpu.memory_space<hbm>>) target(%arg13 : memref<128xi32, #tpu.memory_space<vmem>>) target_semaphore(%arg20 : memref<!tpu.dma_semaphore, #tpu.memory_space<semaphore_mem>>)
      } else {
      }
    }
    %scan3A_46 = arith.constant 20 : i32
    %barrier3A_47 = arith.constant 0 : index
    tpu.barrier barrier_id(%barrier3A_47)
    %scan3A_48 = arith.constant 0 : i32
    %scan3A_49 = arith.constant 0 : i32
    %scan3A_50 = arith.constant 5 : i32
    %scan3A_51 = arith.addi %scan3A_49, %scan3A_50 : i32
    %scan3A_52 = arith.constant 1 : i32
    scf.for %scan3A_54 = %scan3A_49 to %scan3A_51 step %scan3A_52  : i32 {
      %mul3A_55 = arith.constant 640 : i32
      %mul3A_56 = arith.muli %arg1, %mul3A_55 : i32
      %mul3A_57 = arith.constant 128 : i32
      %mul3A_58 = arith.muli %scan3A_54, %mul3A_57 : i32
      %add3A_59 = arith.addi %mul3A_56, %mul3A_58 : i32
      "tpu.region"() ({
        %run_scoped3A = tpu.sem_alloc : memref<!tpu.dma_semaphore, #tpu.memory_space<semaphore_mem>>
        %dma_start3A_60 = arith.constant 0 : i32
        %dma_start3A_61 = tpu.memref_slice %arg16[%add3A_59, %dma_start3A_60] : memref<10240x128xf32, #tpu.memory_space<vmem_shared>> -> memref<128x128xf32, #tpu.memory_space<vmem_shared>>
        %dma_start3A_62 = arith.constant 0 : i32
        %dma_start3A_63 = tpu.memref_slice %arg16[%add3A_59, %dma_start3A_62] : memref<10240x128xf32, #tpu.memory_space<vmem_shared>> -> memref<128x128xf32, #tpu.memory_space<vmem_shared>>
        tpu.enqueue_dma source(%dma_start3A_63 : memref<128x128xf32, #tpu.memory_space<vmem_shared>>) target(%arg14 : memref<128x128xf32, #tpu.memory_space<vmem>>) target_semaphore(%run_scoped3A : memref<!tpu.dma_semaphore, #tpu.memory_space<semaphore_mem>>)
        %dma_wait3A = arith.constant 0 : i32
        %dma_wait3A_64 = tpu.memref_slice %arg16[%add3A_59, %dma_wait3A] : memref<10240x128xf32, #tpu.memory_space<vmem_shared>> -> memref<128x128xf32, #tpu.memory_space<vmem_shared>>
        %dma_wait3A_65 = arith.constant 0 : i32
        %dma_wait3A_66 = tpu.memref_slice %arg16[%add3A_59, %dma_wait3A_65] : memref<10240x128xf32, #tpu.memory_space<vmem_shared>> -> memref<128x128xf32, #tpu.memory_space<vmem_shared>>
        tpu.wait_dma2 semaphore(%run_scoped3A : memref<!tpu.dma_semaphore, #tpu.memory_space<semaphore_mem>>) src(%dma_wait3A_66 : memref<128x128xf32, #tpu.memory_space<vmem_shared>>) dst(%arg14 : memref<128x128xf32, #tpu.memory_space<vmem>>)
        tpu.yield
      }) : () -> ()
      "tpu.region"() ({
        %run_scoped3A = tpu.sem_alloc : memref<!tpu.dma_semaphore, #tpu.memory_space<semaphore_mem>>
        %dma_start3A_60 = arith.constant 0 : i32
        %dma_start3A_61 = tpu.memref_slice %arg5[%arg0, %add3A_59, %dma_start3A_60] : memref<2x10240x128xf32, #tpu.memory_space<hbm>> -> memref<1x128x128xf32, #tpu.memory_space<hbm>>
        %dma_start3A_62 = tpu.memref_squeeze %dma_start3A_61 : memref<1x128x128xf32, #tpu.memory_space<hbm>> -> memref<128x128xf32, #tpu.memory_space<hbm>>
        %dma_start3A_63 = arith.constant 0 : i32
        %dma_start3A_64 = tpu.memref_slice %arg5[%arg0, %add3A_59, %dma_start3A_63] : memref<2x10240x128xf32, #tpu.memory_space<hbm>> -> memref<1x128x128xf32, #tpu.memory_space<hbm>>
        %dma_start3A_65 = tpu.memref_squeeze %dma_start3A_64 : memref<1x128x128xf32, #tpu.memory_space<hbm>> -> memref<128x128xf32, #tpu.memory_space<hbm>>
        tpu.enqueue_dma source(%arg14 : memref<128x128xf32, #tpu.memory_space<vmem>>) target(%dma_start3A_65 : memref<128x128xf32, #tpu.memory_space<hbm>>) target_semaphore(%run_scoped3A : memref<!tpu.dma_semaphore, #tpu.memory_space<semaphore_mem>>)
        %dma_wait3A = arith.constant 0 : i32
        %dma_wait3A_66 = tpu.memref_slice %arg5[%arg0, %add3A_59, %dma_wait3A] : memref<2x10240x128xf32, #tpu.memory_space<hbm>> -> memref<1x128x128xf32, #tpu.memory_space<hbm>>
        %dma_wait3A_67 = tpu.memref_squeeze %dma_wait3A_66 : memref<1x128x128xf32, #tpu.memory_space<hbm>> -> memref<128x128xf32, #tpu.memory_space<hbm>>
        %dma_wait3A_68 = arith.constant 0 : i32
        %dma_wait3A_69 = tpu.memref_slice %arg5[%arg0, %add3A_59, %dma_wait3A_68] : memref<2x10240x128xf32, #tpu.memory_space<hbm>> -> memref<1x128x128xf32, #tpu.memory_space<hbm>>
        %dma_wait3A_70 = tpu.memref_squeeze %dma_wait3A_69 : memref<1x128x128xf32, #tpu.memory_space<hbm>> -> memref<128x128xf32, #tpu.memory_space<hbm>>
        tpu.wait_dma2 semaphore(%run_scoped3A : memref<!tpu.dma_semaphore, #tpu.memory_space<semaphore_mem>>) src(%arg14 : memref<128x128xf32, #tpu.memory_space<vmem>>) dst(%dma_wait3A_70 : memref<128x128xf32, #tpu.memory_space<hbm>>)
        tpu.yield
      }) : () -> ()
    }
    %scan3A_53 = arith.constant 5 : i32
    return
  }
}

#map = affine_map<(d0, d1) -> (0, 0)>
#map1 = affine_map<(d0, d1) -> (0)>
#map2 = affine_map<(d0, d1) -> (0, 0, 0)>
module attributes {stable_mosaic.version = 14 : i64} {
  func.func @_agg_kernel(%arg0: i32, %arg1: i32, %arg2: memref<10240x128xf32, #tpu.memory_space<hbm>>, %arg3: memref<327680xi32, #tpu.memory_space<hbm>>, %arg4: memref<327680xi32, #tpu.memory_space<hbm>>, %arg5: memref<2x10240x128xf32, #tpu.memory_space<hbm>>, %arg6: memref<128xi32, #tpu.memory_space<vmem>>, %arg7: memref<128xi32, #tpu.memory_space<vmem>>, %arg8: memref<128xi32, #tpu.memory_space<vmem>>, %arg9: memref<128xi32, #tpu.memory_space<vmem>>, %arg10: memref<128xi32, #tpu.memory_space<vmem>>, %arg11: memref<128xi32, #tpu.memory_space<vmem>>, %arg12: memref<128xi32, #tpu.memory_space<vmem>>, %arg13: memref<128xi32, #tpu.memory_space<vmem>>, %arg14: memref<128x128xf32, #tpu.memory_space<vmem>>, %arg15: memref<128x128xf32, #tpu.memory_space<vmem>>, %arg16: memref<10240x128xf32, #tpu.memory_space<vmem_shared>>, %arg17: memref<!tpu.dma_semaphore, #tpu.memory_space<semaphore_mem>>, %arg18: memref<!tpu.dma_semaphore, #tpu.memory_space<semaphore_mem>>, %arg19: memref<!tpu.dma_semaphore, #tpu.memory_space<semaphore_mem>>, %arg20: memref<!tpu.dma_semaphore, #tpu.memory_space<semaphore_mem>>, %arg21: memref<!tpu.dma_semaphore, #tpu.memory_space<semaphore_mem>>, %arg22: memref<!tpu.dma_semaphore, #tpu.memory_space<semaphore_mem>>) attributes {dimension_semantics = [#tpu.dimension_semantics<core_parallel>, #tpu.dimension_semantics<subcore_parallel>], iteration_bounds = array<i64: 2, 16>, scalar_prefetch = 0 : i64, scratch_operands = 17 : i64, tpu.core_type = #tpu.core_type<sc_vector_subcore>, window_params = [{transform_indices = #map}, {transform_indices = #map1}, {transform_indices = #map1}, {transform_indices = #map2}]} {
    %mul3A = arith.constant 2 : i32
    %mul3A_0 = arith.muli %arg1, %mul3A : i32
    %add3A = arith.addi %mul3A_0, %arg0 : i32
    %broadcast_in_dim3A = arith.constant 0.000000e+00 : f32
    %broadcast_in_dim3A_1 = vector.broadcast %broadcast_in_dim3A : f32 to vector<16xf32>
    %scan3A = arith.constant 0 : i32
    %scan3A_2 = arith.constant 0 : i32
    %scan3A_3 = arith.constant 1024 : i32
    %scan3A_4 = arith.addi %scan3A_2, %scan3A_3 : i32
    %scan3A_5 = arith.constant 1 : i32
    scf.for %scan3A_54 = %scan3A_2 to %scan3A_4 step %scan3A_5  : i32 {
      %jit3A = arith.constant 8 : i32
      %div3A = arith.divsi %scan3A_54, %jit3A : i32
      %sign3A = arith.constant 0 : i32
      %sign3A_55 = arith.cmpi sgt, %scan3A_54, %sign3A : i32
      %sign3A_56 = arith.extui %sign3A_55 : i1 to i32
      %sign3A_57 = arith.constant 0 : i32
      %sign3A_58 = arith.cmpi slt, %scan3A_54, %sign3A_57 : i32
      %sign3A_59 = arith.extui %sign3A_58 : i1 to i32
      %sign3A_60 = arith.subi %sign3A_56, %sign3A_59 : i32
      %sign3A_61 = arith.constant 0 : i32
      %sign3A_62 = arith.cmpi sgt, %jit3A, %sign3A_61 : i32
      %sign3A_63 = arith.extui %sign3A_62 : i1 to i32
      %sign3A_64 = arith.constant 0 : i32
      %sign3A_65 = arith.cmpi slt, %jit3A, %sign3A_64 : i32
      %sign3A_66 = arith.extui %sign3A_65 : i1 to i32
      %sign3A_67 = arith.subi %sign3A_63, %sign3A_66 : i32
      %ne3A = arith.cmpi ne, %sign3A_60, %sign3A_67 : i32
      %rem3A = arith.remsi %scan3A_54, %jit3A : i32
      %ne3A_68 = arith.constant 0 : i32
      %ne3A_69 = arith.cmpi ne, %rem3A, %ne3A_68 : i32
      %and3A = arith.andi %ne3A, %ne3A_69 : i1
      %sub3A = arith.constant 1 : i32
      %sub3A_70 = arith.subi %div3A, %sub3A : i32
      %select_n3A = arith.select %and3A, %sub3A_70, %div3A : i32
      %jit3A_71 = arith.constant 8 : i32
      %eq3A = arith.constant 0 : i32
      %eq3A_72 = arith.cmpi eq, %jit3A_71, %eq3A : i32
      %jit3A_73 = arith.constant 1 : i32
      %select_n3A_74 = arith.select %eq3A_72, %jit3A_73, %jit3A_71 : i32
      %rem3A_75 = arith.remsi %scan3A_54, %select_n3A_74 : i32
      %ne3A_76 = arith.constant 0 : i32
      %ne3A_77 = arith.cmpi ne, %rem3A_75, %ne3A_76 : i32
      %lt3A = arith.constant 0 : i32
      %lt3A_78 = arith.cmpi slt, %rem3A_75, %lt3A : i32
      %lt3A_79 = arith.constant 0 : i32
      %lt3A_80 = arith.cmpi slt, %select_n3A_74, %lt3A_79 : i32
      %ne3A_81 = arith.xori %lt3A_78, %lt3A_80 : i1
      %and3A_82 = arith.andi %ne3A_81, %ne3A_77 : i1
      %add3A_83 = arith.addi %rem3A_75, %select_n3A_74 : i32
      %select_n3A_84 = arith.select %and3A_82, %add3A_83, %rem3A_75 : i32
      %mul3A_85 = arith.constant 16 : i32
      %mul3A_86 = arith.muli %select_n3A_84, %mul3A_85 : i32
      %swap3A = arith.index_cast %select_n3A : i32 to index
      %swap3A_87 = arith.index_cast %mul3A_86 : i32 to index
      %swap3A_88 = tpu.vector_load %arg14[%swap3A, %swap3A_87] {strides = array<i32>} : memref<128x128xf32, #tpu.memory_space<vmem>>, vector<1x16xf32>,
      %swap3A_89 = vector.shape_cast %swap3A_88 : vector<1x16xf32> to vector<16xf32>
      %swap3A_90 = vector.shape_cast %broadcast_in_dim3A_1 : vector<16xf32> to vector<1x16xf32>
      tpu.vector_store %arg14[%swap3A, %swap3A_87], %swap3A_90 {strides = array<i32>} : memref<128x128xf32, #tpu.memory_space<vmem>>, vector<1x16xf32>,
    }
    %scan3A_6 = arith.constant 1024 : i32
    %scan3A_7 = arith.constant 0 : i32
    %scan3A_8 = arith.constant 0 : i32
    %scan3A_9 = arith.constant 5 : i32
    %scan3A_10 = arith.addi %scan3A_8, %scan3A_9 : i32
    %scan3A_11 = arith.constant 1 : i32
    scf.for %scan3A_54 = %scan3A_8 to %scan3A_10 step %scan3A_11  : i32 {
      %mul3A_55 = arith.constant 640 : i32
      %mul3A_56 = arith.muli %arg1, %mul3A_55 : i32
      %mul3A_57 = arith.constant 128 : i32
      %mul3A_58 = arith.muli %scan3A_54, %mul3A_57 : i32
      %add3A_59 = arith.addi %mul3A_56, %mul3A_58 : i32
      "tpu.region"() ({
        %run_scoped3A = tpu.sem_alloc : memref<!tpu.dma_semaphore, #tpu.memory_space<semaphore_mem>>
        %dma_start3A_60 = arith.constant 0 : i32
        %dma_start3A_61 = tpu.memref_slice %arg16[%add3A_59, %dma_start3A_60] : memref<10240x128xf32, #tpu.memory_space<vmem_shared>> -> memref<128x128xf32, #tpu.memory_space<vmem_shared>>
        %dma_start3A_62 = arith.constant 0 : i32
        %dma_start3A_63 = tpu.memref_slice %arg16[%add3A_59, %dma_start3A_62] : memref<10240x128xf32, #tpu.memory_space<vmem_shared>> -> memref<128x128xf32, #tpu.memory_space<vmem_shared>>
        tpu.enqueue_dma source(%arg14 : memref<128x128xf32, #tpu.memory_space<vmem>>) target(%dma_start3A_63 : memref<128x128xf32, #tpu.memory_space<vmem_shared>>) target_semaphore(%run_scoped3A : memref<!tpu.dma_semaphore, #tpu.memory_space<semaphore_mem>>)
        %dma_wait3A = arith.constant 0 : i32
        %dma_wait3A_64 = tpu.memref_slice %arg16[%add3A_59, %dma_wait3A] : memref<10240x128xf32, #tpu.memory_space<vmem_shared>> -> memref<128x128xf32, #tpu.memory_space<vmem_shared>>
        %dma_wait3A_65 = arith.constant 0 : i32
        %dma_wait3A_66 = tpu.memref_slice %arg16[%add3A_59, %dma_wait3A_65] : memref<10240x128xf32, #tpu.memory_space<vmem_shared>> -> memref<128x128xf32, #tpu.memory_space<vmem_shared>>
        tpu.wait_dma2 semaphore(%run_scoped3A : memref<!tpu.dma_semaphore, #tpu.memory_space<semaphore_mem>>) src(%arg14 : memref<128x128xf32, #tpu.memory_space<vmem>>) dst(%dma_wait3A_66 : memref<128x128xf32, #tpu.memory_space<vmem_shared>>)
        tpu.yield
      }) : () -> ()
    }
    %scan3A_12 = arith.constant 5 : i32
    %barrier3A = arith.constant 0 : index
    tpu.barrier barrier_id(%barrier3A)
    %mul3A_13 = arith.constant 10240 : i32
    %mul3A_14 = arith.muli %add3A, %mul3A_13 : i32
    "tpu.region"() ({
      %run_scoped3A = tpu.sem_alloc : memref<!tpu.dma_semaphore, #tpu.memory_space<semaphore_mem>>
      %dma_start3A_54 = tpu.memref_slice %arg3[%mul3A_14] : memref<327680xi32, #tpu.memory_space<hbm>> -> memref<128xi32, #tpu.memory_space<hbm>>
      %dma_start3A_55 = tpu.memref_slice %arg3[%mul3A_14] : memref<327680xi32, #tpu.memory_space<hbm>> -> memref<128xi32, #tpu.memory_space<hbm>>
      tpu.enqueue_dma source(%dma_start3A_55 : memref<128xi32, #tpu.memory_space<hbm>>) target(%arg6 : memref<128xi32, #tpu.memory_space<vmem>>) target_semaphore(%run_scoped3A : memref<!tpu.dma_semaphore, #tpu.memory_space<semaphore_mem>>)
      %dma_wait3A = tpu.memref_slice %arg3[%mul3A_14] : memref<327680xi32, #tpu.memory_space<hbm>> -> memref<128xi32, #tpu.memory_space<hbm>>
      %dma_wait3A_56 = tpu.memref_slice %arg3[%mul3A_14] : memref<327680xi32, #tpu.memory_space<hbm>> -> memref<128xi32, #tpu.memory_space<hbm>>
      tpu.wait_dma2 semaphore(%run_scoped3A : memref<!tpu.dma_semaphore, #tpu.memory_space<semaphore_mem>>) src(%dma_wait3A_56 : memref<128xi32, #tpu.memory_space<hbm>>) dst(%arg6 : memref<128xi32, #tpu.memory_space<vmem>>)
      tpu.yield
    }) : () -> ()
    "tpu.region"() ({
      %run_scoped3A = tpu.sem_alloc : memref<!tpu.dma_semaphore, #tpu.memory_space<semaphore_mem>>
      %dma_start3A_54 = tpu.memref_slice %arg4[%mul3A_14] : memref<327680xi32, #tpu.memory_space<hbm>> -> memref<128xi32, #tpu.memory_space<hbm>>
      %dma_start3A_55 = tpu.memref_slice %arg4[%mul3A_14] : memref<327680xi32, #tpu.memory_space<hbm>> -> memref<128xi32, #tpu.memory_space<hbm>>
      tpu.enqueue_dma source(%dma_start3A_55 : memref<128xi32, #tpu.memory_space<hbm>>) target(%arg7 : memref<128xi32, #tpu.memory_space<vmem>>) target_semaphore(%run_scoped3A : memref<!tpu.dma_semaphore, #tpu.memory_space<semaphore_mem>>)
      %dma_wait3A = tpu.memref_slice %arg4[%mul3A_14] : memref<327680xi32, #tpu.memory_space<hbm>> -> memref<128xi32, #tpu.memory_space<hbm>>
      %dma_wait3A_56 = tpu.memref_slice %arg4[%mul3A_14] : memref<327680xi32, #tpu.memory_space<hbm>> -> memref<128xi32, #tpu.memory_space<hbm>>
      tpu.wait_dma2 semaphore(%run_scoped3A : memref<!tpu.dma_semaphore, #tpu.memory_space<semaphore_mem>>) src(%dma_wait3A_56 : memref<128xi32, #tpu.memory_space<hbm>>) dst(%arg7 : memref<128xi32, #tpu.memory_space<vmem>>)
      tpu.yield
    }) : () -> ()
    %dma_start3A = arith.constant 0 : i32
    %dma_start3A_15 = arith.constant 0 : i32
    %dma_start3A_16 = tpu.memref_slice %arg2[%dma_start3A, %dma_start3A_15] : memref<10240x128xf32, #tpu.memory_space<hbm>> -> memref<10240x128xf32, #tpu.memory_space<hbm>>
    tpu.enqueue_indirect_dma source(%dma_start3A_16 : memref<10240x128xf32, #tpu.memory_space<hbm>>) target(%arg14 : memref<128x128xf32, #tpu.memory_space<vmem>>) offsets(%arg6 : memref<128xi32, #tpu.memory_space<vmem>>) semaphore(%arg21 : memref<!tpu.dma_semaphore, #tpu.memory_space<semaphore_mem>>)
    %add3A_17 = arith.constant 128 : i32
    %add3A_18 = arith.addi %mul3A_14, %add3A_17 : i32
    %dma_start3A_19 = tpu.memref_slice %arg3[%add3A_18] : memref<327680xi32, #tpu.memory_space<hbm>> -> memref<128xi32, #tpu.memory_space<hbm>>
    %dma_start3A_20 = tpu.memref_slice %arg3[%add3A_18] : memref<327680xi32, #tpu.memory_space<hbm>> -> memref<128xi32, #tpu.memory_space<hbm>>
    tpu.enqueue_dma source(%dma_start3A_20 : memref<128xi32, #tpu.memory_space<hbm>>) target(%arg8 : memref<128xi32, #tpu.memory_space<vmem>>) target_semaphore(%arg18 : memref<!tpu.dma_semaphore, #tpu.memory_space<semaphore_mem>>)
    %add3A_21 = arith.constant 128 : i32
    %add3A_22 = arith.addi %mul3A_14, %add3A_21 : i32
    %dma_start3A_23 = tpu.memref_slice %arg4[%add3A_22] : memref<327680xi32, #tpu.memory_space<hbm>> -> memref<128xi32, #tpu.memory_space<hbm>>
    %dma_start3A_24 = tpu.memref_slice %arg4[%add3A_22] : memref<327680xi32, #tpu.memory_space<hbm>> -> memref<128xi32, #tpu.memory_space<hbm>>
    tpu.enqueue_dma source(%dma_start3A_24 : memref<128xi32, #tpu.memory_space<hbm>>) target(%arg9 : memref<128xi32, #tpu.memory_space<vmem>>) target_semaphore(%arg18 : memref<!tpu.dma_semaphore, #tpu.memory_space<semaphore_mem>>)
    %add3A_25 = arith.constant 256 : i32
    %add3A_26 = arith.addi %mul3A_14, %add3A_25 : i32
    %dma_start3A_27 = tpu.memref_slice %arg3[%add3A_26] : memref<327680xi32, #tpu.memory_space<hbm>> -> memref<128xi32, #tpu.memory_space<hbm>>
    %dma_start3A_28 = tpu.memref_slice %arg3[%add3A_26] : memref<327680xi32, #tpu.memory_space<hbm>> -> memref<128xi32, #tpu.memory_space<hbm>>
    tpu.enqueue_dma source(%dma_start3A_28 : memref<128xi32, #tpu.memory_space<hbm>>) target(%arg10 : memref<128xi32, #tpu.memory_space<vmem>>) target_semaphore(%arg19 : memref<!tpu.dma_semaphore, #tpu.memory_space<semaphore_mem>>)
    %add3A_29 = arith.constant 256 : i32
    %add3A_30 = arith.addi %mul3A_14, %add3A_29 : i32
    %dma_start3A_31 = tpu.memref_slice %arg4[%add3A_30] : memref<327680xi32, #tpu.memory_space<hbm>> -> memref<128xi32, #tpu.memory_space<hbm>>
    %dma_start3A_32 = tpu.memref_slice %arg4[%add3A_30] : memref<327680xi32, #tpu.memory_space<hbm>> -> memref<128xi32, #tpu.memory_space<hbm>>
    tpu.enqueue_dma source(%dma_start3A_32 : memref<128xi32, #tpu.memory_space<hbm>>) target(%arg11 : memref<128xi32, #tpu.memory_space<vmem>>) target_semaphore(%arg19 : memref<!tpu.dma_semaphore, #tpu.memory_space<semaphore_mem>>)
    %add3A_33 = arith.constant 384 : i32
    %add3A_34 = arith.addi %mul3A_14, %add3A_33 : i32
    %dma_start3A_35 = tpu.memref_slice %arg3[%add3A_34] : memref<327680xi32, #tpu.memory_space<hbm>> -> memref<128xi32, #tpu.memory_space<hbm>>
    %dma_start3A_36 = tpu.memref_slice %arg3[%add3A_34] : memref<327680xi32, #tpu.memory_space<hbm>> -> memref<128xi32, #tpu.memory_space<hbm>>
    tpu.enqueue_dma source(%dma_start3A_36 : memref<128xi32, #tpu.memory_space<hbm>>) target(%arg12 : memref<128xi32, #tpu.memory_space<vmem>>) target_semaphore(%arg20 : memref<!tpu.dma_semaphore, #tpu.memory_space<semaphore_mem>>)
    %add3A_37 = arith.constant 384 : i32
    %add3A_38 = arith.addi %mul3A_14, %add3A_37 : i32
    %dma_start3A_39 = tpu.memref_slice %arg4[%add3A_38] : memref<327680xi32, #tpu.memory_space<hbm>> -> memref<128xi32, #tpu.memory_space<hbm>>
    %dma_start3A_40 = tpu.memref_slice %arg4[%add3A_38] : memref<327680xi32, #tpu.memory_space<hbm>> -> memref<128xi32, #tpu.memory_space<hbm>>
    tpu.enqueue_dma source(%dma_start3A_40 : memref<128xi32, #tpu.memory_space<hbm>>) target(%arg13 : memref<128xi32, #tpu.memory_space<vmem>>) target_semaphore(%arg20 : memref<!tpu.dma_semaphore, #tpu.memory_space<semaphore_mem>>)
    %scan3A_41 = arith.constant 0 : i32
    %scan3A_42 = arith.constant 0 : i32
    %scan3A_43 = arith.constant 20 : i32
    %scan3A_44 = arith.addi %scan3A_42, %scan3A_43 : i32
    %scan3A_45 = arith.constant 1 : i32
    scf.for %scan3A_54 = %scan3A_42 to %scan3A_44 step %scan3A_45  : i32 {
      %mul3A_55 = arith.constant 4 : i32
      %mul3A_56 = arith.muli %mul3A_55, %scan3A_54 : i32
      %add3A_57 = arith.constant 0 : i32
      %add3A_58 = arith.addi %mul3A_56, %add3A_57 : i32
      %add3A_59 = arith.constant 1 : i32
      %add3A_60 = arith.addi %add3A_58, %add3A_59 : i32
      %lt3A = arith.constant 80 : i32
      %lt3A_61 = arith.cmpi slt, %add3A_60, %lt3A : i32
      %convert_element_type3A = arith.extui %lt3A_61 : i1 to i32
      %cond3A = arith.constant 0 : i32
      %cond3A_62 = arith.cmpi ne, %convert_element_type3A, %cond3A : i32
      scf.if %cond3A_62 {
        %dma_wait3A_141 = tpu.memref_slice %arg3[%mul3A_14] : memref<327680xi32, #tpu.memory_space<hbm>> -> memref<128xi32, #tpu.memory_space<hbm>>
        %dma_wait3A_142 = tpu.memref_slice %arg3[%mul3A_14] : memref<327680xi32, #tpu.memory_space<hbm>> -> memref<128xi32, #tpu.memory_space<hbm>>
        tpu.wait_dma2 semaphore(%arg18 : memref<!tpu.dma_semaphore, #tpu.memory_space<semaphore_mem>>) src(%dma_wait3A_142 : memref<128xi32, #tpu.memory_space<hbm>>) dst(%arg8 : memref<128xi32, #tpu.memory_space<vmem>>)
        %dma_wait3A_143 = tpu.memref_slice %arg4[%mul3A_14] : memref<327680xi32, #tpu.memory_space<hbm>> -> memref<128xi32, #tpu.memory_space<hbm>>
        %dma_wait3A_144 = tpu.memref_slice %arg4[%mul3A_14] : memref<327680xi32, #tpu.memory_space<hbm>> -> memref<128xi32, #tpu.memory_space<hbm>>
        tpu.wait_dma2 semaphore(%arg18 : memref<!tpu.dma_semaphore, #tpu.memory_space<semaphore_mem>>) src(%dma_wait3A_144 : memref<128xi32, #tpu.memory_space<hbm>>) dst(%arg9 : memref<128xi32, #tpu.memory_space<vmem>>)
        %dma_start3A_145 = arith.constant 0 : i32
        %dma_start3A_146 = arith.constant 0 : i32
        %dma_start3A_147 = tpu.memref_slice %arg2[%dma_start3A_145, %dma_start3A_146] : memref<10240x128xf32, #tpu.memory_space<hbm>> -> memref<10240x128xf32, #tpu.memory_space<hbm>>
        tpu.enqueue_indirect_dma source(%dma_start3A_147 : memref<10240x128xf32, #tpu.memory_space<hbm>>) target(%arg15 : memref<128x128xf32, #tpu.memory_space<vmem>>) offsets(%arg8 : memref<128xi32, #tpu.memory_space<vmem>>) semaphore(%arg22 : memref<!tpu.dma_semaphore, #tpu.memory_space<semaphore_mem>>)
      } else {
      }
      %dma_wait3A = arith.constant 0 : i32
      %dma_wait3A_63 = arith.constant 0 : i32
      %dma_wait3A_64 = tpu.memref_slice %arg2[%dma_wait3A, %dma_wait3A_63] : memref<10240x128xf32, #tpu.memory_space<hbm>> -> memref<128x128xf32, #tpu.memory_space<hbm>>
      %dma_wait3A_65 = arith.constant 0 : i32
      %dma_wait3A_66 = arith.constant 0 : i32
      %dma_wait3A_67 = tpu.memref_slice %arg2[%dma_wait3A_65, %dma_wait3A_66] : memref<10240x128xf32, #tpu.memory_space<hbm>> -> memref<128x128xf32, #tpu.memory_space<hbm>>
      tpu.wait_dma2 semaphore(%arg21 : memref<!tpu.dma_semaphore, #tpu.memory_space<semaphore_mem>>) src(%dma_wait3A_67 : memref<128x128xf32, #tpu.memory_space<hbm>>) dst(%arg14 : memref<128x128xf32, #tpu.memory_space<vmem>>)
      "tpu.region"() ({
        %run_scoped3A = tpu.sem_alloc : memref<!tpu.dma_semaphore, #tpu.memory_space<semaphore_mem>>
        %dma_start3A_141 = arith.constant 0 : i32
        %dma_start3A_142 = arith.constant 0 : i32
        %dma_start3A_143 = tpu.memref_slice %arg16[%dma_start3A_141, %dma_start3A_142] : memref<10240x128xf32, #tpu.memory_space<vmem_shared>> -> memref<10240x128xf32, #tpu.memory_space<vmem_shared>>
        tpu.enqueue_indirect_dma source(%arg14 : memref<128x128xf32, #tpu.memory_space<vmem>>) target(%dma_start3A_143 : memref<10240x128xf32, #tpu.memory_space<vmem_shared>>) offsets(%arg7 : memref<128xi32, #tpu.memory_space<vmem>>) semaphore(%run_scoped3A : memref<!tpu.dma_semaphore, #tpu.memory_space<semaphore_mem>>) {add = true}
        %dma_wait3A_144 = arith.constant 0 : i32
        %dma_wait3A_145 = arith.constant 0 : i32
        %dma_wait3A_146 = tpu.memref_slice %arg16[%dma_wait3A_144, %dma_wait3A_145] : memref<10240x128xf32, #tpu.memory_space<vmem_shared>> -> memref<10240x128xf32, #tpu.memory_space<vmem_shared>>
        tpu.wait_indirect_dma semaphore(%run_scoped3A : memref<!tpu.dma_semaphore, #tpu.memory_space<semaphore_mem>>) src(%arg14 : memref<128x128xf32, #tpu.memory_space<vmem>>) dst(%dma_wait3A_146 : memref<10240x128xf32, #tpu.memory_space<vmem_shared>>)
        tpu.yield
      }) : () -> ()
      %add3A_68 = arith.constant 4 : i32
      %add3A_69 = arith.addi %add3A_58, %add3A_68 : i32
      %lt3A_70 = arith.constant 80 : i32
      %lt3A_71 = arith.cmpi slt, %add3A_69, %lt3A_70 : i32
      %convert_element_type3A_72 = arith.extui %lt3A_71 : i1 to i32
      %cond3A_73 = arith.constant 0 : i32
      %cond3A_74 = arith.cmpi ne, %convert_element_type3A_72, %cond3A_73 : i32
      scf.if %cond3A_74 {
        %add3A_141 = arith.constant 4 : i32
        %add3A_142 = arith.addi %add3A_58, %add3A_141 : i32
        %mul3A_143 = arith.constant 128 : i32
        %mul3A_144 = arith.muli %add3A_142, %mul3A_143 : i32
        %add3A_145 = arith.addi %mul3A_14, %mul3A_144 : i32
        %dma_start3A_146 = tpu.memref_slice %arg3[%add3A_145] : memref<327680xi32, #tpu.memory_space<hbm>> -> memref<128xi32, #tpu.memory_space<hbm>>
        %dma_start3A_147 = tpu.memref_slice %arg3[%add3A_145] : memref<327680xi32, #tpu.memory_space<hbm>> -> memref<128xi32, #tpu.memory_space<hbm>>
        tpu.enqueue_dma source(%dma_start3A_147 : memref<128xi32, #tpu.memory_space<hbm>>) target(%arg6 : memref<128xi32, #tpu.memory_space<vmem>>) target_semaphore(%arg17 : memref<!tpu.dma_semaphore, #tpu.memory_space<semaphore_mem>>)
        %mul3A_148 = arith.constant 128 : i32
        %mul3A_149 = arith.muli %add3A_142, %mul3A_148 : i32
        %add3A_150 = arith.addi %mul3A_14, %mul3A_149 : i32
        %dma_start3A_151 = tpu.memref_slice %arg4[%add3A_150] : memref<327680xi32, #tpu.memory_space<hbm>> -> memref<128xi32, #tpu.memory_space<hbm>>
        %dma_start3A_152 = tpu.memref_slice %arg4[%add3A_150] : memref<327680xi32, #tpu.memory_space<hbm>> -> memref<128xi32, #tpu.memory_space<hbm>>
        tpu.enqueue_dma source(%dma_start3A_152 : memref<128xi32, #tpu.memory_space<hbm>>) target(%arg7 : memref<128xi32, #tpu.memory_space<vmem>>) target_semaphore(%arg17 : memref<!tpu.dma_semaphore, #tpu.memory_space<semaphore_mem>>)
      } else {
      }
      %add3A_75 = arith.constant 1 : i32
      %add3A_76 = arith.addi %mul3A_56, %add3A_75 : i32
      %add3A_77 = arith.constant 1 : i32
      %add3A_78 = arith.addi %add3A_76, %add3A_77 : i32
      %lt3A_79 = arith.constant 80 : i32
      %lt3A_80 = arith.cmpi slt, %add3A_78, %lt3A_79 : i32
      %convert_element_type3A_81 = arith.extui %lt3A_80 : i1 to i32
      %cond3A_82 = arith.constant 0 : i32
      %cond3A_83 = arith.cmpi ne, %convert_element_type3A_81, %cond3A_82 : i32
      scf.if %cond3A_83 {
        %dma_wait3A_141 = tpu.memref_slice %arg3[%mul3A_14] : memref<327680xi32, #tpu.memory_space<hbm>> -> memref<128xi32, #tpu.memory_space<hbm>>
        %dma_wait3A_142 = tpu.memref_slice %arg3[%mul3A_14] : memref<327680xi32, #tpu.memory_space<hbm>> -> memref<128xi32, #tpu.memory_space<hbm>>
        tpu.wait_dma2 semaphore(%arg19 : memref<!tpu.dma_semaphore, #tpu.memory_space<semaphore_mem>>) src(%dma_wait3A_142 : memref<128xi32, #tpu.memory_space<hbm>>) dst(%arg10 : memref<128xi32, #tpu.memory_space<vmem>>)
        %dma_wait3A_143 = tpu.memref_slice %arg4[%mul3A_14] : memref<327680xi32, #tpu.memory_space<hbm>> -> memref<128xi32, #tpu.memory_space<hbm>>
        %dma_wait3A_144 = tpu.memref_slice %arg4[%mul3A_14] : memref<327680xi32, #tpu.memory_space<hbm>> -> memref<128xi32, #tpu.memory_space<hbm>>
        tpu.wait_dma2 semaphore(%arg19 : memref<!tpu.dma_semaphore, #tpu.memory_space<semaphore_mem>>) src(%dma_wait3A_144 : memref<128xi32, #tpu.memory_space<hbm>>) dst(%arg11 : memref<128xi32, #tpu.memory_space<vmem>>)
        %dma_start3A_145 = arith.constant 0 : i32
        %dma_start3A_146 = arith.constant 0 : i32
        %dma_start3A_147 = tpu.memref_slice %arg2[%dma_start3A_145, %dma_start3A_146] : memref<10240x128xf32, #tpu.memory_space<hbm>> -> memref<10240x128xf32, #tpu.memory_space<hbm>>
        tpu.enqueue_indirect_dma source(%dma_start3A_147 : memref<10240x128xf32, #tpu.memory_space<hbm>>) target(%arg14 : memref<128x128xf32, #tpu.memory_space<vmem>>) offsets(%arg10 : memref<128xi32, #tpu.memory_space<vmem>>) semaphore(%arg21 : memref<!tpu.dma_semaphore, #tpu.memory_space<semaphore_mem>>)
      } else {
      }
      %dma_wait3A_84 = arith.constant 0 : i32
      %dma_wait3A_85 = arith.constant 0 : i32
      %dma_wait3A_86 = tpu.memref_slice %arg2[%dma_wait3A_84, %dma_wait3A_85] : memref<10240x128xf32, #tpu.memory_space<hbm>> -> memref<128x128xf32, #tpu.memory_space<hbm>>
      %dma_wait3A_87 = arith.constant 0 : i32
      %dma_wait3A_88 = arith.constant 0 : i32
      %dma_wait3A_89 = tpu.memref_slice %arg2[%dma_wait3A_87, %dma_wait3A_88] : memref<10240x128xf32, #tpu.memory_space<hbm>> -> memref<128x128xf32, #tpu.memory_space<hbm>>
      tpu.wait_dma2 semaphore(%arg22 : memref<!tpu.dma_semaphore, #tpu.memory_space<semaphore_mem>>) src(%dma_wait3A_89 : memref<128x128xf32, #tpu.memory_space<hbm>>) dst(%arg15 : memref<128x128xf32, #tpu.memory_space<vmem>>)
      "tpu.region"() ({
        %run_scoped3A = tpu.sem_alloc : memref<!tpu.dma_semaphore, #tpu.memory_space<semaphore_mem>>
        %dma_start3A_141 = arith.constant 0 : i32
        %dma_start3A_142 = arith.constant 0 : i32
        %dma_start3A_143 = tpu.memref_slice %arg16[%dma_start3A_141, %dma_start3A_142] : memref<10240x128xf32, #tpu.memory_space<vmem_shared>> -> memref<10240x128xf32, #tpu.memory_space<vmem_shared>>
        tpu.enqueue_indirect_dma source(%arg15 : memref<128x128xf32, #tpu.memory_space<vmem>>) target(%dma_start3A_143 : memref<10240x128xf32, #tpu.memory_space<vmem_shared>>) offsets(%arg9 : memref<128xi32, #tpu.memory_space<vmem>>) semaphore(%run_scoped3A : memref<!tpu.dma_semaphore, #tpu.memory_space<semaphore_mem>>) {add = true}
        %dma_wait3A_144 = arith.constant 0 : i32
        %dma_wait3A_145 = arith.constant 0 : i32
        %dma_wait3A_146 = tpu.memref_slice %arg16[%dma_wait3A_144, %dma_wait3A_145] : memref<10240x128xf32, #tpu.memory_space<vmem_shared>> -> memref<10240x128xf32, #tpu.memory_space<vmem_shared>>
        tpu.wait_indirect_dma semaphore(%run_scoped3A : memref<!tpu.dma_semaphore, #tpu.memory_space<semaphore_mem>>) src(%arg15 : memref<128x128xf32, #tpu.memory_space<vmem>>) dst(%dma_wait3A_146 : memref<10240x128xf32, #tpu.memory_space<vmem_shared>>)
        tpu.yield
      }) : () -> ()
      %add3A_90 = arith.constant 4 : i32
      %add3A_91 = arith.addi %add3A_76, %add3A_90 : i32
      %lt3A_92 = arith.constant 80 : i32
      %lt3A_93 = arith.cmpi slt, %add3A_91, %lt3A_92 : i32
      %convert_element_type3A_94 = arith.extui %lt3A_93 : i1 to i32
      %cond3A_95 = arith.constant 0 : i32
      %cond3A_96 = arith.cmpi ne, %convert_element_type3A_94, %cond3A_95 : i32
      scf.if %cond3A_96 {
        %add3A_141 = arith.constant 4 : i32
        %add3A_142 = arith.addi %add3A_76, %add3A_141 : i32
        %mul3A_143 = arith.constant 128 : i32
        %mul3A_144 = arith.muli %add3A_142, %mul3A_143 : i32
        %add3A_145 = arith.addi %mul3A_14, %mul3A_144 : i32
        %dma_start3A_146 = tpu.memref_slice %arg3[%add3A_145] : memref<327680xi32, #tpu.memory_space<hbm>> -> memref<128xi32, #tpu.memory_space<hbm>>
        %dma_start3A_147 = tpu.memref_slice %arg3[%add3A_145] : memref<327680xi32, #tpu.memory_space<hbm>> -> memref<128xi32, #tpu.memory_space<hbm>>
        tpu.enqueue_dma source(%dma_start3A_147 : memref<128xi32, #tpu.memory_space<hbm>>) target(%arg8 : memref<128xi32, #tpu.memory_space<vmem>>) target_semaphore(%arg18 : memref<!tpu.dma_semaphore, #tpu.memory_space<semaphore_mem>>)
        %mul3A_148 = arith.constant 128 : i32
        %mul3A_149 = arith.muli %add3A_142, %mul3A_148 : i32
        %add3A_150 = arith.addi %mul3A_14, %mul3A_149 : i32
        %dma_start3A_151 = tpu.memref_slice %arg4[%add3A_150] : memref<327680xi32, #tpu.memory_space<hbm>> -> memref<128xi32, #tpu.memory_space<hbm>>
        %dma_start3A_152 = tpu.memref_slice %arg4[%add3A_150] : memref<327680xi32, #tpu.memory_space<hbm>> -> memref<128xi32, #tpu.memory_space<hbm>>
        tpu.enqueue_dma source(%dma_start3A_152 : memref<128xi32, #tpu.memory_space<hbm>>) target(%arg9 : memref<128xi32, #tpu.memory_space<vmem>>) target_semaphore(%arg18 : memref<!tpu.dma_semaphore, #tpu.memory_space<semaphore_mem>>)
      } else {
      }
      %add3A_97 = arith.constant 2 : i32
      %add3A_98 = arith.addi %mul3A_56, %add3A_97 : i32
      %add3A_99 = arith.constant 1 : i32
      %add3A_100 = arith.addi %add3A_98, %add3A_99 : i32
      %lt3A_101 = arith.constant 80 : i32
      %lt3A_102 = arith.cmpi slt, %add3A_100, %lt3A_101 : i32
      %convert_element_type3A_103 = arith.extui %lt3A_102 : i1 to i32
      %cond3A_104 = arith.constant 0 : i32
      %cond3A_105 = arith.cmpi ne, %convert_element_type3A_103, %cond3A_104 : i32
      scf.if %cond3A_105 {
        %dma_wait3A_141 = tpu.memref_slice %arg3[%mul3A_14] : memref<327680xi32, #tpu.memory_space<hbm>> -> memref<128xi32, #tpu.memory_space<hbm>>
        %dma_wait3A_142 = tpu.memref_slice %arg3[%mul3A_14] : memref<327680xi32, #tpu.memory_space<hbm>> -> memref<128xi32, #tpu.memory_space<hbm>>
        tpu.wait_dma2 semaphore(%arg20 : memref<!tpu.dma_semaphore, #tpu.memory_space<semaphore_mem>>) src(%dma_wait3A_142 : memref<128xi32, #tpu.memory_space<hbm>>) dst(%arg12 : memref<128xi32, #tpu.memory_space<vmem>>)
        %dma_wait3A_143 = tpu.memref_slice %arg4[%mul3A_14] : memref<327680xi32, #tpu.memory_space<hbm>> -> memref<128xi32, #tpu.memory_space<hbm>>
        %dma_wait3A_144 = tpu.memref_slice %arg4[%mul3A_14] : memref<327680xi32, #tpu.memory_space<hbm>> -> memref<128xi32, #tpu.memory_space<hbm>>
        tpu.wait_dma2 semaphore(%arg20 : memref<!tpu.dma_semaphore, #tpu.memory_space<semaphore_mem>>) src(%dma_wait3A_144 : memref<128xi32, #tpu.memory_space<hbm>>) dst(%arg13 : memref<128xi32, #tpu.memory_space<vmem>>)
        %dma_start3A_145 = arith.constant 0 : i32
        %dma_start3A_146 = arith.constant 0 : i32
        %dma_start3A_147 = tpu.memref_slice %arg2[%dma_start3A_145, %dma_start3A_146] : memref<10240x128xf32, #tpu.memory_space<hbm>> -> memref<10240x128xf32, #tpu.memory_space<hbm>>
        tpu.enqueue_indirect_dma source(%dma_start3A_147 : memref<10240x128xf32, #tpu.memory_space<hbm>>) target(%arg15 : memref<128x128xf32, #tpu.memory_space<vmem>>) offsets(%arg12 : memref<128xi32, #tpu.memory_space<vmem>>) semaphore(%arg22 : memref<!tpu.dma_semaphore, #tpu.memory_space<semaphore_mem>>)
      } else {
      }
      %dma_wait3A_106 = arith.constant 0 : i32
      %dma_wait3A_107 = arith.constant 0 : i32
      %dma_wait3A_108 = tpu.memref_slice %arg2[%dma_wait3A_106, %dma_wait3A_107] : memref<10240x128xf32, #tpu.memory_space<hbm>> -> memref<128x128xf32, #tpu.memory_space<hbm>>
      %dma_wait3A_109 = arith.constant 0 : i32
      %dma_wait3A_110 = arith.constant 0 : i32
      %dma_wait3A_111 = tpu.memref_slice %arg2[%dma_wait3A_109, %dma_wait3A_110] : memref<10240x128xf32, #tpu.memory_space<hbm>> -> memref<128x128xf32, #tpu.memory_space<hbm>>
      tpu.wait_dma2 semaphore(%arg21 : memref<!tpu.dma_semaphore, #tpu.memory_space<semaphore_mem>>) src(%dma_wait3A_111 : memref<128x128xf32, #tpu.memory_space<hbm>>) dst(%arg14 : memref<128x128xf32, #tpu.memory_space<vmem>>)
      "tpu.region"() ({
        %run_scoped3A = tpu.sem_alloc : memref<!tpu.dma_semaphore, #tpu.memory_space<semaphore_mem>>
        %dma_start3A_141 = arith.constant 0 : i32
        %dma_start3A_142 = arith.constant 0 : i32
        %dma_start3A_143 = tpu.memref_slice %arg16[%dma_start3A_141, %dma_start3A_142] : memref<10240x128xf32, #tpu.memory_space<vmem_shared>> -> memref<10240x128xf32, #tpu.memory_space<vmem_shared>>
        tpu.enqueue_indirect_dma source(%arg14 : memref<128x128xf32, #tpu.memory_space<vmem>>) target(%dma_start3A_143 : memref<10240x128xf32, #tpu.memory_space<vmem_shared>>) offsets(%arg11 : memref<128xi32, #tpu.memory_space<vmem>>) semaphore(%run_scoped3A : memref<!tpu.dma_semaphore, #tpu.memory_space<semaphore_mem>>) {add = true}
        %dma_wait3A_144 = arith.constant 0 : i32
        %dma_wait3A_145 = arith.constant 0 : i32
        %dma_wait3A_146 = tpu.memref_slice %arg16[%dma_wait3A_144, %dma_wait3A_145] : memref<10240x128xf32, #tpu.memory_space<vmem_shared>> -> memref<10240x128xf32, #tpu.memory_space<vmem_shared>>
        tpu.wait_indirect_dma semaphore(%run_scoped3A : memref<!tpu.dma_semaphore, #tpu.memory_space<semaphore_mem>>) src(%arg14 : memref<128x128xf32, #tpu.memory_space<vmem>>) dst(%dma_wait3A_146 : memref<10240x128xf32, #tpu.memory_space<vmem_shared>>)
        tpu.yield
      }) : () -> ()
      %add3A_112 = arith.constant 4 : i32
      %add3A_113 = arith.addi %add3A_98, %add3A_112 : i32
      %lt3A_114 = arith.constant 80 : i32
      %lt3A_115 = arith.cmpi slt, %add3A_113, %lt3A_114 : i32
      %convert_element_type3A_116 = arith.extui %lt3A_115 : i1 to i32
      %cond3A_117 = arith.constant 0 : i32
      %cond3A_118 = arith.cmpi ne, %convert_element_type3A_116, %cond3A_117 : i32
      scf.if %cond3A_118 {
        %add3A_141 = arith.constant 4 : i32
        %add3A_142 = arith.addi %add3A_98, %add3A_141 : i32
        %mul3A_143 = arith.constant 128 : i32
        %mul3A_144 = arith.muli %add3A_142, %mul3A_143 : i32
        %add3A_145 = arith.addi %mul3A_14, %mul3A_144 : i32
        %dma_start3A_146 = tpu.memref_slice %arg3[%add3A_145] : memref<327680xi32, #tpu.memory_space<hbm>> -> memref<128xi32, #tpu.memory_space<hbm>>
        %dma_start3A_147 = tpu.memref_slice %arg3[%add3A_145] : memref<327680xi32, #tpu.memory_space<hbm>> -> memref<128xi32, #tpu.memory_space<hbm>>
        tpu.enqueue_dma source(%dma_start3A_147 : memref<128xi32, #tpu.memory_space<hbm>>) target(%arg10 : memref<128xi32, #tpu.memory_space<vmem>>) target_semaphore(%arg19 : memref<!tpu.dma_semaphore, #tpu.memory_space<semaphore_mem>>)
        %mul3A_148 = arith.constant 128 : i32
        %mul3A_149 = arith.muli %add3A_142, %mul3A_148 : i32
        %add3A_150 = arith.addi %mul3A_14, %mul3A_149 : i32
        %dma_start3A_151 = tpu.memref_slice %arg4[%add3A_150] : memref<327680xi32, #tpu.memory_space<hbm>> -> memref<128xi32, #tpu.memory_space<hbm>>
        %dma_start3A_152 = tpu.memref_slice %arg4[%add3A_150] : memref<327680xi32, #tpu.memory_space<hbm>> -> memref<128xi32, #tpu.memory_space<hbm>>
        tpu.enqueue_dma source(%dma_start3A_152 : memref<128xi32, #tpu.memory_space<hbm>>) target(%arg11 : memref<128xi32, #tpu.memory_space<vmem>>) target_semaphore(%arg19 : memref<!tpu.dma_semaphore, #tpu.memory_space<semaphore_mem>>)
      } else {
      }
      %add3A_119 = arith.constant 3 : i32
      %add3A_120 = arith.addi %mul3A_56, %add3A_119 : i32
      %add3A_121 = arith.constant 1 : i32
      %add3A_122 = arith.addi %add3A_120, %add3A_121 : i32
      %lt3A_123 = arith.constant 80 : i32
      %lt3A_124 = arith.cmpi slt, %add3A_122, %lt3A_123 : i32
      %convert_element_type3A_125 = arith.extui %lt3A_124 : i1 to i32
      %cond3A_126 = arith.constant 0 : i32
      %cond3A_127 = arith.cmpi ne, %convert_element_type3A_125, %cond3A_126 : i32
      scf.if %cond3A_127 {
        %dma_wait3A_141 = tpu.memref_slice %arg3[%mul3A_14] : memref<327680xi32, #tpu.memory_space<hbm>> -> memref<128xi32, #tpu.memory_space<hbm>>
        %dma_wait3A_142 = tpu.memref_slice %arg3[%mul3A_14] : memref<327680xi32, #tpu.memory_space<hbm>> -> memref<128xi32, #tpu.memory_space<hbm>>
        tpu.wait_dma2 semaphore(%arg17 : memref<!tpu.dma_semaphore, #tpu.memory_space<semaphore_mem>>) src(%dma_wait3A_142 : memref<128xi32, #tpu.memory_space<hbm>>) dst(%arg6 : memref<128xi32, #tpu.memory_space<vmem>>)
        %dma_wait3A_143 = tpu.memref_slice %arg4[%mul3A_14] : memref<327680xi32, #tpu.memory_space<hbm>> -> memref<128xi32, #tpu.memory_space<hbm>>
        %dma_wait3A_144 = tpu.memref_slice %arg4[%mul3A_14] : memref<327680xi32, #tpu.memory_space<hbm>> -> memref<128xi32, #tpu.memory_space<hbm>>
        tpu.wait_dma2 semaphore(%arg17 : memref<!tpu.dma_semaphore, #tpu.memory_space<semaphore_mem>>) src(%dma_wait3A_144 : memref<128xi32, #tpu.memory_space<hbm>>) dst(%arg7 : memref<128xi32, #tpu.memory_space<vmem>>)
        %dma_start3A_145 = arith.constant 0 : i32
        %dma_start3A_146 = arith.constant 0 : i32
        %dma_start3A_147 = tpu.memref_slice %arg2[%dma_start3A_145, %dma_start3A_146] : memref<10240x128xf32, #tpu.memory_space<hbm>> -> memref<10240x128xf32, #tpu.memory_space<hbm>>
        tpu.enqueue_indirect_dma source(%dma_start3A_147 : memref<10240x128xf32, #tpu.memory_space<hbm>>) target(%arg14 : memref<128x128xf32, #tpu.memory_space<vmem>>) offsets(%arg6 : memref<128xi32, #tpu.memory_space<vmem>>) semaphore(%arg21 : memref<!tpu.dma_semaphore, #tpu.memory_space<semaphore_mem>>)
      } else {
      }
      %dma_wait3A_128 = arith.constant 0 : i32
      %dma_wait3A_129 = arith.constant 0 : i32
      %dma_wait3A_130 = tpu.memref_slice %arg2[%dma_wait3A_128, %dma_wait3A_129] : memref<10240x128xf32, #tpu.memory_space<hbm>> -> memref<128x128xf32, #tpu.memory_space<hbm>>
      %dma_wait3A_131 = arith.constant 0 : i32
      %dma_wait3A_132 = arith.constant 0 : i32
      %dma_wait3A_133 = tpu.memref_slice %arg2[%dma_wait3A_131, %dma_wait3A_132] : memref<10240x128xf32, #tpu.memory_space<hbm>> -> memref<128x128xf32, #tpu.memory_space<hbm>>
      tpu.wait_dma2 semaphore(%arg22 : memref<!tpu.dma_semaphore, #tpu.memory_space<semaphore_mem>>) src(%dma_wait3A_133 : memref<128x128xf32, #tpu.memory_space<hbm>>) dst(%arg15 : memref<128x128xf32, #tpu.memory_space<vmem>>)
      "tpu.region"() ({
        %run_scoped3A = tpu.sem_alloc : memref<!tpu.dma_semaphore, #tpu.memory_space<semaphore_mem>>
        %dma_start3A_141 = arith.constant 0 : i32
        %dma_start3A_142 = arith.constant 0 : i32
        %dma_start3A_143 = tpu.memref_slice %arg16[%dma_start3A_141, %dma_start3A_142] : memref<10240x128xf32, #tpu.memory_space<vmem_shared>> -> memref<10240x128xf32, #tpu.memory_space<vmem_shared>>
        tpu.enqueue_indirect_dma source(%arg15 : memref<128x128xf32, #tpu.memory_space<vmem>>) target(%dma_start3A_143 : memref<10240x128xf32, #tpu.memory_space<vmem_shared>>) offsets(%arg13 : memref<128xi32, #tpu.memory_space<vmem>>) semaphore(%run_scoped3A : memref<!tpu.dma_semaphore, #tpu.memory_space<semaphore_mem>>) {add = true}
        %dma_wait3A_144 = arith.constant 0 : i32
        %dma_wait3A_145 = arith.constant 0 : i32
        %dma_wait3A_146 = tpu.memref_slice %arg16[%dma_wait3A_144, %dma_wait3A_145] : memref<10240x128xf32, #tpu.memory_space<vmem_shared>> -> memref<10240x128xf32, #tpu.memory_space<vmem_shared>>
        tpu.wait_indirect_dma semaphore(%run_scoped3A : memref<!tpu.dma_semaphore, #tpu.memory_space<semaphore_mem>>) src(%arg15 : memref<128x128xf32, #tpu.memory_space<vmem>>) dst(%dma_wait3A_146 : memref<10240x128xf32, #tpu.memory_space<vmem_shared>>)
        tpu.yield
      }) : () -> ()
      %add3A_134 = arith.constant 4 : i32
      %add3A_135 = arith.addi %add3A_120, %add3A_134 : i32
      %lt3A_136 = arith.constant 80 : i32
      %lt3A_137 = arith.cmpi slt, %add3A_135, %lt3A_136 : i32
      %convert_element_type3A_138 = arith.extui %lt3A_137 : i1 to i32
      %cond3A_139 = arith.constant 0 : i32
      %cond3A_140 = arith.cmpi ne, %convert_element_type3A_138, %cond3A_139 : i32
      scf.if %cond3A_140 {
        %add3A_141 = arith.constant 4 : i32
        %add3A_142 = arith.addi %add3A_120, %add3A_141 : i32
        %mul3A_143 = arith.constant 128 : i32
        %mul3A_144 = arith.muli %add3A_142, %mul3A_143 : i32
        %add3A_145 = arith.addi %mul3A_14, %mul3A_144 : i32
        %dma_start3A_146 = tpu.memref_slice %arg3[%add3A_145] : memref<327680xi32, #tpu.memory_space<hbm>> -> memref<128xi32, #tpu.memory_space<hbm>>
        %dma_start3A_147 = tpu.memref_slice %arg3[%add3A_145] : memref<327680xi32, #tpu.memory_space<hbm>> -> memref<128xi32, #tpu.memory_space<hbm>>
        tpu.enqueue_dma source(%dma_start3A_147 : memref<128xi32, #tpu.memory_space<hbm>>) target(%arg12 : memref<128xi32, #tpu.memory_space<vmem>>) target_semaphore(%arg20 : memref<!tpu.dma_semaphore, #tpu.memory_space<semaphore_mem>>)
        %mul3A_148 = arith.constant 128 : i32
        %mul3A_149 = arith.muli %add3A_142, %mul3A_148 : i32
        %add3A_150 = arith.addi %mul3A_14, %mul3A_149 : i32
        %dma_start3A_151 = tpu.memref_slice %arg4[%add3A_150] : memref<327680xi32, #tpu.memory_space<hbm>> -> memref<128xi32, #tpu.memory_space<hbm>>
        %dma_start3A_152 = tpu.memref_slice %arg4[%add3A_150] : memref<327680xi32, #tpu.memory_space<hbm>> -> memref<128xi32, #tpu.memory_space<hbm>>
        tpu.enqueue_dma source(%dma_start3A_152 : memref<128xi32, #tpu.memory_space<hbm>>) target(%arg13 : memref<128xi32, #tpu.memory_space<vmem>>) target_semaphore(%arg20 : memref<!tpu.dma_semaphore, #tpu.memory_space<semaphore_mem>>)
      } else {
      }
    }
    %scan3A_46 = arith.constant 20 : i32
    %barrier3A_47 = arith.constant 0 : index
    tpu.barrier barrier_id(%barrier3A_47)
    %scan3A_48 = arith.constant 0 : i32
    %scan3A_49 = arith.constant 0 : i32
    %scan3A_50 = arith.constant 5 : i32
    %scan3A_51 = arith.addi %scan3A_49, %scan3A_50 : i32
    %scan3A_52 = arith.constant 1 : i32
    scf.for %scan3A_54 = %scan3A_49 to %scan3A_51 step %scan3A_52  : i32 {
      %mul3A_55 = arith.constant 640 : i32
      %mul3A_56 = arith.muli %arg1, %mul3A_55 : i32
      %mul3A_57 = arith.constant 128 : i32
      %mul3A_58 = arith.muli %scan3A_54, %mul3A_57 : i32
      %add3A_59 = arith.addi %mul3A_56, %mul3A_58 : i32
      "tpu.region"() ({
        %run_scoped3A = tpu.sem_alloc : memref<!tpu.dma_semaphore, #tpu.memory_space<semaphore_mem>>
        %dma_start3A_60 = arith.constant 0 : i32
        %dma_start3A_61 = tpu.memref_slice %arg16[%add3A_59, %dma_start3A_60] : memref<10240x128xf32, #tpu.memory_space<vmem_shared>> -> memref<128x128xf32, #tpu.memory_space<vmem_shared>>
        %dma_start3A_62 = arith.constant 0 : i32
        %dma_start3A_63 = tpu.memref_slice %arg16[%add3A_59, %dma_start3A_62] : memref<10240x128xf32, #tpu.memory_space<vmem_shared>> -> memref<128x128xf32, #tpu.memory_space<vmem_shared>>
        tpu.enqueue_dma source(%dma_start3A_63 : memref<128x128xf32, #tpu.memory_space<vmem_shared>>) target(%arg14 : memref<128x128xf32, #tpu.memory_space<vmem>>) target_semaphore(%run_scoped3A : memref<!tpu.dma_semaphore, #tpu.memory_space<semaphore_mem>>)
        %dma_wait3A = arith.constant 0 : i32
        %dma_wait3A_64 = tpu.memref_slice %arg16[%add3A_59, %dma_wait3A] : memref<10240x128xf32, #tpu.memory_space<vmem_shared>> -> memref<128x128xf32, #tpu.memory_space<vmem_shared>>
        %dma_wait3A_65 = arith.constant 0 : i32
        %dma_wait3A_66 = tpu.memref_slice %arg16[%add3A_59, %dma_wait3A_65] : memref<10240x128xf32, #tpu.memory_space<vmem_shared>> -> memref<128x128xf32, #tpu.memory_space<vmem_shared>>
        tpu.wait_dma2 semaphore(%run_scoped3A : memref<!tpu.dma_semaphore, #tpu.memory_space<semaphore_mem>>) src(%dma_wait3A_66 : memref<128x128xf32, #tpu.memory_space<vmem_shared>>) dst(%arg14 : memref<128x128xf32, #tpu.memory_space<vmem>>)
        tpu.yield
      }) : () -> ()
      "tpu.region"() ({
        %run_scoped3A = tpu.sem_alloc : memref<!tpu.dma_semaphore, #tpu.memory_space<semaphore_mem>>
        %dma_start3A_60 = arith.constant 0 : i32
        %dma_start3A_61 = tpu.memref_slice %arg5[%arg0, %add3A_59, %dma_start3A_60] : memref<2x10240x128xf32, #tpu.memory_space<hbm>> -> memref<1x128x128xf32, #tpu.memory_space<hbm>>
        %dma_start3A_62 = tpu.memref_squeeze %dma_start3A_61 : memref<1x128x128xf32, #tpu.memory_space<hbm>> -> memref<128x128xf32, #tpu.memory_space<hbm>>
        %dma_start3A_63 = arith.constant 0 : i32
        %dma_start3A_64 = tpu.memref_slice %arg5[%arg0, %add3A_59, %dma_start3A_63] : memref<2x10240x128xf32, #tpu.memory_space<hbm>> -> memref<1x128x128xf32, #tpu.memory_space<hbm>>
        %dma_start3A_65 = tpu.memref_squeeze %dma_start3A_64 : memref<1x128x128xf32, #tpu.memory_space<hbm>> -> memref<128x128xf32, #tpu.memory_space<hbm>>
        tpu.enqueue_dma source(%arg14 : memref<128x128xf32, #tpu.memory_space<vmem>>) target(%dma_start3A_65 : memref<128x128xf32, #tpu.memory_space<hbm>>) target_semaphore(%run_scoped3A : memref<!tpu.dma_semaphore, #tpu.memory_space<semaphore_mem>>)
        %dma_wait3A = arith.constant 0 : i32
        %dma_wait3A_66 = tpu.memref_slice %arg5[%arg0, %add3A_59, %dma_wait3A] : memref<2x10240x128xf32, #tpu.memory_space<hbm>> -> memref<1x128x128xf32, #tpu.memory_space<hbm>>
        %dma_wait3A_67 = tpu.memref_squeeze %dma_wait3A_66 : memref<1x128x128xf32, #tpu.memory_space<hbm>> -> memref<128x128xf32, #tpu.memory_space<hbm>>
        %dma_wait3A_68 = arith.constant 0 : i32
        %dma_wait3A_69 = tpu.memref_slice %arg5[%arg0, %add3A_59, %dma_wait3A_68] : memref<2x10240x128xf32, #tpu.memory_space<hbm>> -> memref<1x128x128xf32, #tpu.memory_space<hbm>>
        %dma_wait3A_70 = tpu.memref_squeeze %dma_wait3A_69 : memref<1x128x128xf32, #tpu.memory_space<hbm>> -> memref<128x128xf32, #tpu.memory_space<hbm>>
        tpu.wait_dma2 semaphore(%run_scoped3A : memref<!tpu.dma_semaphore, #tpu.memory_space<semaphore_mem>>) src(%arg14 : memref<128x128xf32, #tpu.memory_space<vmem>>) dst(%dma_wait3A_70 : memref<128x128xf32, #tpu.memory_space<hbm>>)
        tpu.yield
      }) : () -> ()
    }
    %scan3A_53 = arith.constant 5 : i32
    return
  }
}

module attributes {stable_mosaic.version = 14 : i64} {
  func.func @_tcA_body(%arg0: i32, %arg1: memref<2x1280x128xf32, #tpu.memory_space<vmem>>, %arg2: memref<1280x128xf32, #tpu.memory_space<vmem>>, %arg3: memref<128x128xf32, #tpu.memory_space<vmem>>, %arg4: memref<128xf32, #tpu.memory_space<vmem>>, %arg5: memref<1280x128xf32, #tpu.memory_space<vmem>>, %arg6: memref<1280x128xf32, #tpu.memory_space<vmem>>) attributes {dimension_semantics = [#tpu.dimension_semantics<arbitrary>], iteration_bounds = array<i64: 8>, scalar_prefetch = 0 : i64, scratch_operands = 0 : i64, tpu.core_type = #tpu.core_type<tc>, window_params = [{transform_indices = @transform_0, window_bounds = array<i64: 2, 1280, 128>}, {transform_indices = @transform_1, window_bounds = array<i64: 1280, 128>}, {pipeline_mode = #tpu.pipeline_mode<synchronous>, transform_indices = @transform_2, window_bounds = array<i64: 128, 128>}, {pipeline_mode = #tpu.pipeline_mode<synchronous>, transform_indices = @transform_3, window_bounds = array<i64: 128>}, {transform_indices = @transform_4, window_bounds = array<i64: 1280, 128>}, {transform_indices = @transform_5, window_bounds = array<i64: 1280, 128>}]} {
    %get3A = arith.constant 0 : index
    %get3A_0 = arith.constant 0 : index
    %get3A_1 = arith.constant 0 : index
    %get3A_2 = vector.load %arg1[%get3A, %get3A_0, %get3A_1] : memref<2x1280x128xf32, #tpu.memory_space<vmem>>, vector<2x1280x128xf32>
    %slice3A = vector.extract_strided_slice %get3A_2 {offsets = [0, 0, 0], sizes = [1, 1280, 128], strides = [1, 1, 1]} : vector<2x1280x128xf32> to vector<1x1280x128xf32>
    %squeeze3A = vector.shape_cast %slice3A : vector<1x1280x128xf32> to vector<1280x128xf32>
    %slice3A_3 = vector.extract_strided_slice %get3A_2 {offsets = [1, 0, 0], sizes = [1, 1280, 128], strides = [1, 1, 1]} : vector<2x1280x128xf32> to vector<1x1280x128xf32>
    %squeeze3A_4 = vector.shape_cast %slice3A_3 : vector<1x1280x128xf32> to vector<1280x128xf32>
    %add3A = arith.addf %squeeze3A, %squeeze3A_4 : vector<1280x128xf32>
    %jit3A = arith.constant 1.000000e+00 : f32
    %max3A = vector.broadcast %jit3A : f32 to vector<1280x128xf32>
    %max3A_5 = arith.maximumf %max3A, %add3A : vector<1280x128xf32>
    %rsqrt3A = math.rsqrt %max3A_5 : vector<1280x128xf32>
    %get3A_6 = arith.constant 0 : index
    %get3A_7 = arith.constant 0 : index
    %get3A_8 = vector.load %arg2[%get3A_6, %get3A_7] : memref<1280x128xf32, #tpu.memory_space<vmem>>, vector<1280x128xf32>
    %mul3A = arith.mulf %get3A_8, %rsqrt3A : vector<1280x128xf32>
    %swap3A = arith.constant 0 : index
    %swap3A_9 = arith.constant 0 : index
    %swap3A_10 = vector.load %arg5[%swap3A, %swap3A_9] : memref<1280x128xf32, #tpu.memory_space<vmem>>, vector<1280x128xf32>
    tpu.vector_store %arg5[%swap3A, %swap3A_9], %mul3A {strides = array<i32>} : memref<1280x128xf32, #tpu.memory_space<vmem>>, vector<1280x128xf32>,
    %get3A_11 = arith.constant 0 : index
    %get3A_12 = arith.constant 0 : index
    %get3A_13 = vector.load %arg3[%get3A_11, %get3A_12] : memref<128x128xf32, #tpu.memory_space<vmem>>, vector<128x128xf32>
    %dot_general3A = arith.constant dense<0.000000e+00> : vector<1280x128xf32>
    %dot_general3A_14 = tpu.matmul %get3A_8, %get3A_13, %dot_general3A {dimension_numbers = #tpu.dot_dimension_numbers<[1], [1], [0], [0], [0, 0, 1, 0], [], []>, transpose_lhs_hint = false} : vector<1280x128xf32>, vector<128x128xf32>, vector<1280x128xf32> -> vector<1280x128xf32>
    %get3A_15 = arith.constant 0 : index
    %get3A_16 = vector.load %arg4[%get3A_15] : memref<128xf32, #tpu.memory_space<vmem>>, vector<128xf32>
    %broadcast_in_dim3A = vector.shape_cast %get3A_16 : vector<128xf32> to vector<1x128xf32>
    %add3A_17 = vector.broadcast %broadcast_in_dim3A : vector<1x128xf32> to vector<1280x128xf32>
    %add3A_18 = arith.addf %dot_general3A_14, %add3A_17 : vector<1280x128xf32>
    %swap3A_19 = arith.constant 0 : index
    %swap3A_20 = arith.constant 0 : index
    %swap3A_21 = vector.load %arg6[%swap3A_19, %swap3A_20] : memref<1280x128xf32, #tpu.memory_space<vmem>>, vector<1280x128xf32>
    tpu.vector_store %arg6[%swap3A_19, %swap3A_20], %add3A_18 {strides = array<i32>} : memref<1280x128xf32, #tpu.memory_space<vmem>>, vector<1280x128xf32>,
    return
  }
  func.func @transform_0(%arg0: i32) -> (i32, i32, i32) {
    %c0_i32 = arith.constant 0 : i32
    %c0_i32_0 = arith.constant 0 : i32
    %c0_i32_1 = arith.constant 0 : i32
    return %c0_i32, %arg0, %c0_i32_0 : i32, i32, i32
  }
  func.func @transform_1(%arg0: i32) -> (i32, i32) {
    %c0_i32 = arith.constant 0 : i32
    %c0_i32_0 = arith.constant 0 : i32
    return %arg0, %c0_i32 : i32, i32
  }
  func.func @transform_2(%arg0: i32) -> (i32, i32) {
    %c0_i32 = arith.constant 0 : i32
    %c0_i32_0 = arith.constant 0 : i32
    %c0_i32_1 = arith.constant 0 : i32
    return %c0_i32, %c0_i32_0 : i32, i32
  }
  func.func @transform_3(%arg0: i32) -> i32 {
    %c0_i32 = arith.constant 0 : i32
    %c0_i32_0 = arith.constant 0 : i32
    return %c0_i32 : i32
  }
  func.func @transform_4(%arg0: i32) -> (i32, i32) {
    %c0_i32 = arith.constant 0 : i32
    %c0_i32_0 = arith.constant 0 : i32
    return %arg0, %c0_i32 : i32, i32
  }
  func.func @transform_5(%arg0: i32) -> (i32, i32) {
    %c0_i32 = arith.constant 0 : i32
    %c0_i32_0 = arith.constant 0 : i32
    return %arg0, %c0_i32 : i32, i32
  }
}

module attributes {stable_mosaic.version = 14 : i64} {
  func.func @_tcB_body(%arg0: i32, %arg1: memref<2x1280x128xf32, #tpu.memory_space<vmem>>, %arg2: memref<2x1280x128xf32, #tpu.memory_space<vmem>>, %arg3: memref<128x128xf32, #tpu.memory_space<vmem>>, %arg4: memref<128xf32, #tpu.memory_space<vmem>>, %arg5: memref<1280x128xf32, #tpu.memory_space<vmem>>, %arg6: memref<1280x128xf32, #tpu.memory_space<vmem>>, %arg7: memref<1280x128xf32, #tpu.memory_space<vmem>>) attributes {dimension_semantics = [#tpu.dimension_semantics<arbitrary>], iteration_bounds = array<i64: 8>, scalar_prefetch = 0 : i64, scratch_operands = 0 : i64, tpu.core_type = #tpu.core_type<tc>, window_params = [{transform_indices = @transform_0, window_bounds = array<i64: 2, 1280, 128>}, {transform_indices = @transform_1, window_bounds = array<i64: 2, 1280, 128>}, {pipeline_mode = #tpu.pipeline_mode<synchronous>, transform_indices = @transform_2, window_bounds = array<i64: 128, 128>}, {pipeline_mode = #tpu.pipeline_mode<synchronous>, transform_indices = @transform_3, window_bounds = array<i64: 128>}, {transform_indices = @transform_4, window_bounds = array<i64: 1280, 128>}, {transform_indices = @transform_5, window_bounds = array<i64: 1280, 128>}, {transform_indices = @transform_6, window_bounds = array<i64: 1280, 128>}]} {
    %get3A = arith.constant 0 : index
    %get3A_0 = arith.constant 0 : index
    %get3A_1 = arith.constant 0 : index
    %get3A_2 = vector.load %arg1[%get3A, %get3A_0, %get3A_1] : memref<2x1280x128xf32, #tpu.memory_space<vmem>>, vector<2x1280x128xf32>
    %slice3A = vector.extract_strided_slice %get3A_2 {offsets = [0, 0, 0], sizes = [1, 1280, 128], strides = [1, 1, 1]} : vector<2x1280x128xf32> to vector<1x1280x128xf32>
    %squeeze3A = vector.shape_cast %slice3A : vector<1x1280x128xf32> to vector<1280x128xf32>
    %slice3A_3 = vector.extract_strided_slice %get3A_2 {offsets = [1, 0, 0], sizes = [1, 1280, 128], strides = [1, 1, 1]} : vector<2x1280x128xf32> to vector<1x1280x128xf32>
    %squeeze3A_4 = vector.shape_cast %slice3A_3 : vector<1x1280x128xf32> to vector<1280x128xf32>
    %add3A = arith.addf %squeeze3A, %squeeze3A_4 : vector<1280x128xf32>
    %jit3A = arith.constant 1.000000e+00 : f32
    %max3A = vector.broadcast %jit3A : f32 to vector<1280x128xf32>
    %max3A_5 = arith.maximumf %max3A, %add3A : vector<1280x128xf32>
    %rsqrt3A = math.rsqrt %max3A_5 : vector<1280x128xf32>
    %get3A_6 = arith.constant 0 : index
    %get3A_7 = arith.constant 0 : index
    %get3A_8 = arith.constant 0 : index
    %get3A_9 = vector.load %arg2[%get3A_6, %get3A_7, %get3A_8] : memref<2x1280x128xf32, #tpu.memory_space<vmem>>, vector<1x1280x128xf32>
    %get3A_10 = vector.shape_cast %get3A_9 : vector<1x1280x128xf32> to vector<1280x128xf32>
    %get3A_11 = arith.constant 1 : index
    %get3A_12 = arith.constant 0 : index
    %get3A_13 = arith.constant 0 : index
    %get3A_14 = vector.load %arg2[%get3A_11, %get3A_12, %get3A_13] : memref<2x1280x128xf32, #tpu.memory_space<vmem>>, vector<1x1280x128xf32>
    %get3A_15 = vector.shape_cast %get3A_14 : vector<1x1280x128xf32> to vector<1280x128xf32>
    %add3A_16 = arith.addf %get3A_10, %get3A_15 : vector<1280x128xf32>
    %mul3A = arith.mulf %add3A_16, %rsqrt3A : vector<1280x128xf32>
    %get3A_17 = arith.constant 0 : index
    %get3A_18 = arith.constant 0 : index
    %get3A_19 = vector.load %arg3[%get3A_17, %get3A_18] : memref<128x128xf32, #tpu.memory_space<vmem>>, vector<128x128xf32>
    %dot_general3A = arith.constant dense<0.000000e+00> : vector<1280x128xf32>
    %dot_general3A_20 = tpu.matmul %mul3A, %get3A_19, %dot_general3A {dimension_numbers = #tpu.dot_dimension_numbers<[1], [1], [0], [0], [0, 0, 1, 0], [], []>, transpose_lhs_hint = false} : vector<1280x128xf32>, vector<128x128xf32>, vector<1280x128xf32> -> vector<1280x128xf32>
    %get3A_21 = arith.constant 0 : index
    %get3A_22 = vector.load %arg4[%get3A_21] : memref<128xf32, #tpu.memory_space<vmem>>, vector<128xf32>
    %broadcast_in_dim3A = vector.shape_cast %get3A_22 : vector<128xf32> to vector<1x128xf32>
    %add3A_23 = vector.broadcast %broadcast_in_dim3A : vector<1x128xf32> to vector<1280x128xf32>
    %add3A_24 = arith.addf %dot_general3A_20, %add3A_23 : vector<1280x128xf32>
    %max3A_25 = arith.constant 0.000000e+00 : f32
    %max3A_26 = vector.broadcast %max3A_25 : f32 to vector<1280x128xf32>
    %max3A_27 = arith.maximumf %add3A_24, %max3A_26 : vector<1280x128xf32>
    %get3A_28 = arith.constant 0 : index
    %get3A_29 = arith.constant 0 : index
    %get3A_30 = vector.load %arg5[%get3A_28, %get3A_29] : memref<1280x128xf32, #tpu.memory_space<vmem>>, vector<1280x128xf32>
    %add3A_31 = arith.addf %max3A_27, %get3A_30 : vector<1280x128xf32>
    %swap3A = arith.constant 0 : index
    %swap3A_32 = arith.constant 0 : index
    %swap3A_33 = vector.load %arg6[%swap3A, %swap3A_32] : memref<1280x128xf32, #tpu.memory_space<vmem>>, vector<1280x128xf32>
    tpu.vector_store %arg6[%swap3A, %swap3A_32], %add3A_31 {strides = array<i32>} : memref<1280x128xf32, #tpu.memory_space<vmem>>, vector<1280x128xf32>,
    %mul3A_34 = arith.mulf %add3A_31, %rsqrt3A : vector<1280x128xf32>
    %swap3A_35 = arith.constant 0 : index
    %swap3A_36 = arith.constant 0 : index
    %swap3A_37 = vector.load %arg7[%swap3A_35, %swap3A_36] : memref<1280x128xf32, #tpu.memory_space<vmem>>, vector<1280x128xf32>
    tpu.vector_store %arg7[%swap3A_35, %swap3A_36], %mul3A_34 {strides = array<i32>} : memref<1280x128xf32, #tpu.memory_space<vmem>>, vector<1280x128xf32>,
    return
  }
  func.func @transform_0(%arg0: i32) -> (i32, i32, i32) {
    %c0_i32 = arith.constant 0 : i32
    %c0_i32_0 = arith.constant 0 : i32
    %c0_i32_1 = arith.constant 0 : i32
    return %c0_i32, %arg0, %c0_i32_0 : i32, i32, i32
  }
  func.func @transform_1(%arg0: i32) -> (i32, i32, i32) {
    %c0_i32 = arith.constant 0 : i32
    %c0_i32_0 = arith.constant 0 : i32
    %c0_i32_1 = arith.constant 0 : i32
    return %c0_i32, %arg0, %c0_i32_0 : i32, i32, i32
  }
  func.func @transform_2(%arg0: i32) -> (i32, i32) {
    %c0_i32 = arith.constant 0 : i32
    %c0_i32_0 = arith.constant 0 : i32
    %c0_i32_1 = arith.constant 0 : i32
    return %c0_i32, %c0_i32_0 : i32, i32
  }
  func.func @transform_3(%arg0: i32) -> i32 {
    %c0_i32 = arith.constant 0 : i32
    %c0_i32_0 = arith.constant 0 : i32
    return %c0_i32 : i32
  }
  func.func @transform_4(%arg0: i32) -> (i32, i32) {
    %c0_i32 = arith.constant 0 : i32
    %c0_i32_0 = arith.constant 0 : i32
    return %arg0, %c0_i32 : i32, i32
  }
  func.func @transform_5(%arg0: i32) -> (i32, i32) {
    %c0_i32 = arith.constant 0 : i32
    %c0_i32_0 = arith.constant 0 : i32
    return %arg0, %c0_i32 : i32, i32
  }
  func.func @transform_6(%arg0: i32) -> (i32, i32) {
    %c0_i32 = arith.constant 0 : i32
    %c0_i32_0 = arith.constant 0 : i32
    return %arg0, %c0_i32 : i32, i32
  }
}

module attributes {stable_mosaic.version = 14 : i64} {
  func.func @_tcC_body(%arg0: i32, %arg1: memref<2x1280x128xf32, #tpu.memory_space<vmem>>, %arg2: memref<2x1280x128xf32, #tpu.memory_space<vmem>>, %arg3: memref<128x128xf32, #tpu.memory_space<vmem>>, %arg4: memref<128xf32, #tpu.memory_space<vmem>>, %arg5: memref<1280x128xf32, #tpu.memory_space<vmem>>, %arg6: memref<1280x128xf32, #tpu.memory_space<vmem>>) attributes {dimension_semantics = [#tpu.dimension_semantics<arbitrary>], iteration_bounds = array<i64: 8>, scalar_prefetch = 0 : i64, scratch_operands = 0 : i64, tpu.core_type = #tpu.core_type<tc>, window_params = [{transform_indices = @transform_0, window_bounds = array<i64: 2, 1280, 128>}, {transform_indices = @transform_1, window_bounds = array<i64: 2, 1280, 128>}, {pipeline_mode = #tpu.pipeline_mode<synchronous>, transform_indices = @transform_2, window_bounds = array<i64: 128, 128>}, {pipeline_mode = #tpu.pipeline_mode<synchronous>, transform_indices = @transform_3, window_bounds = array<i64: 128>}, {transform_indices = @transform_4, window_bounds = array<i64: 1280, 128>}, {transform_indices = @transform_5, window_bounds = array<i64: 1280, 128>}]} {
    %get3A = arith.constant 0 : index
    %get3A_0 = arith.constant 0 : index
    %get3A_1 = arith.constant 0 : index
    %get3A_2 = vector.load %arg1[%get3A, %get3A_0, %get3A_1] : memref<2x1280x128xf32, #tpu.memory_space<vmem>>, vector<2x1280x128xf32>
    %slice3A = vector.extract_strided_slice %get3A_2 {offsets = [0, 0, 0], sizes = [1, 1280, 128], strides = [1, 1, 1]} : vector<2x1280x128xf32> to vector<1x1280x128xf32>
    %squeeze3A = vector.shape_cast %slice3A : vector<1x1280x128xf32> to vector<1280x128xf32>
    %slice3A_3 = vector.extract_strided_slice %get3A_2 {offsets = [1, 0, 0], sizes = [1, 1280, 128], strides = [1, 1, 1]} : vector<2x1280x128xf32> to vector<1x1280x128xf32>
    %squeeze3A_4 = vector.shape_cast %slice3A_3 : vector<1x1280x128xf32> to vector<1280x128xf32>
    %add3A = arith.addf %squeeze3A, %squeeze3A_4 : vector<1280x128xf32>
    %jit3A = arith.constant 1.000000e+00 : f32
    %max3A = vector.broadcast %jit3A : f32 to vector<1280x128xf32>
    %max3A_5 = arith.maximumf %max3A, %add3A : vector<1280x128xf32>
    %rsqrt3A = math.rsqrt %max3A_5 : vector<1280x128xf32>
    %get3A_6 = arith.constant 0 : index
    %get3A_7 = arith.constant 0 : index
    %get3A_8 = arith.constant 0 : index
    %get3A_9 = vector.load %arg2[%get3A_6, %get3A_7, %get3A_8] : memref<2x1280x128xf32, #tpu.memory_space<vmem>>, vector<1x1280x128xf32>
    %get3A_10 = vector.shape_cast %get3A_9 : vector<1x1280x128xf32> to vector<1280x128xf32>
    %get3A_11 = arith.constant 1 : index
    %get3A_12 = arith.constant 0 : index
    %get3A_13 = arith.constant 0 : index
    %get3A_14 = vector.load %arg2[%get3A_11, %get3A_12, %get3A_13] : memref<2x1280x128xf32, #tpu.memory_space<vmem>>, vector<1x1280x128xf32>
    %get3A_15 = vector.shape_cast %get3A_14 : vector<1x1280x128xf32> to vector<1280x128xf32>
    %add3A_16 = arith.addf %get3A_10, %get3A_15 : vector<1280x128xf32>
    %mul3A = arith.mulf %add3A_16, %rsqrt3A : vector<1280x128xf32>
    %get3A_17 = arith.constant 0 : index
    %get3A_18 = arith.constant 0 : index
    %get3A_19 = vector.load %arg3[%get3A_17, %get3A_18] : memref<128x128xf32, #tpu.memory_space<vmem>>, vector<128x128xf32>
    %dot_general3A = arith.constant dense<0.000000e+00> : vector<1280x128xf32>
    %dot_general3A_20 = tpu.matmul %mul3A, %get3A_19, %dot_general3A {dimension_numbers = #tpu.dot_dimension_numbers<[1], [1], [0], [0], [0, 0, 1, 0], [], []>, transpose_lhs_hint = false} : vector<1280x128xf32>, vector<128x128xf32>, vector<1280x128xf32> -> vector<1280x128xf32>
    %get3A_21 = arith.constant 0 : index
    %get3A_22 = vector.load %arg4[%get3A_21] : memref<128xf32, #tpu.memory_space<vmem>>, vector<128xf32>
    %broadcast_in_dim3A = vector.shape_cast %get3A_22 : vector<128xf32> to vector<1x128xf32>
    %add3A_23 = vector.broadcast %broadcast_in_dim3A : vector<1x128xf32> to vector<1280x128xf32>
    %add3A_24 = arith.addf %dot_general3A_20, %add3A_23 : vector<1280x128xf32>
    %max3A_25 = arith.constant 0.000000e+00 : f32
    %max3A_26 = vector.broadcast %max3A_25 : f32 to vector<1280x128xf32>
    %max3A_27 = arith.maximumf %add3A_24, %max3A_26 : vector<1280x128xf32>
    %get3A_28 = arith.constant 0 : index
    %get3A_29 = arith.constant 0 : index
    %get3A_30 = vector.load %arg5[%get3A_28, %get3A_29] : memref<1280x128xf32, #tpu.memory_space<vmem>>, vector<1280x128xf32>
    %add3A_31 = arith.addf %max3A_27, %get3A_30 : vector<1280x128xf32>
    %swap3A = arith.constant 0 : index
    %swap3A_32 = arith.constant 0 : index
    %swap3A_33 = vector.load %arg6[%swap3A, %swap3A_32] : memref<1280x128xf32, #tpu.memory_space<vmem>>, vector<1280x128xf32>
    tpu.vector_store %arg6[%swap3A, %swap3A_32], %add3A_31 {strides = array<i32>} : memref<1280x128xf32, #tpu.memory_space<vmem>>, vector<1280x128xf32>,
    return
  }
  func.func @transform_0(%arg0: i32) -> (i32, i32, i32) {
    %c0_i32 = arith.constant 0 : i32
    %c0_i32_0 = arith.constant 0 : i32
    %c0_i32_1 = arith.constant 0 : i32
    return %c0_i32, %arg0, %c0_i32_0 : i32, i32, i32
  }
  func.func @transform_1(%arg0: i32) -> (i32, i32, i32) {
    %c0_i32 = arith.constant 0 : i32
    %c0_i32_0 = arith.constant 0 : i32
    %c0_i32_1 = arith.constant 0 : i32
    return %c0_i32, %arg0, %c0_i32_0 : i32, i32, i32
  }
  func.func @transform_2(%arg0: i32) -> (i32, i32) {
    %c0_i32 = arith.constant 0 : i32
    %c0_i32_0 = arith.constant 0 : i32
    %c0_i32_1 = arith.constant 0 : i32
    return %c0_i32, %c0_i32_0 : i32, i32
  }
  func.func @transform_3(%arg0: i32) -> i32 {
    %c0_i32 = arith.constant 0 : i32
    %c0_i32_0 = arith.constant 0 : i32
    return %c0_i32 : i32
  }
  func.func @transform_4(%arg0: i32) -> (i32, i32) {
    %c0_i32 = arith.constant 0 : i32
    %c0_i32_0 = arith.constant 0 : i32
    return %arg0, %c0_i32 : i32, i32
  }
  func.func @transform_5(%arg0: i32) -> (i32, i32) {
    %c0_i32 = arith.constant 0 : i32
    %c0_i32_0 = arith.constant 0 : i32
    return %arg0, %c0_i32 : i32, i32
  }
}

</mosaic_0001>

<sc_bundles>
// kernel: kernel.11.cloned.1.call-start
scs
__scs_entry_jumppad:
0x0: {  	(pc) =	sbr.rel $0x88, $3  }
0x1: {  	(tag) =	ssettag $0x0;
	lr =	simm.s32 $0x1  }
0x2: {  	[smem:$0x3F98] =	sst lr;
	_ =	strace $0xD0000000  }
0x3: {  	_ = 	snop  }
0x4: {  	_ = 	snop  }
0x5: {  	_ = 	snop  }
0x6: {  	_ = 	snop  }
0x7: {  	_ = 	snop  }
__scs_overlays_trampoline_lowered:
0x8: {  	[smem:$0x3FA7] =	sst s0  }
0x9: {  	[smem:$0x3FA8] =	sst s1  }
0xa: {  	[smem:$0x3FA9] =	sst s2  }
0xb: {  	[smem:$0x3FAA] =	sst s3  }
0xc: {  	[smem:$0x3FAB] =	sst s4  }
0xd: {  	[smem:$0x3FAC] =	sst s5  }
0xe: {  	[smem:$0x3FAD] =	sst s6  }
0xf: {  	[smem:$0x3FAE] =	sst s7  }
0x10: {  	[smem:$0x3FAF] =	sst s8  }
0x11: {  	[smem:$0x3FB0] =	sst s9;
	s0 =	simm.s32 @!p0 $0x0  }
0x12: {  	s1 =	sld [smem:$0x3F96];
	s0 =	simm.s32 @p0 $0x1  }
0x13: {  	[smem:$0x3FB1] =	sst s0;
	s0 =	simm.s32 @!p1 $0x0  }
0x14: {  	s2 =	sld [smem:$0x3F95];
	s0 =	simm.s32 @p1 $0x1  }
0x15: {  	[smem:$0x3FB2] =	sst s0;
	s0 =	simm.s32 @!p2 $0x0  }
0x16: {  	s3 =	sld [smem:$0x3FDB];
	s0 =	simm.s32 @p2 $0x1  }
0x17: {  	s4 =	simm.s32 $0x1BF5;
	[smem:$0x3FB4] =	sst s0  }
0x18: {  	s0 =	sld [smem:$0x3F97];
	_ =	swait.ge [sflag:s4], $0x0  }
0x19: {  	s7 =	sld [smem:$0x3F98]  }
0x1a: {  	s8 =	sadd.s32 $0xFFFFE003, lr  }
0x1b: {  	s9 =	sadd.s32 $0xFFFFFEF7, lr;
	s5 =	simm.s32 $0xFFFFFFFF;
	p2 =	slt.u32 s8, $0xFFFFF086  }
0x1c: {  	p1 =	slt.u32 s9, $0xF7A;
	s5 =	simm.s32 @!p2 $0x0  }
0x1d: {  	s5 =	simm.s32 @p1 $0x1;
	p0 =	seq.s32 s7, s2  }
0x1e: {  	s7 =	smul.u32 @!p0 $0xF7A, s2;
	p2 =	seq.s32 @!p0 s5, $0x0  }
0x1f: {  	s9 =	smul.u32 $0xF7A, s1;
	s8 =	simm.s32 @!p0 $0x1BF5;
	p2 =	por !p2, p0  }
0x20: {  	[sflag:s8] =	ssyncset.s32 @!p0 $0xFFFFF086;
	s6 =	sadd.s32 @!p0 s3, s7;
	s7 =	simm.s32 @!p0 $0x108  }
0x21: {  	s3 =	sadd.s32 s3, s9;
	s6 =	sadd.s32 @!p0 $0x88, s6;
	s7 =	simm.s32 @p2 $0x1082  }
0x22: {  	[simem:s7], [sflag:s8] =	dma.local @!p0 [hbm:s6], $0xF7A  }
0x23: {  	s9 =	sor.u32 $0xD0000000, s2;
	s6 =	simm.s32 $0x108;
	_ =	swait.ge @!p0 [sflag:s8], $0x0  }
0x24: {  	s3 =	sadd.s32 $0x88, s3;
	s6 =	simm.s32 @!p1 $0x1082;
	[sflag:s4] =	ssyncset.s32 $0xFFFFF086  }
0x25: {  	[simem:s6], [sflag:s4] =	dma.local [hbm:s3], $0xF7A  }
0x26: {  	[smem:$0x3F98] =	sst s1;
	(tag) =	ssettag s2;
	_ =	strace s9  }
0x27: {  	s1 =	sld [smem:$0x3FA8]  }
0x28: {  	s2 =	sld [smem:$0x3FA9]  }
0x29: {  	s4 =	sld [smem:$0x3FAB]  }
0x2a: {  	p0 =	seq.s32 s5, $0x0;
	s5 =	sld [smem:$0x3FAC]  }
0x2b: {  	s6 =	sld [smem:$0x3FAD]  }
0x2c: {  	s7 =	sld [smem:$0x3FAE]  }
0x2d: {  	s3 =	simm.s32 $0x108;
	s8 =	sld [smem:$0x3FAF]  }
0x2e: {  	s3 =	simm.s32 @!p0 $0x1082;
	s9 =	sld [smem:$0x3FB0]  }
0x2f: {  	lr =	sadd.s32 s0, s3;
	s0 =	sld [smem:$0x3FA7]  }
0x30: {  	s3 =	sld [smem:$0x3FAA]  }
0x31: {  	[smem:$0x3FB3] =	sst s10  }
0x32: {  	s10 =	sld [smem:$0x3FB1];
	_ =	sdelay $0x3  }
0x33: {  	p0 =	seq.s32 s10, $0x1;
	s10 =	sld [smem:$0x3FB3];
	_ =	sdelay $0x3  }
0x34: {  	[smem:$0x3FB3] =	sst s10  }
0x35: {  	s10 =	sld [smem:$0x3FB2];
	_ =	sdelay $0x3  }
0x36: {  	p1 =	seq.s32 s10, $0x1;
	s10 =	sld [smem:$0x3FB3];
	_ =	sdelay $0x3  }
0x37: {  	[smem:$0x3FB3] =	sst s10  }
0x38: {  	s10 =	sld [smem:$0x3FB4]  }
0x39: {  	_ = 	snop;
	(pc) =	sbr.ind lr, $3  }
0x3a: {  	_ = 	snop  }
0x3b: {  	_ = 	snop  }
0x3c: {  	p2 =	seq.s32 s10, $0x1;
	s10 =	sld [smem:$0x3FB3]  }
0x3d: {  	_ =	shalt  }
0x3e: {  	_ =	shalt  }
0x3f: {  	_ =	shalt  }
0x40: {  	_ =	shalt  }
0x41: {  	_ =	shalt  }
0x42: {  	_ =	shalt  }
0x43: {  	_ =	shalt  }
0x44: {  	_ =	shalt  }
0x45: {  	_ =	shalt  }
0x46: {  	_ =	shalt  }
0x47: {  	_ =	shalt  }
0x48: {  	_ =	shalt  }
0x49: {  	_ =	shalt  }
0x4a: {  	_ =	shalt  }
0x4b: {  	_ =	shalt  }
0x4c: {  	_ =	shalt  }
0x4d: {  	_ =	shalt  }
0x4e: {  	_ =	shalt  }
0x4f: {  	_ =	shalt  }
0x50: {  	_ =	shalt  }
0x51: {  	_ =	shalt  }
0x52: {  	_ =	shalt  }
0x53: {  	_ =	shalt  }
0x54: {  	_ =	shalt  }
0x55: {  	_ =	shalt  }
0x56: {  	_ =	shalt  }
0x57: {  	_ =	shalt  }
0x58: {  	_ =	shalt  }
0x59: {  	_ =	shalt  }
0x5a: {  	_ =	shalt  }
0x5b: {  	_ =	shalt  }
0x5c: {  	_ =	shalt  }
0x5d: {  	_ =	shalt  }
0x5e: {  	_ =	shalt  }
0x5f: {  	_ =	shalt  }
0x60: {  	_ =	shalt  }
0x61: {  	_ =	shalt  }
0x62: {  	_ =	shalt  }
0x63: {  	_ =	shalt  }
0x64: {  	_ =	shalt  }
0x65: {  	_ =	shalt  }
0x66: {  	_ =	shalt  }
0x67: {  	_ =	shalt  }
0x68: {  	_ =	shalt  }
0x69: {  	_ =	shalt  }
0x6a: {  	_ =	shalt  }
0x6b: {  	_ =	shalt  }
0x6c: {  	_ =	shalt  }
0x6d: {  	_ =	shalt  }
0x6e: {  	_ =	shalt  }
0x6f: {  	_ =	shalt  }
0x70: {  	_ =	shalt  }
0x71: {  	_ =	shalt  }
0x72: {  	_ =	shalt  }
0x73: {  	_ =	shalt  }
0x74: {  	_ =	shalt  }
0x75: {  	_ =	shalt  }
0x76: {  	_ =	shalt  }
0x77: {  	_ =	shalt  }
0x78: {  	_ =	shalt  }
0x79: {  	_ =	shalt  }
0x7a: {  	_ =	shalt  }
0x7b: {  	_ =	shalt  }
0x7c: {  	_ =	shalt  }
0x7d: {  	_ =	shalt  }
0x7e: {  	_ =	shalt  }
0x7f: {  	_ =	shalt  }
0x80: {  	_ =	shalt  }
0x81: {  	_ =	shalt  }
0x82: {  	_ =	shalt  }
0x83: {  	_ =	shalt  }
0x84: {  	_ =	shalt  }
0x85: {  	_ =	shalt  }
0x86: {  	_ =	shalt  }
0x87: {  	_ =	shalt  }
.Lfunc_end0:
.L_simem_size_0:
called_computation.1_lowered:
.L_overlay_start_0:
0x88: {  	s2 =	sld [smem:$0x3FD9]  }
0x89: {  	s3 =	sld [smem:$0x3FFE];
	_ =	sdelay $0x1  }
0x8a: {  	s1 =	srdreg.scid  }
0x8b: {  	s0 =	sand.u32 $0x1, s1  }
0x8c: {  	s17 =	sshll.u32 s0, $0xA;
	s2 =	sadd.s32 s3, s2  }
0x8d: {  	s2 =	sadd.s32 s2, s17  }
0x8e: {  	[smem:$0x3FBF] =	sst s2  }
0x8f: {  	_ = 	snop  }
0x90: {  	s2 =	sld [smem:$0x3FD0];
	(tm) =	ssettm $0x1  }
0x91: {  	s18 =	sld [smem:$0x3FFB];
	_ =	sdelay $0x3  }
0x92: {  	_ =	strace s18  }
0x93: {  	s3 =	sld [smem:$0x3FFC];
	_ =	sdelay $0x3  }
0x94: {  	_ =	strace s3  }
0x95: {  	s3 =	sld [smem:$0x3FFD];
	_ =	sdelay $0x3  }
0x96: {  	_ =	strace s3  }
0x97: {  	_ =	strace $0x8FFFFFFF  }
0x98: {  	s19 =	sld [smem:$0x3FDB];
	_ =	sdelay $0x1  }
0x99: {  	s4 =	simm.s32 $_scs_section_size  }
0x9a: {  	s5 =	simm.s32 $_size__tile_overlayer_lowered;
	s6 =	simm.s32 $_tile_overlayer_lowered  }
0x9b: {  	s22 =	simm.s32 $0x1BFF;
	s21 =	sshll.u32 s6, $0x1;
	s3 =	sadd.s32 s4, s19  }
0x9c: {  	s7 =	simm.s32 $0x0;
	s20 =	sshll.u32 s5, $0x1;
	s5 =	sadd.s32 s21, s3  }
0x9d: {  	[timem:s7], [sflag:s22] =	dma.local [hbm:s5], s20  }
0x9e: {  	_ =	swait.ge [sflag:s22], s20  }
0x9f: {  	s4 =	ssub.s32 $0x0, s20;
	[sflag:s22] =	ssyncset.done $0x0  }
0xa0: {  	[sflag:s22] =	ssyncadd.s32 s4;
	_ =	sdelay $0x1  }
0xa1: {  	s23 =	simm.s32 $0x1B8B  }
0xa2: {  	_ =	swait.ge [sflag:s23], $0x1  }
0xa3: {  	[sflag:s23] =	ssyncset.done $0x0  }
0xa4: {  	s25 =	simm.s32 $0x1B8E;
	s24 =	sld [smem:$0x3FFE];
	[sflag:s23] =	ssyncadd.s32 $0xFFFFFFFF  }
0xa5: {  	s26 =	simm.s32 $execute0_lowered;
	[smem:$0x3FD2] =	sst s25  }
0xa6: {  	s5 =	sshll.u32 s26, $0x1;
	_ =	strace $0x80000049;
	[dreg:$0x1] =	wrdreg $0xFFFFFFFF  }
0xa7: {  	s28 =	simm.s32 $_size_execute0_lowered;
	s3 =	sadd.s32 s3, s5;
	[dreg:$0x0] =	wrdreg $0x0  }
0xa8: {  	s5 =	sshll.u32 s28, $0x1;
	[dreg:$0x2] =	wrdreg s3  }
0xa9: {  	[dreg:$0x3] =	wrdreg s5  }
0xaa: {  	[dreg:$0x4] =	wrdreg $0xC0  }
0xab: {  	_ =	task [dreg:s7], $0x5FFFF  }
0xac: {  	[dreg:$0x1] =	wrdreg $0xFFFFFFFF  }
0xad: {  	[dreg:$0x0] =	wrdreg $0x60  }
0xae: {  	[dreg:$0x2] =	wrdreg s24  }
0xaf: {  	[dreg:$0x3] =	wrdreg s2  }
0xb0: {  	[dreg:$0x4] =	wrdreg $0x84000  }
0xb1: {  	[dreg:$0x5] =	wrdreg $0x9  }
0xb2: {  	_ =	task.clear_ibuf [dreg:s7], $0x6FFFF;
	_ =	strace $0x90000049  }
0xb3: {  	s29 =	simm.s32 $0x9;
	_ =	strace $0x8000004B  }
0xb4: {  	_ =	swait.ge [sflag:s29], $0x1  }
0xb5: {  	[sflag:s29] =	ssyncadd.s32 $0xFFFFFFFF  }
0xb6: {  	_ =	strace $0x9000004B  }
0xb7: {  	_ =	sfence  }
0xb8: {  	s30 =	sld [smem:$0x0];
	_ =	sdelay $0x2  }
0xb9: {  	s31 =	sshll.u32 s1, $0xD;
	s1 =	sshrl.u32 s1, $0x2  }
0xba: {  	s3 =	sand.u32 $0x4000, s31;
	s1 =	sadd.s32 s1, s30  }
0xbb: {  	s0 =	sor.u32 s3, s0;
	s1 =	sshll.u32 s1, $0x11  }
0xbc: {  	s0 =	sor.u32 s1, s0  }
0xbd: {  	s0 =	sadd.s32 $0x8F2B, s0  }
0xbe: {  	[sflag:s0] =	ssyncadd.remote.s32 $0x1  }
0xbf: {  	_ =	sfence.sel $0xFFFF  }
0xc0: {  	[dreg:$0x0] =	wrdreg $0xFFFFFFFF;
	(pc) =	sbr.abs _section_cstart, $3  }
0xc1: {  	[dreg:$0x1] =	wrdreg $0xFFFFFFFF  }
0xc2: {  	_ =	task.clear_ibuf [dreg:s7], $0x2FFFF;
	_ =	strace $0x9FFFFFFF  }
0xc3: {  	(tm) =	ssettm $0x7FFFFFFF  }
tec
execute0_lowered:
.L_overlay_start_1:
0x0: {  	(tag) =	ssettag $0x1  }
0x1: {  	s1 =	srdreg.scid  }
0x2: {  	s14 =	stileid.u32;
	s0 =	rddreg [dreg:$0x0]  }
0x3: {  	s3 =	rddreg [dreg:$0x1];
	s28 =	simm.s32 $0x4400;
	s29 =	simm.s32 $0x5  }
0x4: {  	s30 =	simm.s32 $0x3;
	s2 =	sand.u32 $0x1, s1;
	s23 =	sshll.u32 s14, $0x1  }
0x5: {  	s31 =	simm.s32 $0x6;
	s1 =	simm.s32 $0x0;
	s4 =	sor.u32 s2, s23  }
0x6: {  	s6 =	sadd.s32 $0x53600, s0;
	s8 =	sadd.s32 $0x85600, s0;
	s4 =	smul.u32 $0x2800, s4  }
0x7: {  	s11 =	smul.u32 $0x14000, s14;
	s5 =	ssub.s32 $0x2, s2;
	[smem:$0x7FF] =	sst s1  }
0x8: {  	s26 =	smul.u32 $0x140000, s2;
	s7 =	sshrl.u32 s5, $0x1;
	s4 =	sshrl.u32 s4, $0x3  }
0x9: {  	s2 =	smul.u32 $0x2800, s2;
	s5 =	ssub.s32 s5, s7;
	s24 =	sadd.s32 s6, s4  }
0xa: {  	s25 =	sadd.s32 s3, s4;
	s9 =	sor.u32 $0x10, s4;
	[dreg:$0x4] =	wrdreg s24  }
0xb: {  	s15 =	sadd.s32 s26, s11;
	[dreg:$0x5] =	wrdreg s25;
	s12 =	sadd.s32 s6, s9  }
0xc: {  	s10 =	sor.u32 $0x20, s4;
	s9 =	sadd.s32 s3, s9;
	[dreg:$0x6] =	wrdreg s12  }
0xd: {  	s4 =	sor.u32 $0x30, s4;
	s13 =	sadd.s32 s3, s10;
	[dreg:$0x7] =	wrdreg s9  }
0xe: {  	s17 =	sshrl.u32 s15, $0x3;
	s16 =	sadd.s32 s6, s4;
	[dreg:$0x9] =	wrdreg s13  }
0xf: {  	s4 =	sadd.s32 s3, s4;
	s12 =	sadd.s32 s6, s10;
	[dreg:$0xa] =	wrdreg s16  }
0x10: {  	[dreg:$0xb] =	wrdreg s4;
	s4 =	sadd.s32 s8, s17;
	s9 =	sadd.s32 $0x8000, s11  }
0x11: {  	s13 =	smul.u32 $0x5000, s14;
	[dreg:$0xc] =	wrdreg s4;
	s4 =	sadd.s32 $0x4000, s11  }
0x12: {  	[dreg:$0x8] =	wrdreg s12;
	s19 =	sadd.s32 s26, s9;
	s18 =	sadd.s32 s26, s4  }
0x13: {  	s12 =	sshrl.u32 s19, $0x3;
	s2 =	sadd.s32 s2, s13;
	s10 =	sshrl.u32 s18, $0x3  }
0x14: {  	s20 =	sadd.s32 s8, s12;
	s13 =	sor.u32 $0x380, s2;
	s23 =	sor.u32 $0x300, s2  }
0x15: {  	s24 =	sor.u32 $0x280, s2;
	s2 =	sor.u32 $0x200, s2;
	s10 =	sadd.s32 s8, s10  }
0x16: {  	[dreg:$0xe] =	wrdreg s20;
	s22 =	sshrl.u32 s13, $0x3;
	s25 =	sshrl.u32 s24, $0x3  }
0x17: {  	s2 =	sshrl.u32 s2, $0x3;
	[dreg:$0xd] =	wrdreg s10;
	s10 =	sadd.s32 $0xC000, s11  }
0x18: {  	s11 =	sadd.s32 $0x10000, s11;
	s15 =	sadd.s32 s22, s3;
	s16 =	sadd.s32 s22, s6  }
0x19: {  	s19 =	sadd.s32 s25, s3;
	s20 =	sadd.s32 s25, s6;
	s22 =	rddreg [dreg:$0x2]  }
0x1a: {  	s24 =	sadd.s32 s2, s6;
	s25 =	sadd.s32 $0x5D600, s0;
	s21 =	sadd.s32 s26, s10  }
0x1b: {  	s7 =	sadd.s32 s26, s11;
	s26 =	smul.u32 $0x50000, s14;
	s12 =	sshrl.u32 s21, $0x3  }
0x1c: {  	s9 =	sadd.s32 s9, s22;
	s7 =	sshrl.u32 s7, $0x3;
	s12 =	sadd.s32 s8, s12  }
0x1d: {  	s13 =	sadd.s32 s11, s22;
	s7 =	sadd.s32 s8, s7;
	[dreg:$0xf] =	wrdreg s12  }
0x1e: {  	s11 =	simm.s32 $0x280;
	s8 =	sadd.s32 s4, s22;
	[dreg:$0x10] =	wrdreg s7  }
0x1f: {  	s7 =	sshrl.u32 s23, $0x3;
	s23 =	sadd.s32 s2, s3;
	s12 =	sadd.s32 s10, s22  }
0x20: {  	s10 =	simm.s32 $0x200;
	_ =	strace $0x8000004A;
	[dreg:$0x13] =	wrdreg s8  }
0x21: {  	s17 =	sadd.s32 s7, s3;
	s18 =	sadd.s32 s7, s6;
	[dreg:$0x14] =	wrdreg s9  }
0x22: {  	s6 =	sshrl.u32 s26, $0x2;
	s7 =	smax.u32 s5, $0x1;
	[dreg:$0x15] =	wrdreg s12  }
0x23: {  	[dreg:$0x16] =	wrdreg s13;
	s5 =	simm.s32 $0x400;
	s8 =	simm.s32 $0x100  }
0x24: {  	s9 =	simm.s32 $0x180;
	s0 =	sadd.s32 s6, s22;
	[dreg:$0x12] =	wrdreg s7  }
0x25: {  	s12 =	simm.s32 $0x300;
	s14 =	sadd.s32 $0x4000, s0;
	[dreg:$0x11] =	wrdreg s0  }
.Ltmp0:
0x26: {  	s21 =	sadd.s32 $0x8000, s0;
	[dreg:$0x17] =	wrdreg s14;
	(pc) =	sbr.rel .LBB2_1-.Ltmp0, $4  }
0x27: {  	s13 =	simm.s32 $0x380;
	s26 =	sadd.s32 $0xC000, s0;
	[dreg:$0x18] =	wrdreg s21  }
0x28: {  	s3 =	simm.s32 $0x0;
	s0 =	sadd.s32 $0x10000, s0;
	[dreg:$0x19] =	wrdreg s26  }
0x29: {  	s6 =	simm.s32 $0x7;
	s7 =	simm.s32 $0x80;
	[dreg:$0x1a] =	wrdreg s0  }
0x2a: {  	v0 =	vimm.f32 $0.0e+00;
	s14 =	simm.s32 $0x2;
	s21 =	simm.s32 $0x4;
	s0 =	simm.s32 $0x1  }
.LBB2_6:
0x2b: {  	_ =	swait.ge [sflag:s31], $0x4000  }
0x2c: {  	[sflag:s31] =	ssyncset.done $0x0  }
0x2d: {  	[sflag:s31] =	ssyncadd.s32 $0xFFFFC000  }
0x2e: {  	[spmem:s22] =	stream.indirect.scatter.add.f32 [tilespmem:s28], [sflag:$0x7], $0x80, s13, s7, $0xb8;
	[tilespmem:$0x1C400] =	vst v63  }
0x2f: {  	_ =	swait.ge [sflag:s6], $0x4000  }
0x30: {  	[sflag:s6] =	ssyncset.done $0x0  }
0x31: {  	[sflag:s6] =	ssyncadd.s32 $0xFFFFC000  }
0x32: {  	[bflag:$0x0] =	sbarrier.arrive $0xFFFF  }
0x33: {  	s2 =	rddreg [dreg:$0x11]  }
0x34: {  	[tilespmem:s5], [sflag:$0x7] =	stream.linear.gather [spmem:s2], $0x4000, $0x38;
	[tilespmem:$0x1C400] =	vst v63  }
0x35: {  	_ =	swait.ge [sflag:s6], $0x4000  }
0x36: {  	[sflag:s6] =	ssyncset.done $0x0  }
0x37: {  	s26 =	rddreg [dreg:$0xc];
	[sflag:s6] =	ssyncadd.s32 $0xFFFFC000  }
0x38: {  	[hbm4b:s26+s1] =	stream.linear.scatter [tilespmem:s5], [sflag:$0x7], $0x4000, $0x38;
	[tilespmem:$0x1C400] =	vst v63  }
0x39: {  	_ =	swait.ge [sflag:s6], $0x4000  }
0x3a: {  	[sflag:s6] =	ssyncset.done $0x0  }
0x3b: {  	s3 =	rddreg [dreg:$0x13];
	[sflag:s6] =	ssyncadd.s32 $0xFFFFC000  }
0x3c: {  	[tilespmem:s5], [sflag:$0x7] =	stream.linear.gather [spmem:s3], $0x4000, $0x38;
	[tilespmem:$0x1C400] =	vst v63  }
0x3d: {  	_ =	swait.ge [sflag:s6], $0x4000  }
0x3e: {  	[sflag:s6] =	ssyncset.done $0x0  }
0x3f: {  	s4 =	rddreg [dreg:$0xd];
	[sflag:s6] =	ssyncadd.s32 $0xFFFFC000  }
0x40: {  	[hbm4b:s4+s1] =	stream.linear.scatter [tilespmem:s5], [sflag:$0x7], $0x4000, $0x38;
	[tilespmem:$0x1C400] =	vst v63  }
0x41: {  	_ =	swait.ge [sflag:s6], $0x4000  }
0x42: {  	[sflag:s6] =	ssyncset.done $0x0  }
0x43: {  	s26 =	rddreg [dreg:$0x14];
	[sflag:s6] =	ssyncadd.s32 $0xFFFFC000  }
0x44: {  	[tilespmem:s5], [sflag:$0x7] =	stream.linear.gather [spmem:s26], $0x4000, $0x38;
	[tilespmem:$0x1C400] =	vst v63  }
0x45: {  	_ =	swait.ge [sflag:s6], $0x4000  }
0x46: {  	[sflag:s6] =	ssyncset.done $0x0  }
0x47: {  	s3 =	rddreg [dreg:$0xe];
	[sflag:s6] =	ssyncadd.s32 $0xFFFFC000  }
0x48: {  	[hbm4b:s3+s1] =	stream.linear.scatter [tilespmem:s5], [sflag:$0x7], $0x4000, $0x38;
	[tilespmem:$0x1C400] =	vst v63  }
0x49: {  	_ =	swait.ge [sflag:s6], $0x4000  }
0x4a: {  	[sflag:s6] =	ssyncset.done $0x0  }
0x4b: {  	s4 =	rddreg [dreg:$0x15];
	[sflag:s6] =	ssyncadd.s32 $0xFFFFC000  }
0x4c: {  	[tilespmem:s5], [sflag:$0x7] =	stream.linear.gather [spmem:s4], $0x4000, $0x38;
	[tilespmem:$0x1C400] =	vst v63  }
0x4d: {  	_ =	swait.ge [sflag:s6], $0x4000  }
0x4e: {  	[sflag:s6] =	ssyncset.done $0x0  }
0x4f: {  	s26 =	rddreg [dreg:$0xf];
	[sflag:s6] =	ssyncadd.s32 $0xFFFFC000  }
0x50: {  	[hbm4b:s26+s1] =	stream.linear.scatter [tilespmem:s5], [sflag:$0x7], $0x4000, $0x38;
	[tilespmem:$0x1C400] =	vst v63  }
0x51: {  	_ =	swait.ge [sflag:s6], $0x4000  }
0x52: {  	[sflag:s6] =	ssyncset.done $0x0  }
0x53: {  	s3 =	rddreg [dreg:$0x16];
	[sflag:s6] =	ssyncadd.s32 $0xFFFFC000  }
0x54: {  	[tilespmem:s5], [sflag:$0x7] =	stream.linear.gather [spmem:s3], $0x4000, $0x38;
	[tilespmem:$0x1C400] =	vst v63  }
0x55: {  	_ =	swait.ge [sflag:s6], $0x4000  }
0x56: {  	[sflag:s6] =	ssyncset.done $0x0  }
0x57: {  	s4 =	rddreg [dreg:$0x10];
	[sflag:s6] =	ssyncadd.s32 $0xFFFFC000  }
0x58: {  	[hbm4b:s4+s1] =	stream.linear.scatter [tilespmem:s5], [sflag:$0x7], $0x4000, $0x38;
	[tilespmem:$0x1C400] =	vst v63  }
0x59: {  	_ =	swait.ge [sflag:s6], $0x4000  }
0x5a: {  	s3 =	rddreg [dreg:$0x1b]  }
0x5b: {  	s26 =	rddreg [dreg:$0x12];
	s3 =	sadd.s32 $0x1, s3  }
0x5c: {  	p0 =	sne.s32 s3, s26  }
.Ltmp1:
0x5d: {  	_ = 	snop;
	(pc) =	sbr.rel @!p0 .LBB2_7-.Ltmp1, $3  }
0x5e: {  	_ =	sdelay $0x1  }
0x5f: {  	[sflag:s6] =	ssyncset.done $0x0  }
0x60: {  	[sflag:s6] =	ssyncadd.s32 $0xFFFFC000  }
.LBB2_1:
0x61: {  	s26 =	sand.u32 $0xFE00, s1  }
0x62: {  	[dreg:$0x1b] =	wrdreg s3;
	s4 =	sand.u32 $0x70, s1;
	s26 =	sshrl.u32 s26, $0x2  }
0x63: {  	s3 =	simm.s32 $0x40;
	s26 =	sor.u32 s4, s26;
	s4 =	simm.s32 $0x0  }
.LBB2_2:
0x64: {  	p0 =	sne.s32 s3, $0xFFC0  }
0x65: {  	[tilespmem:s26+$0x400] =	vst v0;
	s4 =	sadd.s32 $0x10, s4;
	s26 =	smov.u32 s3;
	s3 =	sadd.s32 $0x40, s3  }
.Ltmp2:
0x66: {  	(pc) =	sbr.rel @p0 .LBB2_2-.Ltmp2, $4  }
0x67: {  	_ = 	snop  }
0x68: {  	s26 =	sand.u32 $0xFE00, s26  }
0x69: {  	s2 =	sand.u32 $0x70, s4;
	s26 =	sshrl.u32 s26, $0x2  }
0x6a: {  	s26 =	sor.u32 s2, s26  }
0x6b: {  	[tilespmem:s26+$0x400] =	vst v0;
	s2 =	rddreg [dreg:$0x11]  }
0x6c: {  	[spmem:s2] =	stream.linear.scatter [tilespmem:s5], [sflag:$0x7], $0x4000, $0x38;
	[tilespmem:$0x1C400] =	vst v63  }
0x6d: {  	_ =	swait.ge [sflag:s6], $0x4000  }
0x6e: {  	[sflag:s6] =	ssyncset.done $0x0  }
0x6f: {  	s3 =	rddreg [dreg:$0x17];
	[sflag:s6] =	ssyncadd.s32 $0xFFFFC000  }
0x70: {  	[spmem:s3] =	stream.linear.scatter [tilespmem:s5], [sflag:$0x7], $0x4000, $0x38;
	[tilespmem:$0x1C400] =	vst v63  }
0x71: {  	_ =	swait.ge [sflag:s6], $0x4000  }
0x72: {  	[sflag:s6] =	ssyncset.done $0x0  }
0x73: {  	s4 =	rddreg [dreg:$0x18];
	[sflag:s6] =	ssyncadd.s32 $0xFFFFC000  }
0x74: {  	[spmem:s4] =	stream.linear.scatter [tilespmem:s5], [sflag:$0x7], $0x4000, $0x38;
	[tilespmem:$0x1C400] =	vst v63  }
0x75: {  	_ =	swait.ge [sflag:s6], $0x4000  }
0x76: {  	[sflag:s6] =	ssyncset.done $0x0  }
0x77: {  	s26 =	rddreg [dreg:$0x19];
	[sflag:s6] =	ssyncadd.s32 $0xFFFFC000  }
0x78: {  	[spmem:s26] =	stream.linear.scatter [tilespmem:s5], [sflag:$0x7], $0x4000, $0x38;
	[tilespmem:$0x1C400] =	vst v63  }
0x79: {  	_ =	swait.ge [sflag:s6], $0x4000  }
0x7a: {  	[sflag:s6] =	ssyncset.done $0x0  }
0x7b: {  	s3 =	rddreg [dreg:$0x1a];
	[sflag:s6] =	ssyncadd.s32 $0xFFFFC000  }
0x7c: {  	[spmem:s3] =	stream.linear.scatter [tilespmem:s5], [sflag:$0x7], $0x4000, $0x38;
	[tilespmem:$0x1C400] =	vst v63  }
0x7d: {  	_ =	swait.ge [sflag:s6], $0x4000  }
0x7e: {  	[sflag:s6] =	ssyncset.done $0x0  }
0x7f: {  	[sflag:s6] =	ssyncadd.s32 $0xFFFFC000  }
0x80: {  	[bflag:$0x0] =	sbarrier.arrive $0xFFFF  }
0x81: {  	s3 =	simm.s32 $0x0;
	s4 =	rddreg [dreg:$0x4]  }
0x82: {  	[tilespmem:s3], [sflag:$0x7] =	stream.linear.gather [hbm4b:s4+s3], $0x80, $0x38;
	[tilespmem:$0x1C400] =	vst v63  }
0x83: {  	_ =	swait.ge [sflag:s6], $0x80  }
0x84: {  	[sflag:s6] =	ssyncset.done $0x0  }
0x85: {  	s26 =	rddreg [dreg:$0x5];
	[sflag:s6] =	ssyncadd.s32 $0xFFFFFF80  }
0x86: {  	[tilespmem:s7], [sflag:$0x7] =	stream.linear.gather [hbm4b:s26+s3], $0x80, $0x38;
	[tilespmem:$0x1C400] =	vst v63  }
0x87: {  	_ =	swait.ge [sflag:s6], $0x80  }
0x88: {  	[sflag:s6] =	ssyncset.done $0x0  }
0x89: {  	[sflag:s6] =	ssyncadd.s32 $0xFFFFFF80  }
0x8a: {  	[tilespmem:s5], [sflag:$0x5] =	stream.indirect.gather [hbm4b:s25+s7], $0x80, s3, s7, $0xb8;
	[tilespmem:$0x1C400] =	vst v63  }
0x8b: {  	s4 =	rddreg [dreg:$0x6]  }
0x8c: {  	[tilespmem:s8], [sflag:$0x2] =	stream.linear.gather [hbm4b:s4+s3], $0x80, $0x38;
	[tilespmem:$0x1C400] =	vst v63  }
0x8d: {  	s26 =	rddreg [dreg:$0x7]  }
0x8e: {  	[tilespmem:s9], [sflag:$0x2] =	stream.linear.gather [hbm4b:s26+s3], $0x80, $0x38;
	[tilespmem:$0x1C400] =	vst v63  }
0x8f: {  	s4 =	rddreg [dreg:$0x8]  }
0x90: {  	[tilespmem:s10], [sflag:$0x3] =	stream.linear.gather [hbm4b:s4+s3], $0x80, $0x38;
	[tilespmem:$0x1C400] =	vst v63  }
0x91: {  	s26 =	rddreg [dreg:$0x9]  }
0x92: {  	[tilespmem:s11], [sflag:$0x3] =	stream.linear.gather [hbm4b:s26+s3], $0x80, $0x38;
	[tilespmem:$0x1C400] =	vst v63  }
0x93: {  	s4 =	rddreg [dreg:$0xa]  }
0x94: {  	[tilespmem:s12], [sflag:$0x4] =	stream.linear.gather [hbm4b:s4+s3], $0x80, $0x38;
	[tilespmem:$0x1C400] =	vst v63  }
0x95: {  	s26 =	rddreg [dreg:$0xb]  }
0x96: {  	[tilespmem:s13], [sflag:$0x4] =	stream.linear.gather [hbm4b:s26+s3], $0x80, $0x38;
	[tilespmem:$0x1C400] =	vst v63  }
.LBB2_4:
0x97: {  	_ =	swait.ge [sflag:s14], $0x80  }
0x98: {  	[sflag:s14] =	ssyncset.done $0x0  }
0x99: {  	[sflag:s14] =	ssyncadd.s32 $0xFFFFFF80  }
0x9a: {  	_ =	swait.ge [sflag:s14], $0x80  }
0x9b: {  	[sflag:s14] =	ssyncset.done $0x0  }
0x9c: {  	[sflag:s14] =	ssyncadd.s32 $0xFFFFFF80  }
0x9d: {  	[tilespmem:s28], [sflag:$0x6] =	stream.indirect.gather [hbm4b:s25+s7], $0x80, s8, s7, $0xb8;
	[tilespmem:$0x1C400] =	vst v63  }
0x9e: {  	_ =	swait.ge [sflag:s29], $0x4000  }
0x9f: {  	[sflag:s29] =	ssyncset.done $0x0  }
0xa0: {  	[sflag:s29] =	ssyncadd.s32 $0xFFFFC000  }
0xa1: {  	[spmem:s22] =	stream.indirect.scatter.add.f32 [tilespmem:s5], [sflag:$0x7], $0x80, s7, s7, $0xb8;
	[tilespmem:$0x1C400] =	vst v63  }
0xa2: {  	_ =	swait.ge [sflag:s6], $0x4000  }
0xa3: {  	p0 =	seq.s32 s3, $0x4C0;
	[sflag:s6] =	ssyncset.done $0x0  }
0xa4: {  	s2 =	sadd.s32 @!p0 s3, s24;
	s4 =	simm.s32 @!p0 $0x0;
	[sflag:s6] =	ssyncadd.s32 $0xFFFFC000  }
0xa5: {  	[tilespmem:s4], [sflag:$0x1] =	stream.linear.gather @!p0 [hbm4b:s2+s4], $0x80, $0x38;
	[tilespmem:$0x1C400] =	vst v63  }
0xa6: {  	s26 =	simm.s32 @!p0 $0x80;
	s2 =	sadd.s32 @!p0 s3, s23  }
0xa7: {  	[tilespmem:s26], [sflag:$0x1] =	stream.linear.gather @!p0 [hbm4b:s2+s4], $0x80, $0x38;
	[tilespmem:$0x1C400] =	vst v63  }
0xa8: {  	_ =	swait.ge [sflag:s30], $0x80  }
0xa9: {  	[sflag:s30] =	ssyncset.done $0x0  }
0xaa: {  	[sflag:s30] =	ssyncadd.s32 $0xFFFFFF80  }
0xab: {  	_ =	swait.ge [sflag:s30], $0x80  }
0xac: {  	[sflag:s30] =	ssyncset.done $0x0  }
0xad: {  	[sflag:s30] =	ssyncadd.s32 $0xFFFFFF80  }
0xae: {  	[tilespmem:s5], [sflag:$0x5] =	stream.indirect.gather [hbm4b:s25+s7], $0x80, s10, s7, $0xb8;
	[tilespmem:$0x1C400] =	vst v63  }
0xaf: {  	_ =	swait.ge [sflag:s31], $0x4000  }
0xb0: {  	[sflag:s31] =	ssyncset.done $0x0  }
0xb1: {  	[sflag:s31] =	ssyncadd.s32 $0xFFFFC000  }
0xb2: {  	[spmem:s22] =	stream.indirect.scatter.add.f32 [tilespmem:s28], [sflag:$0x7], $0x80, s9, s7, $0xb8;
	[tilespmem:$0x1C400] =	vst v63  }
0xb3: {  	_ =	swait.ge [sflag:s6], $0x4000  }
0xb4: {  	[sflag:s6] =	ssyncset.done $0x0  }
0xb5: {  	s2 =	sadd.s32 @!p0 s3, s20;
	s26 =	simm.s32 @!p0 $0x100;
	[sflag:s6] =	ssyncadd.s32 $0xFFFFC000  }
0xb6: {  	[tilespmem:s26], [sflag:$0x2] =	stream.linear.gather @!p0 [hbm4b:s2+s4], $0x80, $0x38;
	[tilespmem:$0x1C400] =	vst v63  }
0xb7: {  	s2 =	sadd.s32 @!p0 s3, s19;
	s26 =	simm.s32 @!p0 $0x180  }
0xb8: {  	[tilespmem:s26], [sflag:$0x2] =	stream.linear.gather @!p0 [hbm4b:s2+s4], $0x80, $0x38;
	[tilespmem:$0x1C400] =	vst v63  }
0xb9: {  	_ =	swait.ge [sflag:s21], $0x80  }
0xba: {  	[sflag:s21] =	ssyncset.done $0x0  }
0xbb: {  	[sflag:s21] =	ssyncadd.s32 $0xFFFFFF80  }
0xbc: {  	_ =	swait.ge [sflag:s21], $0x80  }
0xbd: {  	[sflag:s21] =	ssyncset.done $0x0  }
0xbe: {  	[sflag:s21] =	ssyncadd.s32 $0xFFFFFF80  }
0xbf: {  	[tilespmem:s28], [sflag:$0x6] =	stream.indirect.gather [hbm4b:s25+s7], $0x80, s12, s7, $0xb8;
	[tilespmem:$0x1C400] =	vst v63  }
0xc0: {  	_ =	swait.ge [sflag:s29], $0x4000  }
0xc1: {  	[sflag:s29] =	ssyncset.done $0x0  }
.Ltmp3:
0xc2: {  	[sflag:s29] =	ssyncadd.s32 $0xFFFFC000;
	(pc) =	sbr.rel @p0 .LBB2_6-.Ltmp3, $4  }
0xc3: {  	[spmem:s22] =	stream.indirect.scatter.add.f32 [tilespmem:s5], [sflag:$0x7], $0x80, s11, s7, $0xb8;
	[tilespmem:$0x1C400] =	vst v63  }
0xc4: {  	_ =	swait.ge [sflag:s6], $0x4000  }
0xc5: {  	[sflag:s6] =	ssyncset.done $0x0  }
0xc6: {  	[sflag:s6] =	ssyncadd.s32 $0xFFFFC000  }
0xc7: {  	s2 =	sadd.s32 s3, s18  }
0xc8: {  	[tilespmem:s10], [sflag:$0x3] =	stream.linear.gather [hbm4b:s2+s1], $0x80, $0x38;
	[tilespmem:$0x1C400] =	vst v63  }
0xc9: {  	s26 =	sadd.s32 s3, s17  }
0xca: {  	[tilespmem:s11], [sflag:$0x3] =	stream.linear.gather [hbm4b:s26+s1], $0x80, $0x38;
	[tilespmem:$0x1C400] =	vst v63  }
0xcb: {  	_ =	swait.ge [sflag:s0], $0x80  }
0xcc: {  	[sflag:s0] =	ssyncset.done $0x0  }
0xcd: {  	[sflag:s0] =	ssyncadd.s32 $0xFFFFFF80  }
0xce: {  	_ =	swait.ge [sflag:s0], $0x80  }
0xcf: {  	[sflag:s0] =	ssyncset.done $0x0  }
0xd0: {  	[sflag:s0] =	ssyncadd.s32 $0xFFFFFF80  }
0xd1: {  	[tilespmem:s5], [sflag:$0x5] =	stream.indirect.gather [hbm4b:s25+s7], $0x80, s1, s7, $0xb8;
	[tilespmem:$0x1C400] =	vst v63  }
0xd2: {  	_ =	swait.ge [sflag:s31], $0x4000  }
0xd3: {  	[sflag:s31] =	ssyncset.done $0x0  }
0xd4: {  	[sflag:s31] =	ssyncadd.s32 $0xFFFFC000  }
0xd5: {  	[spmem:s22] =	stream.indirect.scatter.add.f32 [tilespmem:s28], [sflag:$0x7], $0x80, s13, s7, $0xb8;
	[tilespmem:$0x1C400] =	vst v63  }
0xd6: {  	_ =	swait.ge [sflag:s6], $0x4000  }
.Ltmp4:
0xd7: {  	[sflag:s6] =	ssyncset.done $0x0;
	(pc) =	sbr.rel .LBB2_4-.Ltmp4, $4  }
0xd8: {  	s4 =	sadd.s32 s3, s16;
	[sflag:s6] =	ssyncadd.s32 $0xFFFFC000  }
0xd9: {  	[tilespmem:s12], [sflag:$0x4] =	stream.linear.gather [hbm4b:s4+s1], $0x80, $0x38;
	[tilespmem:$0x1C400] =	vst v63  }
0xda: {  	s26 =	sadd.s32 s3, s15;
	s3 =	sadd.s32 $0x40, s3  }
0xdb: {  	[tilespmem:s13], [sflag:$0x4] =	stream.linear.gather [hbm4b:s26+s1], $0x80, $0x38;
	[tilespmem:$0x1C400] =	vst v63  }
.LBB2_7:
0xdc: {  	_ =	sfence.sel $0x180000  }
0xdd: {  	[bflag:$0x0] =	sbarrier.arrive $0xFFFF  }
0xde: {  	_ =	strace $0x9000004A  }
0xdf: {  	s0 =	stileid.u32;
	[bflag:$0x2] =	sbarrier.arrive $0xFFFF  }
0xe0: {  	p0 =	sne.s32 s0, $0x0;
	s0 =	rddreg [dreg:$0x3]  }
0xe1: {  	s0 =	sadd.s32 @!p0 $0x100000, s0  }
0xe2: {  	[sflag:s0] =	ssyncadd.tile.s32 @!p0 $0x1;
	_ =	shalt  }
.Lfunc_end2:
_tile_overlayer_lowered:
.L_overlay_start_2:
0xe3: {  	(tag) =	ssettag $0x2  }
0xe4: {  	s0 =	rddreg [dreg:$0x0];
	s2 =	stileid.u32  }
0xe5: {  	s1 =	rddreg [dreg:$0x1];
	p0 =	sne.s32 s2, $0x0  }
0xe6: {  	s3 =	rddreg [dreg:$0x2];
	[bflag:$0x3] =	sbarrier.arrive $0xFFFF;
	s2 =	simm.s32 @!p0 $0x1C07  }
0xe7: {  	[timem:s3], [sflag:s2] =	dma.local @!p0 [hbm:s0], s1  }
0xe8: {  	s0 =	simm.s32 @!p0 $0x7  }
0xe9: {  	_ =	swait.ge @!p0 [sflag:s0], s1  }
0xea: {  	s1 =	ssub.s32 @!p0 $0x0, s1;
	[sflag:s0] =	ssyncset.done @!p0 $0x0  }
0xeb: {  	[sflag:s0] =	ssyncadd.s32 @!p0 s1  }
0xec: {  	[bflag:$0x3] =	sbarrier.arrive $0xFFFF  }
0xed: {  	_ =	shalt  }

// kernel: kernel.14.cloned.1.call-start
scs
__scs_entry_jumppad:
0x0: {  	(pc) =	sbr.rel $0x88, $3  }
0x1: {  	(tag) =	ssettag $0x0;
	lr =	simm.s32 $0x1  }
0x2: {  	[smem:$0x3F98] =	sst lr;
	_ =	strace $0xD0000000  }
0x3: {  	_ = 	snop  }
0x4: {  	_ = 	snop  }
0x5: {  	_ = 	snop  }
0x6: {  	_ = 	snop  }
0x7: {  	_ = 	snop  }
__scs_overlays_trampoline_lowered:
0x8: {  	[smem:$0x3FA7] =	sst s0  }
0x9: {  	[smem:$0x3FA8] =	sst s1  }
0xa: {  	[smem:$0x3FA9] =	sst s2  }
0xb: {  	[smem:$0x3FAA] =	sst s3  }
0xc: {  	[smem:$0x3FAB] =	sst s4  }
0xd: {  	[smem:$0x3FAC] =	sst s5  }
0xe: {  	[smem:$0x3FAD] =	sst s6  }
0xf: {  	[smem:$0x3FAE] =	sst s7  }
0x10: {  	[smem:$0x3FAF] =	sst s8  }
0x11: {  	[smem:$0x3FB0] =	sst s9;
	s0 =	simm.s32 @!p0 $0x0  }
0x12: {  	s1 =	sld [smem:$0x3F96];
	s0 =	simm.s32 @p0 $0x1  }
0x13: {  	[smem:$0x3FB1] =	sst s0;
	s0 =	simm.s32 @!p1 $0x0  }
0x14: {  	s2 =	sld [smem:$0x3F95];
	s0 =	simm.s32 @p1 $0x1  }
0x15: {  	[smem:$0x3FB2] =	sst s0;
	s0 =	simm.s32 @!p2 $0x0  }
0x16: {  	s3 =	sld [smem:$0x3FDB];
	s0 =	simm.s32 @p2 $0x1  }
0x17: {  	s4 =	simm.s32 $0x1BF5;
	[smem:$0x3FB4] =	sst s0  }
0x18: {  	s0 =	sld [smem:$0x3F97];
	_ =	swait.ge [sflag:s4], $0x0  }
0x19: {  	s7 =	sld [smem:$0x3F98]  }
0x1a: {  	s8 =	sadd.s32 $0xFFFFE003, lr  }
0x1b: {  	s9 =	sadd.s32 $0xFFFFFEF7, lr;
	s5 =	simm.s32 $0xFFFFFFFF;
	p2 =	slt.u32 s8, $0xFFFFF086  }
0x1c: {  	p1 =	slt.u32 s9, $0xF7A;
	s5 =	simm.s32 @!p2 $0x0  }
0x1d: {  	s5 =	simm.s32 @p1 $0x1;
	p0 =	seq.s32 s7, s2  }
0x1e: {  	s7 =	smul.u32 @!p0 $0xF7A, s2;
	p2 =	seq.s32 @!p0 s5, $0x0  }
0x1f: {  	s9 =	smul.u32 $0xF7A, s1;
	s8 =	simm.s32 @!p0 $0x1BF5;
	p2 =	por !p2, p0  }
0x20: {  	[sflag:s8] =	ssyncset.s32 @!p0 $0xFFFFF086;
	s6 =	sadd.s32 @!p0 s3, s7;
	s7 =	simm.s32 @!p0 $0x108  }
0x21: {  	s3 =	sadd.s32 s3, s9;
	s6 =	sadd.s32 @!p0 $0x88, s6;
	s7 =	simm.s32 @p2 $0x1082  }
0x22: {  	[simem:s7], [sflag:s8] =	dma.local @!p0 [hbm:s6], $0xF7A  }
0x23: {  	s9 =	sor.u32 $0xD0000000, s2;
	s6 =	simm.s32 $0x108;
	_ =	swait.ge @!p0 [sflag:s8], $0x0  }
0x24: {  	s3 =	sadd.s32 $0x88, s3;
	s6 =	simm.s32 @!p1 $0x1082;
	[sflag:s4] =	ssyncset.s32 $0xFFFFF086  }
0x25: {  	[simem:s6], [sflag:s4] =	dma.local [hbm:s3], $0xF7A  }
0x26: {  	[smem:$0x3F98] =	sst s1;
	(tag) =	ssettag s2;
	_ =	strace s9  }
0x27: {  	s1 =	sld [smem:$0x3FA8]  }
0x28: {  	s2 =	sld [smem:$0x3FA9]  }
0x29: {  	s4 =	sld [smem:$0x3FAB]  }
0x2a: {  	p0 =	seq.s32 s5, $0x0;
	s5 =	sld [smem:$0x3FAC]  }
0x2b: {  	s6 =	sld [smem:$0x3FAD]  }
0x2c: {  	s7 =	sld [smem:$0x3FAE]  }
0x2d: {  	s3 =	simm.s32 $0x108;
	s8 =	sld [smem:$0x3FAF]  }
0x2e: {  	s3 =	simm.s32 @!p0 $0x1082;
	s9 =	sld [smem:$0x3FB0]  }
0x2f: {  	lr =	sadd.s32 s0, s3;
	s0 =	sld [smem:$0x3FA7]  }
0x30: {  	s3 =	sld [smem:$0x3FAA]  }
0x31: {  	[smem:$0x3FB3] =	sst s10  }
0x32: {  	s10 =	sld [smem:$0x3FB1];
	_ =	sdelay $0x3  }
0x33: {  	p0 =	seq.s32 s10, $0x1;
	s10 =	sld [smem:$0x3FB3];
	_ =	sdelay $0x3  }
0x34: {  	[smem:$0x3FB3] =	sst s10  }
0x35: {  	s10 =	sld [smem:$0x3FB2];
	_ =	sdelay $0x3  }
0x36: {  	p1 =	seq.s32 s10, $0x1;
	s10 =	sld [smem:$0x3FB3];
	_ =	sdelay $0x3  }
0x37: {  	[smem:$0x3FB3] =	sst s10  }
0x38: {  	s10 =	sld [smem:$0x3FB4]  }
0x39: {  	_ = 	snop;
	(pc) =	sbr.ind lr, $3  }
0x3a: {  	_ = 	snop  }
0x3b: {  	_ = 	snop  }
0x3c: {  	p2 =	seq.s32 s10, $0x1;
	s10 =	sld [smem:$0x3FB3]  }
0x3d: {  	_ =	shalt  }
0x3e: {  	_ =	shalt  }
0x3f: {  	_ =	shalt  }
0x40: {  	_ =	shalt  }
0x41: {  	_ =	shalt  }
0x42: {  	_ =	shalt  }
0x43: {  	_ =	shalt  }
0x44: {  	_ =	shalt  }
0x45: {  	_ =	shalt  }
0x46: {  	_ =	shalt  }
0x47: {  	_ =	shalt  }
0x48: {  	_ =	shalt  }
0x49: {  	_ =	shalt  }
0x4a: {  	_ =	shalt  }
0x4b: {  	_ =	shalt  }
0x4c: {  	_ =	shalt  }
0x4d: {  	_ =	shalt  }
0x4e: {  	_ =	shalt  }
0x4f: {  	_ =	shalt  }
0x50: {  	_ =	shalt  }
0x51: {  	_ =	shalt  }
0x52: {  	_ =	shalt  }
0x53: {  	_ =	shalt  }
0x54: {  	_ =	shalt  }
0x55: {  	_ =	shalt  }
0x56: {  	_ =	shalt  }
0x57: {  	_ =	shalt  }
0x58: {  	_ =	shalt  }
0x59: {  	_ =	shalt  }
0x5a: {  	_ =	shalt  }
0x5b: {  	_ =	shalt  }
0x5c: {  	_ =	shalt  }
0x5d: {  	_ =	shalt  }
0x5e: {  	_ =	shalt  }
0x5f: {  	_ =	shalt  }
0x60: {  	_ =	shalt  }
0x61: {  	_ =	shalt  }
0x62: {  	_ =	shalt  }
0x63: {  	_ =	shalt  }
0x64: {  	_ =	shalt  }
0x65: {  	_ =	shalt  }
0x66: {  	_ =	shalt  }
0x67: {  	_ =	shalt  }
0x68: {  	_ =	shalt  }
0x69: {  	_ =	shalt  }
0x6a: {  	_ =	shalt  }
0x6b: {  	_ =	shalt  }
0x6c: {  	_ =	shalt  }
0x6d: {  	_ =	shalt  }
0x6e: {  	_ =	shalt  }
0x6f: {  	_ =	shalt  }
0x70: {  	_ =	shalt  }
0x71: {  	_ =	shalt  }
0x72: {  	_ =	shalt  }
0x73: {  	_ =	shalt  }
0x74: {  	_ =	shalt  }
0x75: {  	_ =	shalt  }
0x76: {  	_ =	shalt  }
0x77: {  	_ =	shalt  }
0x78: {  	_ =	shalt  }
0x79: {  	_ =	shalt  }
0x7a: {  	_ =	shalt  }
0x7b: {  	_ =	shalt  }
0x7c: {  	_ =	shalt  }
0x7d: {  	_ =	shalt  }
0x7e: {  	_ =	shalt  }
0x7f: {  	_ =	shalt  }
0x80: {  	_ =	shalt  }
0x81: {  	_ =	shalt  }
0x82: {  	_ =	shalt  }
0x83: {  	_ =	shalt  }
0x84: {  	_ =	shalt  }
0x85: {  	_ =	shalt  }
0x86: {  	_ =	shalt  }
0x87: {  	_ =	shalt  }
.Lfunc_end0:
.L_simem_size_0:
called_computation.2_lowered:
.L_overlay_start_0:
0x88: {  	s2 =	sld [smem:$0x3FD9]  }
0x89: {  	s3 =	sld [smem:$0x3FFE];
	_ =	sdelay $0x1  }
0x8a: {  	s1 =	srdreg.scid  }
0x8b: {  	s0 =	sand.u32 $0x1, s1  }
0x8c: {  	s17 =	sshll.u32 s0, $0xA;
	s2 =	sadd.s32 s3, s2  }
0x8d: {  	s2 =	sadd.s32 s2, s17  }
0x8e: {  	[smem:$0x3FBF] =	sst s2  }
0x8f: {  	_ = 	snop  }
0x90: {  	s2 =	sld [smem:$0x3FD0];
	(tm) =	ssettm $0x1  }
0x91: {  	s18 =	sld [smem:$0x3FFB];
	_ =	sdelay $0x3  }
0x92: {  	_ =	strace s18  }
0x93: {  	s3 =	sld [smem:$0x3FFC];
	_ =	sdelay $0x3  }
0x94: {  	_ =	strace s3  }
0x95: {  	s3 =	sld [smem:$0x3FFD];
	_ =	sdelay $0x3  }
0x96: {  	_ =	strace s3  }
0x97: {  	_ =	strace $0x8FFFFFFF  }
0x98: {  	s19 =	sld [smem:$0x3FDB];
	_ =	sdelay $0x1  }
0x99: {  	s4 =	simm.s32 $_scs_section_size  }
0x9a: {  	s5 =	simm.s32 $_size__tile_overlayer_lowered;
	s6 =	simm.s32 $_tile_overlayer_lowered  }
0x9b: {  	s22 =	simm.s32 $0x1BFF;
	s21 =	sshll.u32 s6, $0x1;
	s3 =	sadd.s32 s4, s19  }
0x9c: {  	s7 =	simm.s32 $0x0;
	s20 =	sshll.u32 s5, $0x1;
	s5 =	sadd.s32 s21, s3  }
0x9d: {  	[timem:s7], [sflag:s22] =	dma.local [hbm:s5], s20  }
0x9e: {  	_ =	swait.ge [sflag:s22], s20  }
0x9f: {  	s4 =	ssub.s32 $0x0, s20;
	[sflag:s22] =	ssyncset.done $0x0  }
0xa0: {  	[sflag:s22] =	ssyncadd.s32 s4;
	_ =	sdelay $0x1  }
0xa1: {  	s23 =	simm.s32 $0x1B8B  }
0xa2: {  	_ =	swait.ge [sflag:s23], $0x1  }
0xa3: {  	[sflag:s23] =	ssyncset.done $0x0  }
0xa4: {  	s25 =	simm.s32 $0x1B8E;
	s24 =	sld [smem:$0x3FFE];
	[sflag:s23] =	ssyncadd.s32 $0xFFFFFFFF  }
0xa5: {  	s26 =	simm.s32 $execute0_lowered;
	[smem:$0x3FD2] =	sst s25  }
0xa6: {  	s5 =	sshll.u32 s26, $0x1;
	_ =	strace $0x8000004C;
	[dreg:$0x1] =	wrdreg $0xFFFFFFFF  }
0xa7: {  	s28 =	simm.s32 $_size_execute0_lowered;
	s3 =	sadd.s32 s3, s5;
	[dreg:$0x0] =	wrdreg $0x0  }
0xa8: {  	s5 =	sshll.u32 s28, $0x1;
	[dreg:$0x2] =	wrdreg s3  }
0xa9: {  	[dreg:$0x3] =	wrdreg s5  }
0xaa: {  	[dreg:$0x4] =	wrdreg $0xC0  }
0xab: {  	_ =	task [dreg:s7], $0x5FFFF  }
0xac: {  	[dreg:$0x1] =	wrdreg $0xFFFFFFFF  }
0xad: {  	[dreg:$0x0] =	wrdreg $0x60  }
0xae: {  	[dreg:$0x2] =	wrdreg s24  }
0xaf: {  	[dreg:$0x3] =	wrdreg s2  }
0xb0: {  	[dreg:$0x4] =	wrdreg $0x84000  }
0xb1: {  	[dreg:$0x5] =	wrdreg $0x9  }
0xb2: {  	_ =	task.clear_ibuf [dreg:s7], $0x6FFFF;
	_ =	strace $0x9000004C  }
0xb3: {  	s29 =	simm.s32 $0x9;
	_ =	strace $0x8000004E  }
0xb4: {  	_ =	swait.ge [sflag:s29], $0x1  }
0xb5: {  	[sflag:s29] =	ssyncadd.s32 $0xFFFFFFFF  }
0xb6: {  	_ =	strace $0x9000004E  }
0xb7: {  	_ =	sfence  }
0xb8: {  	s30 =	sld [smem:$0x0];
	_ =	sdelay $0x2  }
0xb9: {  	s31 =	sshll.u32 s1, $0xD;
	s1 =	sshrl.u32 s1, $0x2  }
0xba: {  	s3 =	sand.u32 $0x4000, s31;
	s1 =	sadd.s32 s1, s30  }
0xbb: {  	s0 =	sor.u32 s3, s0;
	s1 =	sshll.u32 s1, $0x11  }
0xbc: {  	s0 =	sor.u32 s1, s0  }
0xbd: {  	s0 =	sadd.s32 $0x8F2B, s0  }
0xbe: {  	[sflag:s0] =	ssyncadd.remote.s32 $0x1  }
0xbf: {  	_ =	sfence.sel $0xFFFF  }
0xc0: {  	[dreg:$0x0] =	wrdreg $0xFFFFFFFF;
	(pc) =	sbr.abs _section_cstart, $3  }
0xc1: {  	[dreg:$0x1] =	wrdreg $0xFFFFFFFF  }
0xc2: {  	_ =	task.clear_ibuf [dreg:s7], $0x2FFFF;
	_ =	strace $0x9FFFFFFF  }
0xc3: {  	(tm) =	ssettm $0x7FFFFFFF  }
tec
execute0_lowered:
.L_overlay_start_1:
0x0: {  	(tag) =	ssettag $0x1  }
0x1: {  	s1 =	srdreg.scid  }
0x2: {  	s14 =	stileid.u32;
	s0 =	rddreg [dreg:$0x0]  }
0x3: {  	s3 =	rddreg [dreg:$0x1];
	s28 =	simm.s32 $0x4400;
	s29 =	simm.s32 $0x5  }
0x4: {  	s30 =	simm.s32 $0x3;
	s2 =	sand.u32 $0x1, s1;
	s23 =	sshll.u32 s14, $0x1  }
0x5: {  	s31 =	simm.s32 $0x6;
	s1 =	simm.s32 $0x0;
	s4 =	sor.u32 s2, s23  }
0x6: {  	s6 =	sadd.s32 $0x53600, s0;
	s8 =	sadd.s32 $0x85600, s0;
	s4 =	smul.u32 $0x2800, s4  }
0x7: {  	s11 =	smul.u32 $0x14000, s14;
	s5 =	ssub.s32 $0x2, s2;
	[smem:$0x7FF] =	sst s1  }
0x8: {  	s26 =	smul.u32 $0x140000, s2;
	s7 =	sshrl.u32 s5, $0x1;
	s4 =	sshrl.u32 s4, $0x3  }
0x9: {  	s2 =	smul.u32 $0x2800, s2;
	s5 =	ssub.s32 s5, s7;
	s24 =	sadd.s32 s6, s4  }
0xa: {  	s25 =	sadd.s32 s3, s4;
	s9 =	sor.u32 $0x10, s4;
	[dreg:$0x4] =	wrdreg s24  }
0xb: {  	s15 =	sadd.s32 s26, s11;
	[dreg:$0x5] =	wrdreg s25;
	s12 =	sadd.s32 s6, s9  }
0xc: {  	s10 =	sor.u32 $0x20, s4;
	s9 =	sadd.s32 s3, s9;
	[dreg:$0x6] =	wrdreg s12  }
0xd: {  	s4 =	sor.u32 $0x30, s4;
	s13 =	sadd.s32 s3, s10;
	[dreg:$0x7] =	wrdreg s9  }
0xe: {  	s17 =	sshrl.u32 s15, $0x3;
	s16 =	sadd.s32 s6, s4;
	[dreg:$0x9] =	wrdreg s13  }
0xf: {  	s4 =	sadd.s32 s3, s4;
	s12 =	sadd.s32 s6, s10;
	[dreg:$0xa] =	wrdreg s16  }
0x10: {  	[dreg:$0xb] =	wrdreg s4;
	s4 =	sadd.s32 s8, s17;
	s9 =	sadd.s32 $0x8000, s11  }
0x11: {  	s13 =	smul.u32 $0x5000, s14;
	[dreg:$0xc] =	wrdreg s4;
	s4 =	sadd.s32 $0x4000, s11  }
0x12: {  	[dreg:$0x8] =	wrdreg s12;
	s19 =	sadd.s32 s26, s9;
	s18 =	sadd.s32 s26, s4  }
0x13: {  	s12 =	sshrl.u32 s19, $0x3;
	s2 =	sadd.s32 s2, s13;
	s10 =	sshrl.u32 s18, $0x3  }
0x14: {  	s20 =	sadd.s32 s8, s12;
	s13 =	sor.u32 $0x380, s2;
	s23 =	sor.u32 $0x300, s2  }
0x15: {  	s24 =	sor.u32 $0x280, s2;
	s2 =	sor.u32 $0x200, s2;
	s10 =	sadd.s32 s8, s10  }
0x16: {  	[dreg:$0xe] =	wrdreg s20;
	s22 =	sshrl.u32 s13, $0x3;
	s25 =	sshrl.u32 s24, $0x3  }
0x17: {  	s2 =	sshrl.u32 s2, $0x3;
	[dreg:$0xd] =	wrdreg s10;
	s10 =	sadd.s32 $0xC000, s11  }
0x18: {  	s11 =	sadd.s32 $0x10000, s11;
	s15 =	sadd.s32 s22, s3;
	s16 =	sadd.s32 s22, s6  }
0x19: {  	s19 =	sadd.s32 s25, s3;
	s20 =	sadd.s32 s25, s6;
	s22 =	rddreg [dreg:$0x2]  }
0x1a: {  	s24 =	sadd.s32 s2, s6;
	s25 =	sadd.s32 $0x5D600, s0;
	s21 =	sadd.s32 s26, s10  }
0x1b: {  	s7 =	sadd.s32 s26, s11;
	s26 =	smul.u32 $0x50000, s14;
	s12 =	sshrl.u32 s21, $0x3  }
0x1c: {  	s9 =	sadd.s32 s9, s22;
	s7 =	sshrl.u32 s7, $0x3;
	s12 =	sadd.s32 s8, s12  }
0x1d: {  	s13 =	sadd.s32 s11, s22;
	s7 =	sadd.s32 s8, s7;
	[dreg:$0xf] =	wrdreg s12  }
0x1e: {  	s11 =	simm.s32 $0x280;
	s8 =	sadd.s32 s4, s22;
	[dreg:$0x10] =	wrdreg s7  }
0x1f: {  	s7 =	sshrl.u32 s23, $0x3;
	s23 =	sadd.s32 s2, s3;
	s12 =	sadd.s32 s10, s22  }
0x20: {  	s10 =	simm.s32 $0x200;
	_ =	strace $0x8000004D;
	[dreg:$0x13] =	wrdreg s8  }
0x21: {  	s17 =	sadd.s32 s7, s3;
	s18 =	sadd.s32 s7, s6;
	[dreg:$0x14] =	wrdreg s9  }
0x22: {  	s6 =	sshrl.u32 s26, $0x2;
	s7 =	smax.u32 s5, $0x1;
	[dreg:$0x15] =	wrdreg s12  }
0x23: {  	[dreg:$0x16] =	wrdreg s13;
	s5 =	simm.s32 $0x400;
	s8 =	simm.s32 $0x100  }
0x24: {  	s9 =	simm.s32 $0x180;
	s0 =	sadd.s32 s6, s22;
	[dreg:$0x12] =	wrdreg s7  }
0x25: {  	s12 =	simm.s32 $0x300;
	s14 =	sadd.s32 $0x4000, s0;
	[dreg:$0x11] =	wrdreg s0  }
.Ltmp0:
0x26: {  	s21 =	sadd.s32 $0x8000, s0;
	[dreg:$0x17] =	wrdreg s14;
	(pc) =	sbr.rel .LBB2_1-.Ltmp0, $4  }
0x27: {  	s13 =	simm.s32 $0x380;
	s26 =	sadd.s32 $0xC000, s0;
	[dreg:$0x18] =	wrdreg s21  }
0x28: {  	s3 =	simm.s32 $0x0;
	s0 =	sadd.s32 $0x10000, s0;
	[dreg:$0x19] =	wrdreg s26  }
0x29: {  	s6 =	simm.s32 $0x7;
	s7 =	simm.s32 $0x80;
	[dreg:$0x1a] =	wrdreg s0  }
0x2a: {  	v0 =	vimm.f32 $0.0e+00;
	s14 =	simm.s32 $0x2;
	s21 =	simm.s32 $0x4;
	s0 =	simm.s32 $0x1  }
.LBB2_6:
0x2b: {  	_ =	swait.ge [sflag:s31], $0x4000  }
0x2c: {  	[sflag:s31] =	ssyncset.done $0x0  }
0x2d: {  	[sflag:s31] =	ssyncadd.s32 $0xFFFFC000  }
0x2e: {  	[spmem:s22] =	stream.indirect.scatter.add.f32 [tilespmem:s28], [sflag:$0x7], $0x80, s13, s7, $0xb8;
	[tilespmem:$0x1C400] =	vst v63  }
0x2f: {  	_ =	swait.ge [sflag:s6], $0x4000  }
0x30: {  	[sflag:s6] =	ssyncset.done $0x0  }
0x31: {  	[sflag:s6] =	ssyncadd.s32 $0xFFFFC000  }
0x32: {  	[bflag:$0x0] =	sbarrier.arrive $0xFFFF  }
0x33: {  	s2 =	rddreg [dreg:$0x11]  }
0x34: {  	[tilespmem:s5], [sflag:$0x7] =	stream.linear.gather [spmem:s2], $0x4000, $0x38;
	[tilespmem:$0x1C400] =	vst v63  }
0x35: {  	_ =	swait.ge [sflag:s6], $0x4000  }
0x36: {  	[sflag:s6] =	ssyncset.done $0x0  }
0x37: {  	s26 =	rddreg [dreg:$0xc];
	[sflag:s6] =	ssyncadd.s32 $0xFFFFC000  }
0x38: {  	[hbm4b:s26+s1] =	stream.linear.scatter [tilespmem:s5], [sflag:$0x7], $0x4000, $0x38;
	[tilespmem:$0x1C400] =	vst v63  }
0x39: {  	_ =	swait.ge [sflag:s6], $0x4000  }
0x3a: {  	[sflag:s6] =	ssyncset.done $0x0  }
0x3b: {  	s3 =	rddreg [dreg:$0x13];
	[sflag:s6] =	ssyncadd.s32 $0xFFFFC000  }
0x3c: {  	[tilespmem:s5], [sflag:$0x7] =	stream.linear.gather [spmem:s3], $0x4000, $0x38;
	[tilespmem:$0x1C400] =	vst v63  }
0x3d: {  	_ =	swait.ge [sflag:s6], $0x4000  }
0x3e: {  	[sflag:s6] =	ssyncset.done $0x0  }
0x3f: {  	s4 =	rddreg [dreg:$0xd];
	[sflag:s6] =	ssyncadd.s32 $0xFFFFC000  }
0x40: {  	[hbm4b:s4+s1] =	stream.linear.scatter [tilespmem:s5], [sflag:$0x7], $0x4000, $0x38;
	[tilespmem:$0x1C400] =	vst v63  }
0x41: {  	_ =	swait.ge [sflag:s6], $0x4000  }
0x42: {  	[sflag:s6] =	ssyncset.done $0x0  }
0x43: {  	s26 =	rddreg [dreg:$0x14];
	[sflag:s6] =	ssyncadd.s32 $0xFFFFC000  }
0x44: {  	[tilespmem:s5], [sflag:$0x7] =	stream.linear.gather [spmem:s26], $0x4000, $0x38;
	[tilespmem:$0x1C400] =	vst v63  }
0x45: {  	_ =	swait.ge [sflag:s6], $0x4000  }
0x46: {  	[sflag:s6] =	ssyncset.done $0x0  }
0x47: {  	s3 =	rddreg [dreg:$0xe];
	[sflag:s6] =	ssyncadd.s32 $0xFFFFC000  }
0x48: {  	[hbm4b:s3+s1] =	stream.linear.scatter [tilespmem:s5], [sflag:$0x7], $0x4000, $0x38;
	[tilespmem:$0x1C400] =	vst v63  }
0x49: {  	_ =	swait.ge [sflag:s6], $0x4000  }
0x4a: {  	[sflag:s6] =	ssyncset.done $0x0  }
0x4b: {  	s4 =	rddreg [dreg:$0x15];
	[sflag:s6] =	ssyncadd.s32 $0xFFFFC000  }
0x4c: {  	[tilespmem:s5], [sflag:$0x7] =	stream.linear.gather [spmem:s4], $0x4000, $0x38;
	[tilespmem:$0x1C400] =	vst v63  }
0x4d: {  	_ =	swait.ge [sflag:s6], $0x4000  }
0x4e: {  	[sflag:s6] =	ssyncset.done $0x0  }
0x4f: {  	s26 =	rddreg [dreg:$0xf];
	[sflag:s6] =	ssyncadd.s32 $0xFFFFC000  }
0x50: {  	[hbm4b:s26+s1] =	stream.linear.scatter [tilespmem:s5], [sflag:$0x7], $0x4000, $0x38;
	[tilespmem:$0x1C400] =	vst v63  }
0x51: {  	_ =	swait.ge [sflag:s6], $0x4000  }
0x52: {  	[sflag:s6] =	ssyncset.done $0x0  }
0x53: {  	s3 =	rddreg [dreg:$0x16];
	[sflag:s6] =	ssyncadd.s32 $0xFFFFC000  }
0x54: {  	[tilespmem:s5], [sflag:$0x7] =	stream.linear.gather [spmem:s3], $0x4000, $0x38;
	[tilespmem:$0x1C400] =	vst v63  }
0x55: {  	_ =	swait.ge [sflag:s6], $0x4000  }
0x56: {  	[sflag:s6] =	ssyncset.done $0x0  }
0x57: {  	s4 =	rddreg [dreg:$0x10];
	[sflag:s6] =	ssyncadd.s32 $0xFFFFC000  }
0x58: {  	[hbm4b:s4+s1] =	stream.linear.scatter [tilespmem:s5], [sflag:$0x7], $0x4000, $0x38;
	[tilespmem:$0x1C400] =	vst v63  }
0x59: {  	_ =	swait.ge [sflag:s6], $0x4000  }
0x5a: {  	s3 =	rddreg [dreg:$0x1b]  }
0x5b: {  	s26 =	rddreg [dreg:$0x12];
	s3 =	sadd.s32 $0x1, s3  }
0x5c: {  	p0 =	sne.s32 s3, s26  }
.Ltmp1:
0x5d: {  	_ = 	snop;
	(pc) =	sbr.rel @!p0 .LBB2_7-.Ltmp1, $3  }
0x5e: {  	_ =	sdelay $0x1  }
0x5f: {  	[sflag:s6] =	ssyncset.done $0x0  }
0x60: {  	[sflag:s6] =	ssyncadd.s32 $0xFFFFC000  }
.LBB2_1:
0x61: {  	s26 =	sand.u32 $0xFE00, s1  }
0x62: {  	[dreg:$0x1b] =	wrdreg s3;
	s4 =	sand.u32 $0x70, s1;
	s26 =	sshrl.u32 s26, $0x2  }
0x63: {  	s3 =	simm.s32 $0x40;
	s26 =	sor.u32 s4, s26;
	s4 =	simm.s32 $0x0  }
.LBB2_2:
0x64: {  	p0 =	sne.s32 s3, $0xFFC0  }
0x65: {  	[tilespmem:s26+$0x400] =	vst v0;
	s4 =	sadd.s32 $0x10, s4;
	s26 =	smov.u32 s3;
	s3 =	sadd.s32 $0x40, s3  }
.Ltmp2:
0x66: {  	(pc) =	sbr.rel @p0 .LBB2_2-.Ltmp2, $4  }
0x67: {  	_ = 	snop  }
0x68: {  	s26 =	sand.u32 $0xFE00, s26  }
0x69: {  	s2 =	sand.u32 $0x70, s4;
	s26 =	sshrl.u32 s26, $0x2  }
0x6a: {  	s26 =	sor.u32 s2, s26  }
0x6b: {  	[tilespmem:s26+$0x400] =	vst v0;
	s2 =	rddreg [dreg:$0x11]  }
0x6c: {  	[spmem:s2] =	stream.linear.scatter [tilespmem:s5], [sflag:$0x7], $0x4000, $0x38;
	[tilespmem:$0x1C400] =	vst v63  }
0x6d: {  	_ =	swait.ge [sflag:s6], $0x4000  }
0x6e: {  	[sflag:s6] =	ssyncset.done $0x0  }
0x6f: {  	s3 =	rddreg [dreg:$0x17];
	[sflag:s6] =	ssyncadd.s32 $0xFFFFC000  }
0x70: {  	[spmem:s3] =	stream.linear.scatter [tilespmem:s5], [sflag:$0x7], $0x4000, $0x38;
	[tilespmem:$0x1C400] =	vst v63  }
0x71: {  	_ =	swait.ge [sflag:s6], $0x4000  }
0x72: {  	[sflag:s6] =	ssyncset.done $0x0  }
0x73: {  	s4 =	rddreg [dreg:$0x18];
	[sflag:s6] =	ssyncadd.s32 $0xFFFFC000  }
0x74: {  	[spmem:s4] =	stream.linear.scatter [tilespmem:s5], [sflag:$0x7], $0x4000, $0x38;
	[tilespmem:$0x1C400] =	vst v63  }
0x75: {  	_ =	swait.ge [sflag:s6], $0x4000  }
0x76: {  	[sflag:s6] =	ssyncset.done $0x0  }
0x77: {  	s26 =	rddreg [dreg:$0x19];
	[sflag:s6] =	ssyncadd.s32 $0xFFFFC000  }
0x78: {  	[spmem:s26] =	stream.linear.scatter [tilespmem:s5], [sflag:$0x7], $0x4000, $0x38;
	[tilespmem:$0x1C400] =	vst v63  }
0x79: {  	_ =	swait.ge [sflag:s6], $0x4000  }
0x7a: {  	[sflag:s6] =	ssyncset.done $0x0  }
0x7b: {  	s3 =	rddreg [dreg:$0x1a];
	[sflag:s6] =	ssyncadd.s32 $0xFFFFC000  }
0x7c: {  	[spmem:s3] =	stream.linear.scatter [tilespmem:s5], [sflag:$0x7], $0x4000, $0x38;
	[tilespmem:$0x1C400] =	vst v63  }
0x7d: {  	_ =	swait.ge [sflag:s6], $0x4000  }
0x7e: {  	[sflag:s6] =	ssyncset.done $0x0  }
0x7f: {  	[sflag:s6] =	ssyncadd.s32 $0xFFFFC000  }
0x80: {  	[bflag:$0x0] =	sbarrier.arrive $0xFFFF  }
0x81: {  	s3 =	simm.s32 $0x0;
	s4 =	rddreg [dreg:$0x4]  }
0x82: {  	[tilespmem:s3], [sflag:$0x7] =	stream.linear.gather [hbm4b:s4+s3], $0x80, $0x38;
	[tilespmem:$0x1C400] =	vst v63  }
0x83: {  	_ =	swait.ge [sflag:s6], $0x80  }
0x84: {  	[sflag:s6] =	ssyncset.done $0x0  }
0x85: {  	s26 =	rddreg [dreg:$0x5];
	[sflag:s6] =	ssyncadd.s32 $0xFFFFFF80  }
0x86: {  	[tilespmem:s7], [sflag:$0x7] =	stream.linear.gather [hbm4b:s26+s3], $0x80, $0x38;
	[tilespmem:$0x1C400] =	vst v63  }
0x87: {  	_ =	swait.ge [sflag:s6], $0x80  }
0x88: {  	[sflag:s6] =	ssyncset.done $0x0  }
0x89: {  	[sflag:s6] =	ssyncadd.s32 $0xFFFFFF80  }
0x8a: {  	[tilespmem:s5], [sflag:$0x5] =	stream.indirect.gather [hbm4b:s25+s7], $0x80, s3, s7, $0xb8;
	[tilespmem:$0x1C400] =	vst v63  }
0x8b: {  	s4 =	rddreg [dreg:$0x6]  }
0x8c: {  	[tilespmem:s8], [sflag:$0x2] =	stream.linear.gather [hbm4b:s4+s3], $0x80, $0x38;
	[tilespmem:$0x1C400] =	vst v63  }
0x8d: {  	s26 =	rddreg [dreg:$0x7]  }
0x8e: {  	[tilespmem:s9], [sflag:$0x2] =	stream.linear.gather [hbm4b:s26+s3], $0x80, $0x38;
	[tilespmem:$0x1C400] =	vst v63  }
0x8f: {  	s4 =	rddreg [dreg:$0x8]  }
0x90: {  	[tilespmem:s10], [sflag:$0x3] =	stream.linear.gather [hbm4b:s4+s3], $0x80, $0x38;
	[tilespmem:$0x1C400] =	vst v63  }
0x91: {  	s26 =	rddreg [dreg:$0x9]  }
0x92: {  	[tilespmem:s11], [sflag:$0x3] =	stream.linear.gather [hbm4b:s26+s3], $0x80, $0x38;
	[tilespmem:$0x1C400] =	vst v63  }
0x93: {  	s4 =	rddreg [dreg:$0xa]  }
0x94: {  	[tilespmem:s12], [sflag:$0x4] =	stream.linear.gather [hbm4b:s4+s3], $0x80, $0x38;
	[tilespmem:$0x1C400] =	vst v63  }
0x95: {  	s26 =	rddreg [dreg:$0xb]  }
0x96: {  	[tilespmem:s13], [sflag:$0x4] =	stream.linear.gather [hbm4b:s26+s3], $0x80, $0x38;
	[tilespmem:$0x1C400] =	vst v63  }
.LBB2_4:
0x97: {  	_ =	swait.ge [sflag:s14], $0x80  }
0x98: {  	[sflag:s14] =	ssyncset.done $0x0  }
0x99: {  	[sflag:s14] =	ssyncadd.s32 $0xFFFFFF80  }
0x9a: {  	_ =	swait.ge [sflag:s14], $0x80  }
0x9b: {  	[sflag:s14] =	ssyncset.done $0x0  }
0x9c: {  	[sflag:s14] =	ssyncadd.s32 $0xFFFFFF80  }
0x9d: {  	[tilespmem:s28], [sflag:$0x6] =	stream.indirect.gather [hbm4b:s25+s7], $0x80, s8, s7, $0xb8;
	[tilespmem:$0x1C400] =	vst v63  }
0x9e: {  	_ =	swait.ge [sflag:s29], $0x4000  }
0x9f: {  	[sflag:s29] =	ssyncset.done $0x0  }
0xa0: {  	[sflag:s29] =	ssyncadd.s32 $0xFFFFC000  }
0xa1: {  	[spmem:s22] =	stream.indirect.scatter.add.f32 [tilespmem:s5], [sflag:$0x7], $0x80, s7, s7, $0xb8;
	[tilespmem:$0x1C400] =	vst v63  }
0xa2: {  	_ =	swait.ge [sflag:s6], $0x4000  }
0xa3: {  	p0 =	seq.s32 s3, $0x4C0;
	[sflag:s6] =	ssyncset.done $0x0  }
0xa4: {  	s2 =	sadd.s32 @!p0 s3, s24;
	s4 =	simm.s32 @!p0 $0x0;
	[sflag:s6] =	ssyncadd.s32 $0xFFFFC000  }
0xa5: {  	[tilespmem:s4], [sflag:$0x1] =	stream.linear.gather @!p0 [hbm4b:s2+s4], $0x80, $0x38;
	[tilespmem:$0x1C400] =	vst v63  }
0xa6: {  	s26 =	simm.s32 @!p0 $0x80;
	s2 =	sadd.s32 @!p0 s3, s23  }
0xa7: {  	[tilespmem:s26], [sflag:$0x1] =	stream.linear.gather @!p0 [hbm4b:s2+s4], $0x80, $0x38;
	[tilespmem:$0x1C400] =	vst v63  }
0xa8: {  	_ =	swait.ge [sflag:s30], $0x80  }
0xa9: {  	[sflag:s30] =	ssyncset.done $0x0  }
0xaa: {  	[sflag:s30] =	ssyncadd.s32 $0xFFFFFF80  }
0xab: {  	_ =	swait.ge [sflag:s30], $0x80  }
0xac: {  	[sflag:s30] =	ssyncset.done $0x0  }
0xad: {  	[sflag:s30] =	ssyncadd.s32 $0xFFFFFF80  }
0xae: {  	[tilespmem:s5], [sflag:$0x5] =	stream.indirect.gather [hbm4b:s25+s7], $0x80, s10, s7, $0xb8;
	[tilespmem:$0x1C400] =	vst v63  }
0xaf: {  	_ =	swait.ge [sflag:s31], $0x4000  }
0xb0: {  	[sflag:s31] =	ssyncset.done $0x0  }
0xb1: {  	[sflag:s31] =	ssyncadd.s32 $0xFFFFC000  }
0xb2: {  	[spmem:s22] =	stream.indirect.scatter.add.f32 [tilespmem:s28], [sflag:$0x7], $0x80, s9, s7, $0xb8;
	[tilespmem:$0x1C400] =	vst v63  }
0xb3: {  	_ =	swait.ge [sflag:s6], $0x4000  }
0xb4: {  	[sflag:s6] =	ssyncset.done $0x0  }
0xb5: {  	s2 =	sadd.s32 @!p0 s3, s20;
	s26 =	simm.s32 @!p0 $0x100;
	[sflag:s6] =	ssyncadd.s32 $0xFFFFC000  }
0xb6: {  	[tilespmem:s26], [sflag:$0x2] =	stream.linear.gather @!p0 [hbm4b:s2+s4], $0x80, $0x38;
	[tilespmem:$0x1C400] =	vst v63  }
0xb7: {  	s2 =	sadd.s32 @!p0 s3, s19;
	s26 =	simm.s32 @!p0 $0x180  }
0xb8: {  	[tilespmem:s26], [sflag:$0x2] =	stream.linear.gather @!p0 [hbm4b:s2+s4], $0x80, $0x38;
	[tilespmem:$0x1C400] =	vst v63  }
0xb9: {  	_ =	swait.ge [sflag:s21], $0x80  }
0xba: {  	[sflag:s21] =	ssyncset.done $0x0  }
0xbb: {  	[sflag:s21] =	ssyncadd.s32 $0xFFFFFF80  }
0xbc: {  	_ =	swait.ge [sflag:s21], $0x80  }
0xbd: {  	[sflag:s21] =	ssyncset.done $0x0  }
0xbe: {  	[sflag:s21] =	ssyncadd.s32 $0xFFFFFF80  }
0xbf: {  	[tilespmem:s28], [sflag:$0x6] =	stream.indirect.gather [hbm4b:s25+s7], $0x80, s12, s7, $0xb8;
	[tilespmem:$0x1C400] =	vst v63  }
0xc0: {  	_ =	swait.ge [sflag:s29], $0x4000  }
0xc1: {  	[sflag:s29] =	ssyncset.done $0x0  }
.Ltmp3:
0xc2: {  	[sflag:s29] =	ssyncadd.s32 $0xFFFFC000;
	(pc) =	sbr.rel @p0 .LBB2_6-.Ltmp3, $4  }
0xc3: {  	[spmem:s22] =	stream.indirect.scatter.add.f32 [tilespmem:s5], [sflag:$0x7], $0x80, s11, s7, $0xb8;
	[tilespmem:$0x1C400] =	vst v63  }
0xc4: {  	_ =	swait.ge [sflag:s6], $0x4000  }
0xc5: {  	[sflag:s6] =	ssyncset.done $0x0  }
0xc6: {  	[sflag:s6] =	ssyncadd.s32 $0xFFFFC000  }
0xc7: {  	s2 =	sadd.s32 s3, s18  }
0xc8: {  	[tilespmem:s10], [sflag:$0x3] =	stream.linear.gather [hbm4b:s2+s1], $0x80, $0x38;
	[tilespmem:$0x1C400] =	vst v63  }
0xc9: {  	s26 =	sadd.s32 s3, s17  }
0xca: {  	[tilespmem:s11], [sflag:$0x3] =	stream.linear.gather [hbm4b:s26+s1], $0x80, $0x38;
	[tilespmem:$0x1C400] =	vst v63  }
0xcb: {  	_ =	swait.ge [sflag:s0], $0x80  }
0xcc: {  	[sflag:s0] =	ssyncset.done $0x0  }
0xcd: {  	[sflag:s0] =	ssyncadd.s32 $0xFFFFFF80  }
0xce: {  	_ =	swait.ge [sflag:s0], $0x80  }
0xcf: {  	[sflag:s0] =	ssyncset.done $0x0  }
0xd0: {  	[sflag:s0] =	ssyncadd.s32 $0xFFFFFF80  }
0xd1: {  	[tilespmem:s5], [sflag:$0x5] =	stream.indirect.gather [hbm4b:s25+s7], $0x80, s1, s7, $0xb8;
	[tilespmem:$0x1C400] =	vst v63  }
0xd2: {  	_ =	swait.ge [sflag:s31], $0x4000  }
0xd3: {  	[sflag:s31] =	ssyncset.done $0x0  }
0xd4: {  	[sflag:s31] =	ssyncadd.s32 $0xFFFFC000  }
0xd5: {  	[spmem:s22] =	stream.indirect.scatter.add.f32 [tilespmem:s28], [sflag:$0x7], $0x80, s13, s7, $0xb8;
	[tilespmem:$0x1C400] =	vst v63  }
0xd6: {  	_ =	swait.ge [sflag:s6], $0x4000  }
.Ltmp4:
0xd7: {  	[sflag:s6] =	ssyncset.done $0x0;
	(pc) =	sbr.rel .LBB2_4-.Ltmp4, $4  }
0xd8: {  	s4 =	sadd.s32 s3, s16;
	[sflag:s6] =	ssyncadd.s32 $0xFFFFC000  }
0xd9: {  	[tilespmem:s12], [sflag:$0x4] =	stream.linear.gather [hbm4b:s4+s1], $0x80, $0x38;
	[tilespmem:$0x1C400] =	vst v63  }
0xda: {  	s26 =	sadd.s32 s3, s15;
	s3 =	sadd.s32 $0x40, s3  }
0xdb: {  	[tilespmem:s13], [sflag:$0x4] =	stream.linear.gather [hbm4b:s26+s1], $0x80, $0x38;
	[tilespmem:$0x1C400] =	vst v63  }
.LBB2_7:
0xdc: {  	_ =	sfence.sel $0x180000  }
0xdd: {  	[bflag:$0x0] =	sbarrier.arrive $0xFFFF  }
0xde: {  	_ =	strace $0x9000004D  }
0xdf: {  	s0 =	stileid.u32;
	[bflag:$0x2] =	sbarrier.arrive $0xFFFF  }
0xe0: {  	p0 =	sne.s32 s0, $0x0;
	s0 =	rddreg [dreg:$0x3]  }
0xe1: {  	s0 =	sadd.s32 @!p0 $0x100000, s0  }
0xe2: {  	[sflag:s0] =	ssyncadd.tile.s32 @!p0 $0x1;
	_ =	shalt  }
.Lfunc_end2:
_tile_overlayer_lowered:
.L_overlay_start_2:
0xe3: {  	(tag) =	ssettag $0x2  }
0xe4: {  	s0 =	rddreg [dreg:$0x0];
	s2 =	stileid.u32  }
0xe5: {  	s1 =	rddreg [dreg:$0x1];
	p0 =	sne.s32 s2, $0x0  }
0xe6: {  	s3 =	rddreg [dreg:$0x2];
	[bflag:$0x3] =	sbarrier.arrive $0xFFFF;
	s2 =	simm.s32 @!p0 $0x1C07  }
0xe7: {  	[timem:s3], [sflag:s2] =	dma.local @!p0 [hbm:s0], s1  }
0xe8: {  	s0 =	simm.s32 @!p0 $0x7  }
0xe9: {  	_ =	swait.ge @!p0 [sflag:s0], s1  }
0xea: {  	s1 =	ssub.s32 @!p0 $0x0, s1;
	[sflag:s0] =	ssyncset.done @!p0 $0x0  }
0xeb: {  	[sflag:s0] =	ssyncadd.s32 @!p0 s1  }
0xec: {  	[bflag:$0x3] =	sbarrier.arrive $0xFFFF  }
0xed: {  	_ =	shalt  }

// kernel: kernel.8.cloned.1.call-start
scs
__scs_entry_jumppad:
0x0: {  	(pc) =	sbr.rel $0x88, $3  }
0x1: {  	(tag) =	ssettag $0x0;
	lr =	simm.s32 $0x1  }
0x2: {  	[smem:$0x3F98] =	sst lr;
	_ =	strace $0xD0000000  }
0x3: {  	_ = 	snop  }
0x4: {  	_ = 	snop  }
0x5: {  	_ = 	snop  }
0x6: {  	_ = 	snop  }
0x7: {  	_ = 	snop  }
__scs_overlays_trampoline_lowered:
0x8: {  	[smem:$0x3FA7] =	sst s0  }
0x9: {  	[smem:$0x3FA8] =	sst s1  }
0xa: {  	[smem:$0x3FA9] =	sst s2  }
0xb: {  	[smem:$0x3FAA] =	sst s3  }
0xc: {  	[smem:$0x3FAB] =	sst s4  }
0xd: {  	[smem:$0x3FAC] =	sst s5  }
0xe: {  	[smem:$0x3FAD] =	sst s6  }
0xf: {  	[smem:$0x3FAE] =	sst s7  }
0x10: {  	[smem:$0x3FAF] =	sst s8  }
0x11: {  	[smem:$0x3FB0] =	sst s9;
	s0 =	simm.s32 @!p0 $0x0  }
0x12: {  	s1 =	sld [smem:$0x3F96];
	s0 =	simm.s32 @p0 $0x1  }
0x13: {  	[smem:$0x3FB1] =	sst s0;
	s0 =	simm.s32 @!p1 $0x0  }
0x14: {  	s2 =	sld [smem:$0x3F95];
	s0 =	simm.s32 @p1 $0x1  }
0x15: {  	[smem:$0x3FB2] =	sst s0;
	s0 =	simm.s32 @!p2 $0x0  }
0x16: {  	s3 =	sld [smem:$0x3FDB];
	s0 =	simm.s32 @p2 $0x1  }
0x17: {  	s4 =	simm.s32 $0x1BF5;
	[smem:$0x3FB4] =	sst s0  }
0x18: {  	s0 =	sld [smem:$0x3F97];
	_ =	swait.ge [sflag:s4], $0x0  }
0x19: {  	s7 =	sld [smem:$0x3F98]  }
0x1a: {  	s8 =	sadd.s32 $0xFFFFE003, lr  }
0x1b: {  	s9 =	sadd.s32 $0xFFFFFEF7, lr;
	s5 =	simm.s32 $0xFFFFFFFF;
	p2 =	slt.u32 s8, $0xFFFFF086  }
0x1c: {  	p1 =	slt.u32 s9, $0xF7A;
	s5 =	simm.s32 @!p2 $0x0  }
0x1d: {  	s5 =	simm.s32 @p1 $0x1;
	p0 =	seq.s32 s7, s2  }
0x1e: {  	s7 =	smul.u32 @!p0 $0xF7A, s2;
	p2 =	seq.s32 @!p0 s5, $0x0  }
0x1f: {  	s9 =	smul.u32 $0xF7A, s1;
	s8 =	simm.s32 @!p0 $0x1BF5;
	p2 =	por !p2, p0  }
0x20: {  	[sflag:s8] =	ssyncset.s32 @!p0 $0xFFFFF086;
	s6 =	sadd.s32 @!p0 s3, s7;
	s7 =	simm.s32 @!p0 $0x108  }
0x21: {  	s3 =	sadd.s32 s3, s9;
	s6 =	sadd.s32 @!p0 $0x88, s6;
	s7 =	simm.s32 @p2 $0x1082  }
0x22: {  	[simem:s7], [sflag:s8] =	dma.local @!p0 [hbm:s6], $0xF7A  }
0x23: {  	s9 =	sor.u32 $0xD0000000, s2;
	s6 =	simm.s32 $0x108;
	_ =	swait.ge @!p0 [sflag:s8], $0x0  }
0x24: {  	s3 =	sadd.s32 $0x88, s3;
	s6 =	simm.s32 @!p1 $0x1082;
	[sflag:s4] =	ssyncset.s32 $0xFFFFF086  }
0x25: {  	[simem:s6], [sflag:s4] =	dma.local [hbm:s3], $0xF7A  }
0x26: {  	[smem:$0x3F98] =	sst s1;
	(tag) =	ssettag s2;
	_ =	strace s9  }
0x27: {  	s1 =	sld [smem:$0x3FA8]  }
0x28: {  	s2 =	sld [smem:$0x3FA9]  }
0x29: {  	s4 =	sld [smem:$0x3FAB]  }
0x2a: {  	p0 =	seq.s32 s5, $0x0;
	s5 =	sld [smem:$0x3FAC]  }
0x2b: {  	s6 =	sld [smem:$0x3FAD]  }
0x2c: {  	s7 =	sld [smem:$0x3FAE]  }
0x2d: {  	s3 =	simm.s32 $0x108;
	s8 =	sld [smem:$0x3FAF]  }
0x2e: {  	s3 =	simm.s32 @!p0 $0x1082;
	s9 =	sld [smem:$0x3FB0]  }
0x2f: {  	lr =	sadd.s32 s0, s3;
	s0 =	sld [smem:$0x3FA7]  }
0x30: {  	s3 =	sld [smem:$0x3FAA]  }
0x31: {  	[smem:$0x3FB3] =	sst s10  }
0x32: {  	s10 =	sld [smem:$0x3FB1];
	_ =	sdelay $0x3  }
0x33: {  	p0 =	seq.s32 s10, $0x1;
	s10 =	sld [smem:$0x3FB3];
	_ =	sdelay $0x3  }
0x34: {  	[smem:$0x3FB3] =	sst s10  }
0x35: {  	s10 =	sld [smem:$0x3FB2];
	_ =	sdelay $0x3  }
0x36: {  	p1 =	seq.s32 s10, $0x1;
	s10 =	sld [smem:$0x3FB3];
	_ =	sdelay $0x3  }
0x37: {  	[smem:$0x3FB3] =	sst s10  }
0x38: {  	s10 =	sld [smem:$0x3FB4]  }
0x39: {  	_ = 	snop;
	(pc) =	sbr.ind lr, $3  }
0x3a: {  	_ = 	snop  }
0x3b: {  	_ = 	snop  }
0x3c: {  	p2 =	seq.s32 s10, $0x1;
	s10 =	sld [smem:$0x3FB3]  }
0x3d: {  	_ =	shalt  }
0x3e: {  	_ =	shalt  }
0x3f: {  	_ =	shalt  }
0x40: {  	_ =	shalt  }
0x41: {  	_ =	shalt  }
0x42: {  	_ =	shalt  }
0x43: {  	_ =	shalt  }
0x44: {  	_ =	shalt  }
0x45: {  	_ =	shalt  }
0x46: {  	_ =	shalt  }
0x47: {  	_ =	shalt  }
0x48: {  	_ =	shalt  }
0x49: {  	_ =	shalt  }
0x4a: {  	_ =	shalt  }
0x4b: {  	_ =	shalt  }
0x4c: {  	_ =	shalt  }
0x4d: {  	_ =	shalt  }
0x4e: {  	_ =	shalt  }
0x4f: {  	_ =	shalt  }
0x50: {  	_ =	shalt  }
0x51: {  	_ =	shalt  }
0x52: {  	_ =	shalt  }
0x53: {  	_ =	shalt  }
0x54: {  	_ =	shalt  }
0x55: {  	_ =	shalt  }
0x56: {  	_ =	shalt  }
0x57: {  	_ =	shalt  }
0x58: {  	_ =	shalt  }
0x59: {  	_ =	shalt  }
0x5a: {  	_ =	shalt  }
0x5b: {  	_ =	shalt  }
0x5c: {  	_ =	shalt  }
0x5d: {  	_ =	shalt  }
0x5e: {  	_ =	shalt  }
0x5f: {  	_ =	shalt  }
0x60: {  	_ =	shalt  }
0x61: {  	_ =	shalt  }
0x62: {  	_ =	shalt  }
0x63: {  	_ =	shalt  }
0x64: {  	_ =	shalt  }
0x65: {  	_ =	shalt  }
0x66: {  	_ =	shalt  }
0x67: {  	_ =	shalt  }
0x68: {  	_ =	shalt  }
0x69: {  	_ =	shalt  }
0x6a: {  	_ =	shalt  }
0x6b: {  	_ =	shalt  }
0x6c: {  	_ =	shalt  }
0x6d: {  	_ =	shalt  }
0x6e: {  	_ =	shalt  }
0x6f: {  	_ =	shalt  }
0x70: {  	_ =	shalt  }
0x71: {  	_ =	shalt  }
0x72: {  	_ =	shalt  }
0x73: {  	_ =	shalt  }
0x74: {  	_ =	shalt  }
0x75: {  	_ =	shalt  }
0x76: {  	_ =	shalt  }
0x77: {  	_ =	shalt  }
0x78: {  	_ =	shalt  }
0x79: {  	_ =	shalt  }
0x7a: {  	_ =	shalt  }
0x7b: {  	_ =	shalt  }
0x7c: {  	_ =	shalt  }
0x7d: {  	_ =	shalt  }
0x7e: {  	_ =	shalt  }
0x7f: {  	_ =	shalt  }
0x80: {  	_ =	shalt  }
0x81: {  	_ =	shalt  }
0x82: {  	_ =	shalt  }
0x83: {  	_ =	shalt  }
0x84: {  	_ =	shalt  }
0x85: {  	_ =	shalt  }
0x86: {  	_ =	shalt  }
0x87: {  	_ =	shalt  }
.Lfunc_end0:
.L_simem_size_0:
called_computation_lowered:
.L_overlay_start_0:
0x88: {  	s2 =	sld [smem:$0x3FD9]  }
0x89: {  	s3 =	sld [smem:$0x3FFE];
	_ =	sdelay $0x1  }
0x8a: {  	s1 =	srdreg.scid  }
0x8b: {  	s0 =	sand.u32 $0x1, s1  }
0x8c: {  	s17 =	sshll.u32 s0, $0xA;
	s2 =	sadd.s32 s3, s2  }
0x8d: {  	s2 =	sadd.s32 s2, s17  }
0x8e: {  	[smem:$0x3FBF] =	sst s2  }
0x8f: {  	_ = 	snop  }
0x90: {  	s2 =	sld [smem:$0x3FD0];
	(tm) =	ssettm $0x1  }
0x91: {  	s18 =	sld [smem:$0x3FFB];
	_ =	sdelay $0x3  }
0x92: {  	_ =	strace s18  }
0x93: {  	s3 =	sld [smem:$0x3FFC];
	_ =	sdelay $0x3  }
0x94: {  	_ =	strace s3  }
0x95: {  	s3 =	sld [smem:$0x3FFD];
	_ =	sdelay $0x3  }
0x96: {  	_ =	strace s3  }
0x97: {  	_ =	strace $0x8FFFFFFF  }
0x98: {  	s19 =	sld [smem:$0x3FDB];
	_ =	sdelay $0x1  }
0x99: {  	s4 =	simm.s32 $_scs_section_size  }
0x9a: {  	s5 =	simm.s32 $_size__tile_overlayer_lowered;
	s6 =	simm.s32 $_tile_overlayer_lowered  }
0x9b: {  	s22 =	simm.s32 $0x1BFF;
	s21 =	sshll.u32 s6, $0x1;
	s3 =	sadd.s32 s4, s19  }
0x9c: {  	s7 =	simm.s32 $0x0;
	s20 =	sshll.u32 s5, $0x1;
	s5 =	sadd.s32 s21, s3  }
0x9d: {  	[timem:s7], [sflag:s22] =	dma.local [hbm:s5], s20  }
0x9e: {  	_ =	swait.ge [sflag:s22], s20  }
0x9f: {  	s4 =	ssub.s32 $0x0, s20;
	[sflag:s22] =	ssyncset.done $0x0  }
0xa0: {  	[sflag:s22] =	ssyncadd.s32 s4;
	_ =	sdelay $0x1  }
0xa1: {  	s23 =	simm.s32 $0x1B8B  }
0xa2: {  	_ =	swait.ge [sflag:s23], $0x1  }
0xa3: {  	[sflag:s23] =	ssyncset.done $0x0  }
0xa4: {  	s25 =	simm.s32 $0x1B8E;
	s24 =	sld [smem:$0x3FFE];
	[sflag:s23] =	ssyncadd.s32 $0xFFFFFFFF  }
0xa5: {  	s26 =	simm.s32 $execute0_lowered;
	[smem:$0x3FD2] =	sst s25  }
0xa6: {  	s5 =	sshll.u32 s26, $0x1;
	_ =	strace $0x80000046;
	[dreg:$0x1] =	wrdreg $0xFFFFFFFF  }
0xa7: {  	s28 =	simm.s32 $_size_execute0_lowered;
	s3 =	sadd.s32 s3, s5;
	[dreg:$0x0] =	wrdreg $0x0  }
0xa8: {  	s5 =	sshll.u32 s28, $0x1;
	[dreg:$0x2] =	wrdreg s3  }
0xa9: {  	[dreg:$0x3] =	wrdreg s5  }
0xaa: {  	[dreg:$0x4] =	wrdreg $0xC0  }
0xab: {  	_ =	task [dreg:s7], $0x5FFFF  }
0xac: {  	[dreg:$0x1] =	wrdreg $0xFFFFFFFF  }
0xad: {  	[dreg:$0x0] =	wrdreg $0x60  }
0xae: {  	[dreg:$0x2] =	wrdreg s2  }
0xaf: {  	[dreg:$0x3] =	wrdreg s24  }
0xb0: {  	[dreg:$0x4] =	wrdreg $0x41000  }
0xb1: {  	[dreg:$0x5] =	wrdreg $0x9  }
0xb2: {  	_ =	task.clear_ibuf [dreg:s7], $0x6FFFF;
	_ =	strace $0x90000046  }
0xb3: {  	s29 =	simm.s32 $0x9;
	_ =	strace $0x80000048  }
0xb4: {  	_ =	swait.ge [sflag:s29], $0x1  }
0xb5: {  	[sflag:s29] =	ssyncadd.s32 $0xFFFFFFFF  }
0xb6: {  	_ =	strace $0x90000048  }
0xb7: {  	_ =	sfence  }
0xb8: {  	s30 =	sld [smem:$0x0];
	_ =	sdelay $0x2  }
0xb9: {  	s31 =	sshll.u32 s1, $0xD;
	s1 =	sshrl.u32 s1, $0x2  }
0xba: {  	s3 =	sand.u32 $0x4000, s31;
	s1 =	sadd.s32 s1, s30  }
0xbb: {  	s0 =	sor.u32 s3, s0;
	s1 =	sshll.u32 s1, $0x11  }
0xbc: {  	s0 =	sor.u32 s1, s0  }
0xbd: {  	s0 =	sadd.s32 $0x8F2B, s0  }
0xbe: {  	[sflag:s0] =	ssyncadd.remote.s32 $0x1  }
0xbf: {  	_ =	sfence.sel $0xFFFF  }
0xc0: {  	[dreg:$0x0] =	wrdreg $0xFFFFFFFF;
	(pc) =	sbr.abs _section_cstart, $3  }
0xc1: {  	[dreg:$0x1] =	wrdreg $0xFFFFFFFF  }
0xc2: {  	_ =	task.clear_ibuf [dreg:s7], $0x2FFFF;
	_ =	strace $0x9FFFFFFF  }
0xc3: {  	(tm) =	ssettm $0x7FFFFFFF  }
tec
execute0_lowered:
.L_overlay_start_1:
0x0: {  	(tag) =	ssettag $0x1  }
0x1: {  	s0 =	rddreg [dreg:$0x0]  }
0x2: {  	s4 =	rddreg [dreg:$0x1]  }
0x3: {  	s2 =	rddreg [dreg:$0x2];
	s5 =	srdreg.scid  }
0x4: {  	s1 =	stileid.u32;
	s3 =	simm.s32 $0x0;
	s28 =	simm.s32 $0x2  }
0x5: {  	s29 =	simm.s32 $0x0;
	s17 =	sand.u32 $0x1, s5;
	s7 =	smul.u32 $0x50000, s1  }
0x6: {  	s22 =	sshll.u32 s1, $0x1;
	[smem:$0x7FF] =	sst s3;
	s18 =	smul.u32 $0x14000, s1  }
0x7: {  	s20 =	sadd.s32 $0x3600, s4;
	s5 =	sor.u32 s17, s22;
	s21 =	smul.u32 $0x140000, s17  }
0x8: {  	_ =	strace $0x80000047;
	s6 =	ssub.s32 $0x2, s17;
	s22 =	smul.u32 $0x5000, s1  }
0x9: {  	s5 =	smul.u32 $0x2800, s5;
	s23 =	sshrl.u32 s6, $0x1;
	s25 =	sshrl.u32 s7, $0x2  }
0xa: {  	s13 =	sadd.s32 $0x4000, s18;
	s16 =	sadd.s32 $0x8000, s18;
	s19 =	sadd.s32 $0xC000, s18  }
0xb: {  	s30 =	sadd.s32 $0x10000, s18;
	s8 =	ssub.s32 s6, s23;
	s11 =	sadd.s32 s21, s18  }
0xc: {  	s14 =	sadd.s32 s21, s13;
	s13 =	sadd.s32 s13, s2;
	s15 =	sadd.s32 s16, s2  }
0xd: {  	s16 =	sadd.s32 s21, s16;
	s23 =	sadd.s32 s21, s19;
	s21 =	sadd.s32 s21, s30  }
0xe: {  	s24 =	sshrl.u32 s5, $0x3;
	s5 =	sadd.s32 s25, s2;
	s7 =	smax.u32 s8, $0x1  }
0xf: {  	s12 =	sshrl.u32 s11, $0x3;
	s14 =	sshrl.u32 s14, $0x3;
	s16 =	sshrl.u32 s16, $0x3  }
0x10: {  	s26 =	sshrl.u32 s23, $0x3;
	s21 =	sshrl.u32 s21, $0x3;
	s25 =	simm.s32 $0x80  }
0x11: {  	s4 =	sadd.s32 s0, s24;
	s8 =	sadd.s32 $0x4000, s5;
	s9 =	sadd.s32 $0x8000, s5  }
0x12: {  	s10 =	sadd.s32 $0xC000, s5;
	s11 =	sadd.s32 $0x10000, s5;
	s12 =	sadd.s32 s20, s12  }
0x13: {  	s14 =	sadd.s32 s20, s14;
	s16 =	sadd.s32 s20, s16;
	s24 =	smul.u32 $0x2800, s17  }
0x14: {  	s17 =	sadd.s32 s19, s2;
	s18 =	sadd.s32 s20, s26;
	s19 =	sadd.s32 s30, s2  }
0x15: {  	s20 =	sadd.s32 s20, s21;
	s26 =	simm.s32 $0x1;
	s22 =	sadd.s32 s24, s22  }
0x16: {  	s6 =	sadd.s32 $0x10, s4;
	s31 =	sor.u32 $0x180, s22;
	s22 =	sor.u32 $0x100, s22  }
0x17: {  	s24 =	simm.s32 $0x3;
	s23 =	sshrl.u32 s31, $0x3;
	s22 =	sshrl.u32 s22, $0x3  }
0x18: {  	v0 =	vimm.f32 $0.0e+00;
	v1 =	vimm.f32 $1.000000000e+00;
	s21 =	sadd.s32 s23, s0;
	s22 =	sadd.s32 s22, s0;
	s23 =	simm.s32 $0x100  }
.LBB2_1:
0x19: {  	s0 =	sand.u32 $0xFE00, s3  }
0x1a: {  	s31 =	sand.u32 $0x70, s3;
	s0 =	sshrl.u32 s0, $0x2  }
0x1b: {  	s30 =	simm.s32 $0x40;
	s0 =	sor.u32 s31, s0;
	s31 =	simm.s32 $0x0  }
.LBB2_2:
0x1c: {  	p0 =	sne.s32 s30, $0xFFC0  }
0x1d: {  	[tilespmem:s0+$0x100] =	vst v0;
	s31 =	sadd.s32 $0x10, s31;
	s0 =	smov.u32 s30;
	s30 =	sadd.s32 $0x40, s30  }
.Ltmp0:
0x1e: {  	(pc) =	sbr.rel @p0 .LBB2_2-.Ltmp0, $4  }
0x1f: {  	_ = 	snop  }
0x20: {  	s0 =	sand.u32 $0xFE00, s0  }
0x21: {  	s1 =	sand.u32 $0x70, s31;
	s0 =	sshrl.u32 s0, $0x2  }
0x22: {  	s0 =	sor.u32 s1, s0  }
0x23: {  	[tilespmem:s0+$0x100] =	vst v0  }
0x24: {  	[spmem:s5] =	stream.linear.scatter [tilespmem:s23], [sflag:$0x3], $0x4000, $0x38;
	[tilespmem:$0x18100] =	vst v63  }
0x25: {  	_ =	swait.ge [sflag:s24], $0x4000  }
0x26: {  	[sflag:s24] =	ssyncset.done $0x0  }
0x27: {  	[sflag:s24] =	ssyncadd.s32 $0xFFFFC000  }
0x28: {  	[spmem:s8] =	stream.linear.scatter [tilespmem:s23], [sflag:$0x3], $0x4000, $0x38;
	[tilespmem:$0x18100] =	vst v63  }
0x29: {  	_ =	swait.ge [sflag:s24], $0x4000  }
0x2a: {  	[sflag:s24] =	ssyncset.done $0x0  }
0x2b: {  	[sflag:s24] =	ssyncadd.s32 $0xFFFFC000  }
0x2c: {  	[spmem:s9] =	stream.linear.scatter [tilespmem:s23], [sflag:$0x3], $0x4000, $0x38;
	[tilespmem:$0x18100] =	vst v63  }
0x2d: {  	_ =	swait.ge [sflag:s24], $0x4000  }
0x2e: {  	[sflag:s24] =	ssyncset.done $0x0  }
0x2f: {  	[sflag:s24] =	ssyncadd.s32 $0xFFFFC000  }
0x30: {  	[spmem:s10] =	stream.linear.scatter [tilespmem:s23], [sflag:$0x3], $0x4000, $0x38;
	[tilespmem:$0x18100] =	vst v63  }
0x31: {  	_ =	swait.ge [sflag:s24], $0x4000  }
0x32: {  	[sflag:s24] =	ssyncset.done $0x0  }
0x33: {  	s30 =	simm.s32 $0x0;
	[sflag:s24] =	ssyncadd.s32 $0xFFFFC000  }
0x34: {  	[spmem:s11] =	stream.linear.scatter [tilespmem:s23], [sflag:$0x3], $0x4000, $0x38;
	[tilespmem:$0x18100] =	vst v63  }
0x35: {  	s0 =	sand.u32 $0xFE00, s30;
	_ =	swait.ge [sflag:s24], $0x4000  }
0x36: {  	s1 =	sand.u32 $0x70, s30;
	s0 =	sshrl.u32 s0, $0x2;
	[sflag:s24] =	ssyncset.done $0x0  }
0x37: {  	s31 =	simm.s32 $0x40;
	s0 =	sor.u32 s1, s0;
	[sflag:s24] =	ssyncadd.s32 $0xFFFFC000  }
.LBB2_4:
0x38: {  	p0 =	sne.s32 s31, $0xFFC0  }
0x39: {  	[tilespmem:s0+$0x100] =	vst v1;
	s30 =	sadd.s32 $0x10, s30;
	s0 =	smov.u32 s31;
	s31 =	sadd.s32 $0x40, s31  }
.Ltmp1:
0x3a: {  	(pc) =	sbr.rel @p0 .LBB2_4-.Ltmp1, $4  }
0x3b: {  	_ = 	snop  }
0x3c: {  	s0 =	sand.u32 $0xFE00, s0  }
0x3d: {  	s1 =	sand.u32 $0x70, s30;
	s0 =	sshrl.u32 s0, $0x2  }
0x3e: {  	s0 =	sor.u32 s1, s0  }
0x3f: {  	[tilespmem:s0+$0x100] =	vst v1  }
0x40: {  	s1 =	simm.s32 $0x0;
	[bflag:$0x0] =	sbarrier.arrive $0xFFFF  }
0x41: {  	[tilespmem:s1], [sflag:$0x1] =	stream.linear.gather [hbm4b:s4+s1], $0x80, $0x38;
	[tilespmem:$0x18100] =	vst v63  }
0x42: {  	_ = 	snop  }
0x43: {  	[tilespmem:s25], [sflag:$0x2] =	stream.linear.gather [hbm4b:s6+s1], $0x80, $0x38;
	[tilespmem:$0x18100] =	vst v63  }
0x44: {  	_ =	swait.ge [sflag:s26], $0x80  }
0x45: {  	[sflag:s26] =	ssyncset.done $0x0  }
0x46: {  	[sflag:s26] =	ssyncadd.s32 $0xFFFFFF80  }
0x47: {  	[spmem:s2] =	stream.indirect.scatter.add.f32 [tilespmem:s23], [sflag:$0x3], $0x80, s3, s25, $0xb8;
	[tilespmem:$0x18100] =	vst v63  }
0x48: {  	_ =	swait.ge [sflag:s24], $0x4000  }
0x49: {  	[sflag:s24] =	ssyncset.done $0x0  }
0x4a: {  	s31 =	sadd.s32 $0x0, s22;
	[sflag:s24] =	ssyncadd.s32 $0xFFFFC000  }
0x4b: {  	[tilespmem:s3], [sflag:$0x1] =	stream.linear.gather [hbm4b:s31+s3], $0x80, $0x38;
	[tilespmem:$0x18100] =	vst v63  }
0x4c: {  	_ =	swait.ge [sflag:s28], $0x80  }
0x4d: {  	[sflag:s28] =	ssyncset.done $0x0  }
0x4e: {  	[sflag:s28] =	ssyncadd.s32 $0xFFFFFF80  }
0x4f: {  	[spmem:s2] =	stream.indirect.scatter.add.f32 [tilespmem:s23], [sflag:$0x3], $0x80, s25, s25, $0xb8;
	[tilespmem:$0x18100] =	vst v63  }
0x50: {  	_ =	swait.ge [sflag:s24], $0x4000  }
0x51: {  	[sflag:s24] =	ssyncset.done $0x0  }
0x52: {  	s30 =	simm.s32 $0x20;
	s0 =	sadd.s32 $0x0, s21;
	[sflag:s24] =	ssyncadd.s32 $0xFFFFC000  }
.LBB2_6:
0x53: {  	[tilespmem:s25], [sflag:$0x2] =	stream.linear.gather [hbm4b:s0+s3], $0x80, $0x38;
	[tilespmem:$0x18100] =	vst v63  }
0x54: {  	s0 =	smov.u32 s30  }
0x55: {  	p0 =	sne.s32 s30, $0x4C0;
	s30 =	sadd.s32 $0x20, s30;
	_ =	swait.ge [sflag:s26], $0x80  }
0x56: {  	[sflag:s26] =	ssyncset.done $0x0  }
0x57: {  	[sflag:s26] =	ssyncadd.s32 $0xFFFFFF80  }
0x58: {  	[spmem:s2] =	stream.indirect.scatter.add.f32 [tilespmem:s23], [sflag:$0x3], $0x80, s3, s25, $0xb8;
	[tilespmem:$0x18100] =	vst v63  }
0x59: {  	_ =	swait.ge [sflag:s24], $0x4000  }
0x5a: {  	[sflag:s24] =	ssyncset.done $0x0  }
0x5b: {  	s1 =	sadd.s32 s0, s22;
	[sflag:s24] =	ssyncadd.s32 $0xFFFFC000  }
0x5c: {  	[tilespmem:s3], [sflag:$0x1] =	stream.linear.gather [hbm4b:s1+s3], $0x80, $0x38;
	[tilespmem:$0x18100] =	vst v63  }
0x5d: {  	_ =	swait.ge [sflag:s28], $0x80  }
0x5e: {  	[sflag:s28] =	ssyncset.done $0x0  }
.Ltmp2:
0x5f: {  	[sflag:s28] =	ssyncadd.s32 $0xFFFFFF80;
	(pc) =	sbr.rel @p0 .LBB2_6-.Ltmp2, $4  }
0x60: {  	[spmem:s2] =	stream.indirect.scatter.add.f32 [tilespmem:s23], [sflag:$0x3], $0x80, s25, s25, $0xb8;
	[tilespmem:$0x18100] =	vst v63  }
0x61: {  	_ =	swait.ge [sflag:s24], $0x4000  }
0x62: {  	[sflag:s24] =	ssyncset.done $0x0  }
0x63: {  	s0 =	sadd.s32 s0, s21;
	[sflag:s24] =	ssyncadd.s32 $0xFFFFC000  }
0x64: {  	[tilespmem:s25], [sflag:$0x2] =	stream.linear.gather [hbm4b:s0+s3], $0x80, $0x38;
	[tilespmem:$0x18100] =	vst v63  }
0x65: {  	_ =	swait.ge [sflag:s26], $0x80  }
0x66: {  	[sflag:s26] =	ssyncset.done $0x0  }
0x67: {  	[sflag:s26] =	ssyncadd.s32 $0xFFFFFF80  }
0x68: {  	[spmem:s2] =	stream.indirect.scatter.add.f32 [tilespmem:s23], [sflag:$0x3], $0x80, s3, s25, $0xb8;
	[tilespmem:$0x18100] =	vst v63  }
0x69: {  	_ =	swait.ge [sflag:s24], $0x4000  }
0x6a: {  	[sflag:s24] =	ssyncset.done $0x0  }
0x6b: {  	[sflag:s24] =	ssyncadd.s32 $0xFFFFC000  }
0x6c: {  	_ =	swait.ge [sflag:s28], $0x80  }
0x6d: {  	[sflag:s28] =	ssyncset.done $0x0  }
0x6e: {  	[sflag:s28] =	ssyncadd.s32 $0xFFFFFF80  }
0x6f: {  	[spmem:s2] =	stream.indirect.scatter.add.f32 [tilespmem:s23], [sflag:$0x3], $0x80, s25, s25, $0xb8;
	[tilespmem:$0x18100] =	vst v63  }
0x70: {  	_ =	swait.ge [sflag:s24], $0x4000  }
0x71: {  	[sflag:s24] =	ssyncset.done $0x0  }
0x72: {  	[sflag:s24] =	ssyncadd.s32 $0xFFFFC000  }
0x73: {  	[bflag:$0x0] =	sbarrier.arrive $0xFFFF  }
0x74: {  	[tilespmem:s23], [sflag:$0x3] =	stream.linear.gather [spmem:s5], $0x4000, $0x38;
	[tilespmem:$0x18100] =	vst v63  }
0x75: {  	_ =	swait.ge [sflag:s24], $0x4000  }
0x76: {  	[sflag:s24] =	ssyncset.done $0x0  }
0x77: {  	[sflag:s24] =	ssyncadd.s32 $0xFFFFC000  }
0x78: {  	[hbm4b:s12+s3] =	stream.linear.scatter [tilespmem:s23], [sflag:$0x3], $0x4000, $0x38;
	[tilespmem:$0x18100] =	vst v63  }
0x79: {  	_ =	swait.ge [sflag:s24], $0x4000  }
0x7a: {  	[sflag:s24] =	ssyncset.done $0x0  }
0x7b: {  	[sflag:s24] =	ssyncadd.s32 $0xFFFFC000  }
0x7c: {  	[tilespmem:s23], [sflag:$0x3] =	stream.linear.gather [spmem:s13], $0x4000, $0x38;
	[tilespmem:$0x18100] =	vst v63  }
0x7d: {  	_ =	swait.ge [sflag:s24], $0x4000  }
0x7e: {  	[sflag:s24] =	ssyncset.done $0x0  }
0x7f: {  	[sflag:s24] =	ssyncadd.s32 $0xFFFFC000  }
0x80: {  	[hbm4b:s14+s3] =	stream.linear.scatter [tilespmem:s23], [sflag:$0x3], $0x4000, $0x38;
	[tilespmem:$0x18100] =	vst v63  }
0x81: {  	_ =	swait.ge [sflag:s24], $0x4000  }
0x82: {  	[sflag:s24] =	ssyncset.done $0x0  }
0x83: {  	[sflag:s24] =	ssyncadd.s32 $0xFFFFC000  }
0x84: {  	[tilespmem:s23], [sflag:$0x3] =	stream.linear.gather [spmem:s15], $0x4000, $0x38;
	[tilespmem:$0x18100] =	vst v63  }
0x85: {  	_ =	swait.ge [sflag:s24], $0x4000  }
0x86: {  	[sflag:s24] =	ssyncset.done $0x0  }
0x87: {  	[sflag:s24] =	ssyncadd.s32 $0xFFFFC000  }
0x88: {  	[hbm4b:s16+s3] =	stream.linear.scatter [tilespmem:s23], [sflag:$0x3], $0x4000, $0x38;
	[tilespmem:$0x18100] =	vst v63  }
0x89: {  	_ =	swait.ge [sflag:s24], $0x4000  }
0x8a: {  	[sflag:s24] =	ssyncset.done $0x0  }
0x8b: {  	[sflag:s24] =	ssyncadd.s32 $0xFFFFC000  }
0x8c: {  	[tilespmem:s23], [sflag:$0x3] =	stream.linear.gather [spmem:s17], $0x4000, $0x38;
	[tilespmem:$0x18100] =	vst v63  }
0x8d: {  	_ =	swait.ge [sflag:s24], $0x4000  }
0x8e: {  	[sflag:s24] =	ssyncset.done $0x0  }
0x8f: {  	[sflag:s24] =	ssyncadd.s32 $0xFFFFC000  }
0x90: {  	[hbm4b:s18+s3] =	stream.linear.scatter [tilespmem:s23], [sflag:$0x3], $0x4000, $0x38;
	[tilespmem:$0x18100] =	vst v63  }
0x91: {  	_ =	swait.ge [sflag:s24], $0x4000  }
0x92: {  	[sflag:s24] =	ssyncset.done $0x0  }
0x93: {  	[sflag:s24] =	ssyncadd.s32 $0xFFFFC000  }
0x94: {  	[tilespmem:s23], [sflag:$0x3] =	stream.linear.gather [spmem:s19], $0x4000, $0x38;
	[tilespmem:$0x18100] =	vst v63  }
0x95: {  	s29 =	sadd.s32 $0x1, s29;
	_ =	swait.ge [sflag:s24], $0x4000  }
0x96: {  	p0 =	sne.s32 s29, s7;
	[sflag:s24] =	ssyncset.done $0x0  }
.Ltmp3:
0x97: {  	[sflag:s24] =	ssyncadd.s32 $0xFFFFC000;
	(pc) =	sbr.rel @p0 .LBB2_1-.Ltmp3, $4  }
0x98: {  	[hbm4b:s20+s3] =	stream.linear.scatter [tilespmem:s23], [sflag:$0x3], $0x4000, $0x38;
	[tilespmem:$0x18100] =	vst v63  }
0x99: {  	_ =	swait.ge [sflag:s24], $0x4000  }
0x9a: {  	[sflag:s24] =	ssyncset.done $0x0  }
0x9b: {  	[sflag:s24] =	ssyncadd.s32 $0xFFFFC000  }
0x9c: {  	_ =	sfence.sel $0x180000  }
0x9d: {  	[bflag:$0x0] =	sbarrier.arrive $0xFFFF  }
0x9e: {  	_ =	strace $0x90000047  }
0x9f: {  	s0 =	stileid.u32;
	[bflag:$0x2] =	sbarrier.arrive $0xFFFF  }
0xa0: {  	p0 =	sne.s32 s0, $0x0;
	s0 =	rddreg [dreg:$0x3]  }
0xa1: {  	s0 =	sadd.s32 @!p0 $0x100000, s0  }
0xa2: {  	[sflag:s0] =	ssyncadd.tile.s32 @!p0 $0x1;
	_ =	shalt  }
.Lfunc_end2:
_tile_overlayer_lowered:
.L_overlay_start_2:
0xa3: {  	(tag) =	ssettag $0x2  }
0xa4: {  	s0 =	rddreg [dreg:$0x0];
	s2 =	stileid.u32  }
0xa5: {  	s1 =	rddreg [dreg:$0x1];
	p0 =	sne.s32 s2, $0x0  }
0xa6: {  	s3 =	rddreg [dreg:$0x2];
	[bflag:$0x3] =	sbarrier.arrive $0xFFFF;
	s2 =	simm.s32 @!p0 $0x1C03  }
0xa7: {  	[timem:s3], [sflag:s2] =	dma.local @!p0 [hbm:s0], s1  }
0xa8: {  	s0 =	simm.s32 @!p0 $0x3  }
0xa9: {  	_ =	swait.ge @!p0 [sflag:s0], s1  }
0xaa: {  	s1 =	ssub.s32 @!p0 $0x0, s1;
	[sflag:s0] =	ssyncset.done @!p0 $0x0  }
0xab: {  	[sflag:s0] =	ssyncadd.s32 @!p0 s1  }
0xac: {  	[bflag:$0x3] =	sbarrier.arrive $0xFFFF  }
0xad: {  	_ =	shalt  }

</sc_bundles>
